<compile_context>
chip_gen: v7x
topology: tpu7x:2x2x1
jax: 0.10.2.dev20260603
libtpu: 0.0.44.dev20260713+nightly
codegen_flags: <defaults>
</compile_context>

<pallas_src>
import functools

import jax
import jax.numpy as jnp
from jax import lax
from jax.experimental import pallas as pl
from jax.experimental.pallas import tpu as pltpu
from jax.experimental.pallas import tpu_sc as plsc

_BATCH = 4096
_SEQ_LEN = 200
_EMBED_DIM = 64

_NUM_CORES = 2
_NUM_SUBCORES = 16
_NW = _NUM_CORES * _NUM_SUBCORES
_LB = _BATCH // _NW
_ET = _EMBED_DIM // 8
_L = 16
_IDS_PER_W = _LB * _SEQ_LEN
_TSTRIDE = _EMBED_DIM + 1
_TBL = _SEQ_LEN * _TSTRIDE
_TBL_SL = _TBL - (_EMBED_DIM - 8)

_mesh = plsc.VectorSubcoreMesh(core_axis_name="c", subcore_axis_name="s")


@functools.partial(
    pl.kernel,
    mesh=_mesh,
    out_type=jax.ShapeDtypeStruct((_SEQ_LEN, _ET, _NW, 1024), jnp.float32),
    scratch_types=[
        pltpu.VMEM((_IDS_PER_W,), jnp.int32),
        pltpu.VMEM((_IDS_PER_W,), jnp.int32),
        pltpu.VMEM((_TBL,), jnp.float32),
        pltpu.VMEM((_ET, 1024), jnp.float32),
        pltpu.VMEM((_ET, 1024), jnp.float32),
        pltpu.SemaphoreType.DMA,
        pltpu.SemaphoreType.DMA,
    ],
    compiler_params=pltpu.CompilerParams(
        use_tc_tiling_on_sc=False, needs_layout_passes=False
    ),
)
def _emb_lookup(ids_hbm, table_hbm, out_hbm, ids_v, idsT_v, table_v,
                buf0, buf1, wsem0, wsem1):
    wid = lax.axis_index("s") * _NUM_CORES + lax.axis_index("c")
    pltpu.sync_copy(ids_hbm.at[pl.ds(wid * _IDS_PER_W, _IDS_PER_W)], ids_v)
    pltpu.sync_copy(table_hbm, table_v)

    iota_s = lax.iota(jnp.int32, _L) * _SEQ_LEN

    @plsc.parallel_loop(0, _SEQ_LEN, unroll=2)
    def _transpose(s):
        gathered = [
            plsc.load_gather(ids_v, [iota_s + (g * _L * _SEQ_LEN + s)])
            for g in range(_LB // _L)
        ]
        for g in range(_LB // _L):
            idsT_v[pl.ds(s * _LB + g * _L, _L)] = gathered[g] * _TSTRIDE

    def unit(s, bufb):
        @plsc.parallel_loop(0, _LB // _L, unroll=4)
        def _groups(g):
            ids64 = idsT_v[pl.ds(s * _LB + g * _L, _L)]
            ids64_ei = [ids64 + ei for ei in range(8)]
            for et in range(_ET):
                tbl_et = table_v.at[pl.ds(et * 8, _TBL_SL)]
                vals = [
                    plsc.load_gather(tbl_et, [ids64_ei[ei]]) for ei in range(8)
                ]
                for ei in range(8):
                    bufb[et, pl.ds(ei * 128 + g * _L, _L)] = vals[ei]

    def fire_write(s, bufb, wsem):
        pltpu.async_copy(bufb, out_hbm.at[s, :, wid], wsem)

    def wait_write(bufb, wsem):
        pltpu.make_async_copy(bufb, out_hbm.at[0, :, wid], wsem).wait()

    def pair_body(k, carry):
        s0 = 2 * k

        @pl.when(k > 0)
        def _():
            wait_write(buf0, wsem0)

        unit(s0, buf0)
        fire_write(s0, buf0, wsem0)

        @pl.when(k > 0)
        def _():
            wait_write(buf1, wsem1)

        unit(s0 + 1, buf1)
        fire_write(s0 + 1, buf1, wsem1)
        return carry

    lax.fori_loop(0, _SEQ_LEN // 2, pair_body, 0)
    wait_write(buf0, wsem0)
    wait_write(buf1, wsem1)


def kernel(segment_ids, table):
    ids_flat = segment_ids.reshape(_BATCH * _SEQ_LEN)
    table_flat = jnp.pad(table, ((0, 0), (0, 1))).reshape(_TBL)
    out5 = _emb_lookup(ids_flat, table_flat)
    out = out5.reshape(_SEQ_LEN, _ET, _NW, 8, 128)
    out = out.transpose(2, 4, 0, 1, 3)
    return out.reshape(_BATCH, _SEQ_LEN, _EMBED_DIM)

# --- scband reference (transcript-rebuilt; emitter-appended) ---
"""Pipeline reference for scband-segment-embedding-73100343377950 (READ-ONLY COPY).

The authoritative reference and input builder live on the scoring server;
editing this copy changes nothing except your own understanding.
"""

import jax, jax.numpy as jnp
import numpy as np

BATCH = 4096
SEQ_LEN = 200
EMBED_DIM = 64

def setup_inputs(seed: int = 0) -> dict:
    key = jax.random.key(seed)
    k1, k2 = jax.random.split(key)
    # segment ids are non-decreasing along the sequence axis (mimics '[SEP]'-delimited segments)
    segment_ids = jnp.sort(jax.random.randint(k1, (BATCH, SEQ_LEN), 0, SEQ_LEN), axis=-1)
    # learned segment embedding table: nn.Embedding(seq_len, embedding_dim)
    table = jax.random.normal(k2, (SEQ_LEN, EMBED_DIM), dtype=jnp.float32) * 0.02
    return {"segment_ids": segment_ids, "table": table}

def reference(segment_ids, table):
    # Faithful core of SegmentEmbedding.forward: embedding lookup of per-token segment ids
    # (string tokenization replaced by a precomputed segment-id tensor).
    return jnp.take(table, segment_ids, axis=0)

if __name__ == "__main__":
    import jax
    _d = setup_inputs()
    print(jax.jit(kernel)(*tuple(_d.values())))

</pallas_src>

<mosaic_0001>
#map = affine_map<(d0, d1) -> (0)>
#map1 = affine_map<(d0, d1) -> (0, 0, 0, 0)>
module attributes {stable_mosaic.version = 14 : i64} {
  func.func @_emb_lookup(%arg0: i32, %arg1: i32, %arg2: memref<819200xi32, #tpu.memory_space<hbm>>, %arg3: memref<13000xf32, #tpu.memory_space<hbm>>, %arg4: memref<200x8x32x1024xf32, #tpu.memory_space<hbm>>, %arg5: memref<25600xi32, #tpu.memory_space<vmem>>, %arg6: memref<25600xi32, #tpu.memory_space<vmem>>, %arg7: memref<13000xf32, #tpu.memory_space<vmem>>, %arg8: memref<8x1024xf32, #tpu.memory_space<vmem>>, %arg9: memref<8x1024xf32, #tpu.memory_space<vmem>>, %arg10: memref<!tpu.dma_semaphore, #tpu.memory_space<semaphore_mem>>, %arg11: memref<!tpu.dma_semaphore, #tpu.memory_space<semaphore_mem>>) attributes {dimension_semantics = [#tpu.dimension_semantics<core_parallel>, #tpu.dimension_semantics<subcore_parallel>], iteration_bounds = array<i64: 2, 16>, scalar_prefetch = 0 : i64, scratch_operands = 7 : i64, tpu.core_type = #tpu.core_type<sc_vector_subcore>, window_params = [{transform_indices = #map}, {transform_indices = #map}, {transform_indices = #map1}]} {
    %mul3A = arith.constant 2 : i32
    %mul3A_0 = arith.muli %arg1, %mul3A : i32
    %add3A = arith.addi %mul3A_0, %arg0 : i32
    %mul3A_1 = arith.constant 25600 : i32
    %mul3A_2 = arith.muli %add3A, %mul3A_1 : i32
    "tpu.region"() ({
      %run_scoped3A = tpu.sem_alloc : memref<!tpu.dma_semaphore, #tpu.memory_space<semaphore_mem>>
      %dma_start3A = tpu.memref_slice %arg2[%mul3A_2] : memref<819200xi32, #tpu.memory_space<hbm>> -> memref<25600xi32, #tpu.memory_space<hbm>>
      %dma_start3A_30 = tpu.memref_slice %arg2[%mul3A_2] : memref<819200xi32, #tpu.memory_space<hbm>> -> memref<25600xi32, #tpu.memory_space<hbm>>
      tpu.enqueue_dma source(%dma_start3A_30 : memref<25600xi32, #tpu.memory_space<hbm>>) target(%arg5 : memref<25600xi32, #tpu.memory_space<vmem>>) target_semaphore(%run_scoped3A : memref<!tpu.dma_semaphore, #tpu.memory_space<semaphore_mem>>)
      %dma_wait3A_31 = tpu.memref_slice %arg2[%mul3A_2] : memref<819200xi32, #tpu.memory_space<hbm>> -> memref<25600xi32, #tpu.memory_space<hbm>>
      %dma_wait3A_32 = tpu.memref_slice %arg2[%mul3A_2] : memref<819200xi32, #tpu.memory_space<hbm>> -> memref<25600xi32, #tpu.memory_space<hbm>>
      tpu.wait_dma2 semaphore(%run_scoped3A : memref<!tpu.dma_semaphore, #tpu.memory_space<semaphore_mem>>) src(%dma_wait3A_32 : memref<25600xi32, #tpu.memory_space<hbm>>) dst(%arg5 : memref<25600xi32, #tpu.memory_space<vmem>>)
      tpu.yield
    }) : () -> ()
    "tpu.region"() ({
      %run_scoped3A = tpu.sem_alloc : memref<!tpu.dma_semaphore, #tpu.memory_space<semaphore_mem>>
      tpu.enqueue_dma source(%arg3 : memref<13000xf32, #tpu.memory_space<hbm>>) target(%arg7 : memref<13000xf32, #tpu.memory_space<vmem>>) target_semaphore(%run_scoped3A : memref<!tpu.dma_semaphore, #tpu.memory_space<semaphore_mem>>)
      tpu.wait_dma2 semaphore(%run_scoped3A : memref<!tpu.dma_semaphore, #tpu.memory_space<semaphore_mem>>) src(%arg3 : memref<13000xf32, #tpu.memory_space<hbm>>) dst(%arg7 : memref<13000xf32, #tpu.memory_space<vmem>>)
      tpu.yield
    }) : () -> ()
    %iota3A = tpu.iota {dimensions = array<i32: 0>} : vector<16xi32>
    %mul3A_3 = arith.constant 200 : i32
    %mul3A_4 = vector.broadcast %mul3A_3 : i32 to vector<16xi32>
    %mul3A_5 = arith.muli %iota3A, %mul3A_4 : vector<16xi32>
    %parallel_loop3A = arith.constant 0 : i32
    %parallel_loop3A_6 = arith.constant 200 : i32
    %parallel_loop3A_7 = arith.constant 1 : i32
    scf.for %parallel_loop3A_30 = %parallel_loop3A to %parallel_loop3A_6 step %parallel_loop3A_7  : i32 {
      %parallel_loop3A_31 = arith.constant 0 : i32
      %parallel_loop3A_32 = arith.addi %parallel_loop3A_31, %parallel_loop3A_30 : i32
      %parallel_loop3A_33 = vector.broadcast %parallel_loop3A_32 : i32 to vector<16xi32>
      %parallel_loop3A_34 = arith.addi %mul3A_5, %parallel_loop3A_33 : vector<16xi32>
      %parallel_loop3A_35 = tpu.vector_load_idx %arg5[%parallel_loop3A_34] : memref<25600xi32, #tpu.memory_space<vmem>>[vector<16xi32>], vector<16xi32>,
      %parallel_loop3A_36 = arith.constant 3200 : i32
      %parallel_loop3A_37 = arith.addi %parallel_loop3A_36, %parallel_loop3A_30 : i32
      %parallel_loop3A_38 = vector.broadcast %parallel_loop3A_37 : i32 to vector<16xi32>
      %parallel_loop3A_39 = arith.addi %mul3A_5, %parallel_loop3A_38 : vector<16xi32>
      %parallel_loop3A_40 = tpu.vector_load_idx %arg5[%parallel_loop3A_39] : memref<25600xi32, #tpu.memory_space<vmem>>[vector<16xi32>], vector<16xi32>,
      %parallel_loop3A_41 = arith.constant 6400 : i32
      %parallel_loop3A_42 = arith.addi %parallel_loop3A_41, %parallel_loop3A_30 : i32
      %parallel_loop3A_43 = vector.broadcast %parallel_loop3A_42 : i32 to vector<16xi32>
      %parallel_loop3A_44 = arith.addi %mul3A_5, %parallel_loop3A_43 : vector<16xi32>
      %parallel_loop3A_45 = tpu.vector_load_idx %arg5[%parallel_loop3A_44] : memref<25600xi32, #tpu.memory_space<vmem>>[vector<16xi32>], vector<16xi32>,
      %parallel_loop3A_46 = arith.constant 9600 : i32
      %parallel_loop3A_47 = arith.addi %parallel_loop3A_46, %parallel_loop3A_30 : i32
      %parallel_loop3A_48 = vector.broadcast %parallel_loop3A_47 : i32 to vector<16xi32>
      %parallel_loop3A_49 = arith.addi %mul3A_5, %parallel_loop3A_48 : vector<16xi32>
      %parallel_loop3A_50 = tpu.vector_load_idx %arg5[%parallel_loop3A_49] : memref<25600xi32, #tpu.memory_space<vmem>>[vector<16xi32>], vector<16xi32>,
      %parallel_loop3A_51 = arith.constant 12800 : i32
      %parallel_loop3A_52 = arith.addi %parallel_loop3A_51, %parallel_loop3A_30 : i32
      %parallel_loop3A_53 = vector.broadcast %parallel_loop3A_52 : i32 to vector<16xi32>
      %parallel_loop3A_54 = arith.addi %mul3A_5, %parallel_loop3A_53 : vector<16xi32>
      %parallel_loop3A_55 = tpu.vector_load_idx %arg5[%parallel_loop3A_54] : memref<25600xi32, #tpu.memory_space<vmem>>[vector<16xi32>], vector<16xi32>,
      %parallel_loop3A_56 = arith.constant 16000 : i32
      %parallel_loop3A_57 = arith.addi %parallel_loop3A_56, %parallel_loop3A_30 : i32
      %parallel_loop3A_58 = vector.broadcast %parallel_loop3A_57 : i32 to vector<16xi32>
      %parallel_loop3A_59 = arith.addi %mul3A_5, %parallel_loop3A_58 : vector<16xi32>
      %parallel_loop3A_60 = tpu.vector_load_idx %arg5[%parallel_loop3A_59] : memref<25600xi32, #tpu.memory_space<vmem>>[vector<16xi32>], vector<16xi32>,
      %parallel_loop3A_61 = arith.constant 19200 : i32
      %parallel_loop3A_62 = arith.addi %parallel_loop3A_61, %parallel_loop3A_30 : i32
      %parallel_loop3A_63 = vector.broadcast %parallel_loop3A_62 : i32 to vector<16xi32>
      %parallel_loop3A_64 = arith.addi %mul3A_5, %parallel_loop3A_63 : vector<16xi32>
      %parallel_loop3A_65 = tpu.vector_load_idx %arg5[%parallel_loop3A_64] : memref<25600xi32, #tpu.memory_space<vmem>>[vector<16xi32>], vector<16xi32>,
      %parallel_loop3A_66 = arith.constant 22400 : i32
      %parallel_loop3A_67 = arith.addi %parallel_loop3A_66, %parallel_loop3A_30 : i32
      %parallel_loop3A_68 = vector.broadcast %parallel_loop3A_67 : i32 to vector<16xi32>
      %parallel_loop3A_69 = arith.addi %mul3A_5, %parallel_loop3A_68 : vector<16xi32>
      %parallel_loop3A_70 = tpu.vector_load_idx %arg5[%parallel_loop3A_69] : memref<25600xi32, #tpu.memory_space<vmem>>[vector<16xi32>], vector<16xi32>,
      %parallel_loop3A_71 = arith.constant 65 : i32
      %parallel_loop3A_72 = vector.broadcast %parallel_loop3A_71 : i32 to vector<16xi32>
      %parallel_loop3A_73 = arith.muli %parallel_loop3A_35, %parallel_loop3A_72 : vector<16xi32>
      %parallel_loop3A_74 = arith.constant 128 : i32
      %parallel_loop3A_75 = arith.muli %parallel_loop3A_30, %parallel_loop3A_74 : i32
      %parallel_loop3A_76 = arith.constant 0 : i32
      %parallel_loop3A_77 = arith.addi %parallel_loop3A_75, %parallel_loop3A_76 : i32
      %parallel_loop3A_78 = arith.index_cast %parallel_loop3A_77 : i32 to index
      %parallel_loop3A_79 = tpu.vector_load %arg6[%parallel_loop3A_78] {strides = array<i32>} : memref<25600xi32, #tpu.memory_space<vmem>>, vector<16xi32>,
      tpu.vector_store %arg6[%parallel_loop3A_78], %parallel_loop3A_73 {strides = array<i32>} : memref<25600xi32, #tpu.memory_space<vmem>>, vector<16xi32>,
      %parallel_loop3A_80 = arith.constant 65 : i32
      %parallel_loop3A_81 = vector.broadcast %parallel_loop3A_80 : i32 to vector<16xi32>
      %parallel_loop3A_82 = arith.muli %parallel_loop3A_40, %parallel_loop3A_81 : vector<16xi32>
      %parallel_loop3A_83 = arith.constant 128 : i32
      %parallel_loop3A_84 = arith.muli %parallel_loop3A_30, %parallel_loop3A_83 : i32
      %parallel_loop3A_85 = arith.constant 16 : i32
      %parallel_loop3A_86 = arith.addi %parallel_loop3A_84, %parallel_loop3A_85 : i32
      %parallel_loop3A_87 = arith.index_cast %parallel_loop3A_86 : i32 to index
      %parallel_loop3A_88 = tpu.vector_load %arg6[%parallel_loop3A_87] {strides = array<i32>} : memref<25600xi32, #tpu.memory_space<vmem>>, vector<16xi32>,
      tpu.vector_store %arg6[%parallel_loop3A_87], %parallel_loop3A_82 {strides = array<i32>} : memref<25600xi32, #tpu.memory_space<vmem>>, vector<16xi32>,
      %parallel_loop3A_89 = arith.constant 65 : i32
      %parallel_loop3A_90 = vector.broadcast %parallel_loop3A_89 : i32 to vector<16xi32>
      %parallel_loop3A_91 = arith.muli %parallel_loop3A_45, %parallel_loop3A_90 : vector<16xi32>
      %parallel_loop3A_92 = arith.constant 128 : i32
      %parallel_loop3A_93 = arith.muli %parallel_loop3A_30, %parallel_loop3A_92 : i32
      %parallel_loop3A_94 = arith.constant 32 : i32
      %parallel_loop3A_95 = arith.addi %parallel_loop3A_93, %parallel_loop3A_94 : i32
      %parallel_loop3A_96 = arith.index_cast %parallel_loop3A_95 : i32 to index
      %parallel_loop3A_97 = tpu.vector_load %arg6[%parallel_loop3A_96] {strides = array<i32>} : memref<25600xi32, #tpu.memory_space<vmem>>, vector<16xi32>,
      tpu.vector_store %arg6[%parallel_loop3A_96], %parallel_loop3A_91 {strides = array<i32>} : memref<25600xi32, #tpu.memory_space<vmem>>, vector<16xi32>,
      %parallel_loop3A_98 = arith.constant 65 : i32
      %parallel_loop3A_99 = vector.broadcast %parallel_loop3A_98 : i32 to vector<16xi32>
      %parallel_loop3A_100 = arith.muli %parallel_loop3A_50, %parallel_loop3A_99 : vector<16xi32>
      %parallel_loop3A_101 = arith.constant 128 : i32
      %parallel_loop3A_102 = arith.muli %parallel_loop3A_30, %parallel_loop3A_101 : i32
      %parallel_loop3A_103 = arith.constant 48 : i32
      %parallel_loop3A_104 = arith.addi %parallel_loop3A_102, %parallel_loop3A_103 : i32
      %parallel_loop3A_105 = arith.index_cast %parallel_loop3A_104 : i32 to index
      %parallel_loop3A_106 = tpu.vector_load %arg6[%parallel_loop3A_105] {strides = array<i32>} : memref<25600xi32, #tpu.memory_space<vmem>>, vector<16xi32>,
      tpu.vector_store %arg6[%parallel_loop3A_105], %parallel_loop3A_100 {strides = array<i32>} : memref<25600xi32, #tpu.memory_space<vmem>>, vector<16xi32>,
      %parallel_loop3A_107 = arith.constant 65 : i32
      %parallel_loop3A_108 = vector.broadcast %parallel_loop3A_107 : i32 to vector<16xi32>
      %parallel_loop3A_109 = arith.muli %parallel_loop3A_55, %parallel_loop3A_108 : vector<16xi32>
      %parallel_loop3A_110 = arith.constant 128 : i32
      %parallel_loop3A_111 = arith.muli %parallel_loop3A_30, %parallel_loop3A_110 : i32
      %parallel_loop3A_112 = arith.constant 64 : i32
      %parallel_loop3A_113 = arith.addi %parallel_loop3A_111, %parallel_loop3A_112 : i32
      %parallel_loop3A_114 = arith.index_cast %parallel_loop3A_113 : i32 to index
      %parallel_loop3A_115 = tpu.vector_load %arg6[%parallel_loop3A_114] {strides = array<i32>} : memref<25600xi32, #tpu.memory_space<vmem>>, vector<16xi32>,
      tpu.vector_store %arg6[%parallel_loop3A_114], %parallel_loop3A_109 {strides = array<i32>} : memref<25600xi32, #tpu.memory_space<vmem>>, vector<16xi32>,
      %parallel_loop3A_116 = arith.constant 65 : i32
      %parallel_loop3A_117 = vector.broadcast %parallel_loop3A_116 : i32 to vector<16xi32>
      %parallel_loop3A_118 = arith.muli %parallel_loop3A_60, %parallel_loop3A_117 : vector<16xi32>
      %parallel_loop3A_119 = arith.constant 128 : i32
      %parallel_loop3A_120 = arith.muli %parallel_loop3A_30, %parallel_loop3A_119 : i32
      %parallel_loop3A_121 = arith.constant 80 : i32
      %parallel_loop3A_122 = arith.addi %parallel_loop3A_120, %parallel_loop3A_121 : i32
      %parallel_loop3A_123 = arith.index_cast %parallel_loop3A_122 : i32 to index
      %parallel_loop3A_124 = tpu.vector_load %arg6[%parallel_loop3A_123] {strides = array<i32>} : memref<25600xi32, #tpu.memory_space<vmem>>, vector<16xi32>,
      tpu.vector_store %arg6[%parallel_loop3A_123], %parallel_loop3A_118 {strides = array<i32>} : memref<25600xi32, #tpu.memory_space<vmem>>, vector<16xi32>,
      %parallel_loop3A_125 = arith.constant 65 : i32
      %parallel_loop3A_126 = vector.broadcast %parallel_loop3A_125 : i32 to vector<16xi32>
      %parallel_loop3A_127 = arith.muli %parallel_loop3A_65, %parallel_loop3A_126 : vector<16xi32>
      %parallel_loop3A_128 = arith.constant 128 : i32
      %parallel_loop3A_129 = arith.muli %parallel_loop3A_30, %parallel_loop3A_128 : i32
      %parallel_loop3A_130 = arith.constant 96 : i32
      %parallel_loop3A_131 = arith.addi %parallel_loop3A_129, %parallel_loop3A_130 : i32
      %parallel_loop3A_132 = arith.index_cast %parallel_loop3A_131 : i32 to index
      %parallel_loop3A_133 = tpu.vector_load %arg6[%parallel_loop3A_132] {strides = array<i32>} : memref<25600xi32, #tpu.memory_space<vmem>>, vector<16xi32>,
      tpu.vector_store %arg6[%parallel_loop3A_132], %parallel_loop3A_127 {strides = array<i32>} : memref<25600xi32, #tpu.memory_space<vmem>>, vector<16xi32>,
      %parallel_loop3A_134 = arith.constant 65 : i32
      %parallel_loop3A_135 = vector.broadcast %parallel_loop3A_134 : i32 to vector<16xi32>
      %parallel_loop3A_136 = arith.muli %parallel_loop3A_70, %parallel_loop3A_135 : vector<16xi32>
      %parallel_loop3A_137 = arith.constant 128 : i32
      %parallel_loop3A_138 = arith.muli %parallel_loop3A_30, %parallel_loop3A_137 : i32
      %parallel_loop3A_139 = arith.constant 112 : i32
      %parallel_loop3A_140 = arith.addi %parallel_loop3A_138, %parallel_loop3A_139 : i32
      %parallel_loop3A_141 = arith.index_cast %parallel_loop3A_140 : i32 to index
      %parallel_loop3A_142 = tpu.vector_load %arg6[%parallel_loop3A_141] {strides = array<i32>} : memref<25600xi32, #tpu.memory_space<vmem>>, vector<16xi32>,
      tpu.vector_store %arg6[%parallel_loop3A_141], %parallel_loop3A_136 {strides = array<i32>} : memref<25600xi32, #tpu.memory_space<vmem>>, vector<16xi32>,
    } {sc.loop_unroll_factor = 2 : i64, sc.parallel_access}
    %scan3A = arith.constant 0 : i32
    %scan3A_8 = arith.constant 0 : i32
    %scan3A_9 = arith.constant 100 : i32
    %scan3A_10 = arith.addi %scan3A_8, %scan3A_9 : i32
    %scan3A_11 = arith.constant 1 : i32
    scf.for %scan3A_30 = %scan3A_8 to %scan3A_10 step %scan3A_11  : i32 {
      %mul3A_31 = arith.constant 2 : i32
      %mul3A_32 = arith.muli %mul3A_31, %scan3A_30 : i32
      %gt3A = arith.constant 0 : i32
      %gt3A_33 = arith.cmpi sgt, %scan3A_30, %gt3A : i32
      %convert_element_type3A = arith.extui %gt3A_33 : i1 to i32
      %cond3A = arith.constant 0 : i32
      %cond3A_34 = arith.cmpi ne, %convert_element_type3A, %cond3A : i32
      scf.if %cond3A_34 {
        %dma_wait3A_65 = arith.constant 0 : i32
        %dma_wait3A_66 = arith.constant 0 : i32
        %dma_wait3A_67 = arith.constant 0 : i32
        %dma_wait3A_68 = tpu.memref_slice %arg4[%dma_wait3A_65, %dma_wait3A_66, %add3A, %dma_wait3A_67] : memref<200x8x32x1024xf32, #tpu.memory_space<hbm>> -> memref<1x8x1x1024xf32, #tpu.memory_space<hbm>>
        %dma_wait3A_69 = tpu.memref_squeeze %dma_wait3A_68 : memref<1x8x1x1024xf32, #tpu.memory_space<hbm>> -> memref<8x1024xf32, #tpu.memory_space<hbm>>
        %dma_wait3A_70 = arith.constant 0 : i32
        %dma_wait3A_71 = arith.constant 0 : i32
        %dma_wait3A_72 = tpu.memref_slice %arg4[%dma_wait3A_65, %dma_wait3A_70, %add3A, %dma_wait3A_71] : memref<200x8x32x1024xf32, #tpu.memory_space<hbm>> -> memref<1x8x1x1024xf32, #tpu.memory_space<hbm>>
        %dma_wait3A_73 = tpu.memref_squeeze %dma_wait3A_72 : memref<1x8x1x1024xf32, #tpu.memory_space<hbm>> -> memref<8x1024xf32, #tpu.memory_space<hbm>>
        tpu.wait_dma2 semaphore(%arg10 : memref<!tpu.dma_semaphore, #tpu.memory_space<semaphore_mem>>) src(%arg8 : memref<8x1024xf32, #tpu.memory_space<vmem>>) dst(%dma_wait3A_73 : memref<8x1024xf32, #tpu.memory_space<hbm>>)
      } else {
      }
      %parallel_loop3A_35 = arith.constant 0 : i32
      %parallel_loop3A_36 = arith.constant 8 : i32
      %parallel_loop3A_37 = arith.constant 1 : i32
      scf.for %parallel_loop3A_65 = %parallel_loop3A_35 to %parallel_loop3A_36 step %parallel_loop3A_37  : i32 {
        %parallel_loop3A_66 = arith.constant 128 : i32
        %parallel_loop3A_67 = arith.muli %mul3A_32, %parallel_loop3A_66 : i32
        %parallel_loop3A_68 = arith.constant 16 : i32
        %parallel_loop3A_69 = arith.muli %parallel_loop3A_65, %parallel_loop3A_68 : i32
        %parallel_loop3A_70 = arith.addi %parallel_loop3A_67, %parallel_loop3A_69 : i32
        %parallel_loop3A_71 = arith.index_cast %parallel_loop3A_70 : i32 to index
        %parallel_loop3A_72 = tpu.vector_load %arg6[%parallel_loop3A_71] {strides = array<i32>} : memref<25600xi32, #tpu.memory_space<vmem>>, vector<16xi32>,
        %parallel_loop3A_73 = arith.constant 0 : i32
        %parallel_loop3A_74 = vector.broadcast %parallel_loop3A_73 : i32 to vector<16xi32>
        %parallel_loop3A_75 = arith.addi %parallel_loop3A_72, %parallel_loop3A_74 : vector<16xi32>
        %parallel_loop3A_76 = arith.constant 1 : i32
        %parallel_loop3A_77 = vector.broadcast %parallel_loop3A_76 : i32 to vector<16xi32>
        %parallel_loop3A_78 = arith.addi %parallel_loop3A_72, %parallel_loop3A_77 : vector<16xi32>
        %parallel_loop3A_79 = arith.constant 2 : i32
        %parallel_loop3A_80 = vector.broadcast %parallel_loop3A_79 : i32 to vector<16xi32>
        %parallel_loop3A_81 = arith.addi %parallel_loop3A_72, %parallel_loop3A_80 : vector<16xi32>
        %parallel_loop3A_82 = arith.constant 3 : i32
        %parallel_loop3A_83 = vector.broadcast %parallel_loop3A_82 : i32 to vector<16xi32>
        %parallel_loop3A_84 = arith.addi %parallel_loop3A_72, %parallel_loop3A_83 : vector<16xi32>
        %parallel_loop3A_85 = arith.constant 4 : i32
        %parallel_loop3A_86 = vector.broadcast %parallel_loop3A_85 : i32 to vector<16xi32>
        %parallel_loop3A_87 = arith.addi %parallel_loop3A_72, %parallel_loop3A_86 : vector<16xi32>
        %parallel_loop3A_88 = arith.constant 5 : i32
        %parallel_loop3A_89 = vector.broadcast %parallel_loop3A_88 : i32 to vector<16xi32>
        %parallel_loop3A_90 = arith.addi %parallel_loop3A_72, %parallel_loop3A_89 : vector<16xi32>
        %parallel_loop3A_91 = arith.constant 6 : i32
        %parallel_loop3A_92 = vector.broadcast %parallel_loop3A_91 : i32 to vector<16xi32>
        %parallel_loop3A_93 = arith.addi %parallel_loop3A_72, %parallel_loop3A_92 : vector<16xi32>
        %parallel_loop3A_94 = arith.constant 7 : i32
        %parallel_loop3A_95 = vector.broadcast %parallel_loop3A_94 : i32 to vector<16xi32>
        %parallel_loop3A_96 = arith.addi %parallel_loop3A_72, %parallel_loop3A_95 : vector<16xi32>
        %parallel_loop3A_97 = arith.constant 0 : i32
        %parallel_loop3A_98 = tpu.memref_slice %arg7[%parallel_loop3A_97] : memref<13000xf32, #tpu.memory_space<vmem>> -> memref<12944xf32, #tpu.memory_space<vmem>>
        %parallel_loop3A_99 = tpu.vector_load_idx %parallel_loop3A_98[%parallel_loop3A_75] : memref<12944xf32, #tpu.memory_space<vmem>>[vector<16xi32>], vector<16xf32>,
        %parallel_loop3A_100 = arith.constant 0 : i32
        %parallel_loop3A_101 = tpu.memref_slice %arg7[%parallel_loop3A_100] : memref<13000xf32, #tpu.memory_space<vmem>> -> memref<12944xf32, #tpu.memory_space<vmem>>
        %parallel_loop3A_102 = tpu.vector_load_idx %parallel_loop3A_101[%parallel_loop3A_78] : memref<12944xf32, #tpu.memory_space<vmem>>[vector<16xi32>], vector<16xf32>,
        %parallel_loop3A_103 = arith.constant 0 : i32
        %parallel_loop3A_104 = tpu.memref_slice %arg7[%parallel_loop3A_103] : memref<13000xf32, #tpu.memory_space<vmem>> -> memref<12944xf32, #tpu.memory_space<vmem>>
        %parallel_loop3A_105 = tpu.vector_load_idx %parallel_loop3A_104[%parallel_loop3A_81] : memref<12944xf32, #tpu.memory_space<vmem>>[vector<16xi32>], vector<16xf32>,
        %parallel_loop3A_106 = arith.constant 0 : i32
        %parallel_loop3A_107 = tpu.memref_slice %arg7[%parallel_loop3A_106] : memref<13000xf32, #tpu.memory_space<vmem>> -> memref<12944xf32, #tpu.memory_space<vmem>>
        %parallel_loop3A_108 = tpu.vector_load_idx %parallel_loop3A_107[%parallel_loop3A_84] : memref<12944xf32, #tpu.memory_space<vmem>>[vector<16xi32>], vector<16xf32>,
        %parallel_loop3A_109 = arith.constant 0 : i32
        %parallel_loop3A_110 = tpu.memref_slice %arg7[%parallel_loop3A_109] : memref<13000xf32, #tpu.memory_space<vmem>> -> memref<12944xf32, #tpu.memory_space<vmem>>
        %parallel_loop3A_111 = tpu.vector_load_idx %parallel_loop3A_110[%parallel_loop3A_87] : memref<12944xf32, #tpu.memory_space<vmem>>[vector<16xi32>], vector<16xf32>,
        %parallel_loop3A_112 = arith.constant 0 : i32
        %parallel_loop3A_113 = tpu.memref_slice %arg7[%parallel_loop3A_112] : memref<13000xf32, #tpu.memory_space<vmem>> -> memref<12944xf32, #tpu.memory_space<vmem>>
        %parallel_loop3A_114 = tpu.vector_load_idx %parallel_loop3A_113[%parallel_loop3A_90] : memref<12944xf32, #tpu.memory_space<vmem>>[vector<16xi32>], vector<16xf32>,
        %parallel_loop3A_115 = arith.constant 0 : i32
        %parallel_loop3A_116 = tpu.memref_slice %arg7[%parallel_loop3A_115] : memref<13000xf32, #tpu.memory_space<vmem>> -> memref<12944xf32, #tpu.memory_space<vmem>>
        %parallel_loop3A_117 = tpu.vector_load_idx %parallel_loop3A_116[%parallel_loop3A_93] : memref<12944xf32, #tpu.memory_space<vmem>>[vector<16xi32>], vector<16xf32>,
        %parallel_loop3A_118 = arith.constant 0 : i32
        %parallel_loop3A_119 = tpu.memref_slice %arg7[%parallel_loop3A_118] : memref<13000xf32, #tpu.memory_space<vmem>> -> memref<12944xf32, #tpu.memory_space<vmem>>
        %parallel_loop3A_120 = tpu.vector_load_idx %parallel_loop3A_119[%parallel_loop3A_96] : memref<12944xf32, #tpu.memory_space<vmem>>[vector<16xi32>], vector<16xf32>,
        %parallel_loop3A_121 = arith.constant 16 : i32
        %parallel_loop3A_122 = arith.muli %parallel_loop3A_65, %parallel_loop3A_121 : i32
        %parallel_loop3A_123 = arith.constant 0 : i32
        %parallel_loop3A_124 = arith.addi %parallel_loop3A_123, %parallel_loop3A_122 : i32
        %parallel_loop3A_125 = arith.constant 0 : i32
        %parallel_loop3A_126 = arith.index_cast %parallel_loop3A_125 : i32 to index
        %parallel_loop3A_127 = arith.index_cast %parallel_loop3A_124 : i32 to index
        %parallel_loop3A_128 = tpu.vector_load %arg8[%parallel_loop3A_126, %parallel_loop3A_127] {strides = array<i32>} : memref<8x1024xf32, #tpu.memory_space<vmem>>, vector<16xf32>,
        tpu.vector_store %arg8[%parallel_loop3A_126, %parallel_loop3A_127], %parallel_loop3A_99 {strides = array<i32>} : memref<8x1024xf32, #tpu.memory_space<vmem>>, vector<16xf32>,
        %parallel_loop3A_129 = arith.constant 16 : i32
        %parallel_loop3A_130 = arith.muli %parallel_loop3A_65, %parallel_loop3A_129 : i32
        %parallel_loop3A_131 = arith.constant 128 : i32
        %parallel_loop3A_132 = arith.addi %parallel_loop3A_131, %parallel_loop3A_130 : i32
        %parallel_loop3A_133 = arith.constant 0 : i32
        %parallel_loop3A_134 = arith.index_cast %parallel_loop3A_133 : i32 to index
        %parallel_loop3A_135 = arith.index_cast %parallel_loop3A_132 : i32 to index
        %parallel_loop3A_136 = tpu.vector_load %arg8[%parallel_loop3A_134, %parallel_loop3A_135] {strides = array<i32>} : memref<8x1024xf32, #tpu.memory_space<vmem>>, vector<16xf32>,
        tpu.vector_store %arg8[%parallel_loop3A_134, %parallel_loop3A_135], %parallel_loop3A_102 {strides = array<i32>} : memref<8x1024xf32, #tpu.memory_space<vmem>>, vector<16xf32>,
        %parallel_loop3A_137 = arith.constant 16 : i32
        %parallel_loop3A_138 = arith.muli %parallel_loop3A_65, %parallel_loop3A_137 : i32
        %parallel_loop3A_139 = arith.constant 256 : i32
        %parallel_loop3A_140 = arith.addi %parallel_loop3A_139, %parallel_loop3A_138 : i32
        %parallel_loop3A_141 = arith.constant 0 : i32
        %parallel_loop3A_142 = arith.index_cast %parallel_loop3A_141 : i32 to index
        %parallel_loop3A_143 = arith.index_cast %parallel_loop3A_140 : i32 to index
        %parallel_loop3A_144 = tpu.vector_load %arg8[%parallel_loop3A_142, %parallel_loop3A_143] {strides = array<i32>} : memref<8x1024xf32, #tpu.memory_space<vmem>>, vector<16xf32>,
        tpu.vector_store %arg8[%parallel_loop3A_142, %parallel_loop3A_143], %parallel_loop3A_105 {strides = array<i32>} : memref<8x1024xf32, #tpu.memory_space<vmem>>, vector<16xf32>,
        %parallel_loop3A_145 = arith.constant 16 : i32
        %parallel_loop3A_146 = arith.muli %parallel_loop3A_65, %parallel_loop3A_145 : i32
        %parallel_loop3A_147 = arith.constant 384 : i32
        %parallel_loop3A_148 = arith.addi %parallel_loop3A_147, %parallel_loop3A_146 : i32
        %parallel_loop3A_149 = arith.constant 0 : i32
        %parallel_loop3A_150 = arith.index_cast %parallel_loop3A_149 : i32 to index
        %parallel_loop3A_151 = arith.index_cast %parallel_loop3A_148 : i32 to index
        %parallel_loop3A_152 = tpu.vector_load %arg8[%parallel_loop3A_150, %parallel_loop3A_151] {strides = array<i32>} : memref<8x1024xf32, #tpu.memory_space<vmem>>, vector<16xf32>,
        tpu.vector_store %arg8[%parallel_loop3A_150, %parallel_loop3A_151], %parallel_loop3A_108 {strides = array<i32>} : memref<8x1024xf32, #tpu.memory_space<vmem>>, vector<16xf32>,
        %parallel_loop3A_153 = arith.constant 16 : i32
        %parallel_loop3A_154 = arith.muli %parallel_loop3A_65, %parallel_loop3A_153 : i32
        %parallel_loop3A_155 = arith.constant 512 : i32
        %parallel_loop3A_156 = arith.addi %parallel_loop3A_155, %parallel_loop3A_154 : i32
        %parallel_loop3A_157 = arith.constant 0 : i32
        %parallel_loop3A_158 = arith.index_cast %parallel_loop3A_157 : i32 to index
        %parallel_loop3A_159 = arith.index_cast %parallel_loop3A_156 : i32 to index
        %parallel_loop3A_160 = tpu.vector_load %arg8[%parallel_loop3A_158, %parallel_loop3A_159] {strides = array<i32>} : memref<8x1024xf32, #tpu.memory_space<vmem>>, vector<16xf32>,
        tpu.vector_store %arg8[%parallel_loop3A_158, %parallel_loop3A_159], %parallel_loop3A_111 {strides = array<i32>} : memref<8x1024xf32, #tpu.memory_space<vmem>>, vector<16xf32>,
        %parallel_loop3A_161 = arith.constant 16 : i32
        %parallel_loop3A_162 = arith.muli %parallel_loop3A_65, %parallel_loop3A_161 : i32
        %parallel_loop3A_163 = arith.constant 640 : i32
        %parallel_loop3A_164 = arith.addi %parallel_loop3A_163, %parallel_loop3A_162 : i32
        %parallel_loop3A_165 = arith.constant 0 : i32
        %parallel_loop3A_166 = arith.index_cast %parallel_loop3A_165 : i32 to index
        %parallel_loop3A_167 = arith.index_cast %parallel_loop3A_164 : i32 to index
        %parallel_loop3A_168 = tpu.vector_load %arg8[%parallel_loop3A_166, %parallel_loop3A_167] {strides = array<i32>} : memref<8x1024xf32, #tpu.memory_space<vmem>>, vector<16xf32>,
        tpu.vector_store %arg8[%parallel_loop3A_166, %parallel_loop3A_167], %parallel_loop3A_114 {strides = array<i32>} : memref<8x1024xf32, #tpu.memory_space<vmem>>, vector<16xf32>,
        %parallel_loop3A_169 = arith.constant 16 : i32
        %parallel_loop3A_170 = arith.muli %parallel_loop3A_65, %parallel_loop3A_169 : i32
        %parallel_loop3A_171 = arith.constant 768 : i32
        %parallel_loop3A_172 = arith.addi %parallel_loop3A_171, %parallel_loop3A_170 : i32
        %parallel_loop3A_173 = arith.constant 0 : i32
        %parallel_loop3A_174 = arith.index_cast %parallel_loop3A_173 : i32 to index
        %parallel_loop3A_175 = arith.index_cast %parallel_loop3A_172 : i32 to index
        %parallel_loop3A_176 = tpu.vector_load %arg8[%parallel_loop3A_174, %parallel_loop3A_175] {strides = array<i32>} : memref<8x1024xf32, #tpu.memory_space<vmem>>, vector<16xf32>,
        tpu.vector_store %arg8[%parallel_loop3A_174, %parallel_loop3A_175], %parallel_loop3A_117 {strides = array<i32>} : memref<8x1024xf32, #tpu.memory_space<vmem>>, vector<16xf32>,
        %parallel_loop3A_177 = arith.constant 16 : i32
        %parallel_loop3A_178 = arith.muli %parallel_loop3A_65, %parallel_loop3A_177 : i32
        %parallel_loop3A_179 = arith.constant 896 : i32
        %parallel_loop3A_180 = arith.addi %parallel_loop3A_179, %parallel_loop3A_178 : i32
        %parallel_loop3A_181 = arith.constant 0 : i32
        %parallel_loop3A_182 = arith.index_cast %parallel_loop3A_181 : i32 to index
        %parallel_loop3A_183 = arith.index_cast %parallel_loop3A_180 : i32 to index
        %parallel_loop3A_184 = tpu.vector_load %arg8[%parallel_loop3A_182, %parallel_loop3A_183] {strides = array<i32>} : memref<8x1024xf32, #tpu.memory_space<vmem>>, vector<16xf32>,
        tpu.vector_store %arg8[%parallel_loop3A_182, %parallel_loop3A_183], %parallel_loop3A_120 {strides = array<i32>} : memref<8x1024xf32, #tpu.memory_space<vmem>>, vector<16xf32>,
        %parallel_loop3A_185 = arith.constant 8 : i32
        %parallel_loop3A_186 = tpu.memref_slice %arg7[%parallel_loop3A_185] : memref<13000xf32, #tpu.memory_space<vmem>> -> memref<12944xf32, #tpu.memory_space<vmem>>
        %parallel_loop3A_187 = tpu.vector_load_idx %parallel_loop3A_186[%parallel_loop3A_75] : memref<12944xf32, #tpu.memory_space<vmem>>[vector<16xi32>], vector<16xf32>,
        %parallel_loop3A_188 = arith.constant 8 : i32
        %parallel_loop3A_189 = tpu.memref_slice %arg7[%parallel_loop3A_188] : memref<13000xf32, #tpu.memory_space<vmem>> -> memref<12944xf32, #tpu.memory_space<vmem>>
        %parallel_loop3A_190 = tpu.vector_load_idx %parallel_loop3A_189[%parallel_loop3A_78] : memref<12944xf32, #tpu.memory_space<vmem>>[vector<16xi32>], vector<16xf32>,
        %parallel_loop3A_191 = arith.constant 8 : i32
        %parallel_loop3A_192 = tpu.memref_slice %arg7[%parallel_loop3A_191] : memref<13000xf32, #tpu.memory_space<vmem>> -> memref<12944xf32, #tpu.memory_space<vmem>>
        %parallel_loop3A_193 = tpu.vector_load_idx %parallel_loop3A_192[%parallel_loop3A_81] : memref<12944xf32, #tpu.memory_space<vmem>>[vector<16xi32>], vector<16xf32>,
        %parallel_loop3A_194 = arith.constant 8 : i32
        %parallel_loop3A_195 = tpu.memref_slice %arg7[%parallel_loop3A_194] : memref<13000xf32, #tpu.memory_space<vmem>> -> memref<12944xf32, #tpu.memory_space<vmem>>
        %parallel_loop3A_196 = tpu.vector_load_idx %parallel_loop3A_195[%parallel_loop3A_84] : memref<12944xf32, #tpu.memory_space<vmem>>[vector<16xi32>], vector<16xf32>,
        %parallel_loop3A_197 = arith.constant 8 : i32
        %parallel_loop3A_198 = tpu.memref_slice %arg7[%parallel_loop3A_197] : memref<13000xf32, #tpu.memory_space<vmem>> -> memref<12944xf32, #tpu.memory_space<vmem>>
        %parallel_loop3A_199 = tpu.vector_load_idx %parallel_loop3A_198[%parallel_loop3A_87] : memref<12944xf32, #tpu.memory_space<vmem>>[vector<16xi32>], vector<16xf32>,
        %parallel_loop3A_200 = arith.constant 8 : i32
        %parallel_loop3A_201 = tpu.memref_slice %arg7[%parallel_loop3A_200] : memref<13000xf32, #tpu.memory_space<vmem>> -> memref<12944xf32, #tpu.memory_space<vmem>>
        %parallel_loop3A_202 = tpu.vector_load_idx %parallel_loop3A_201[%parallel_loop3A_90] : memref<12944xf32, #tpu.memory_space<vmem>>[vector<16xi32>], vector<16xf32>,
        %parallel_loop3A_203 = arith.constant 8 : i32
        %parallel_loop3A_204 = tpu.memref_slice %arg7[%parallel_loop3A_203] : memref<13000xf32, #tpu.memory_space<vmem>> -> memref<12944xf32, #tpu.memory_space<vmem>>
        %parallel_loop3A_205 = tpu.vector_load_idx %parallel_loop3A_204[%parallel_loop3A_93] : memref<12944xf32, #tpu.memory_space<vmem>>[vector<16xi32>], vector<16xf32>,
        %parallel_loop3A_206 = arith.constant 8 : i32
        %parallel_loop3A_207 = tpu.memref_slice %arg7[%parallel_loop3A_206] : memref<13000xf32, #tpu.memory_space<vmem>> -> memref<12944xf32, #tpu.memory_space<vmem>>
        %parallel_loop3A_208 = tpu.vector_load_idx %parallel_loop3A_207[%parallel_loop3A_96] : memref<12944xf32, #tpu.memory_space<vmem>>[vector<16xi32>], vector<16xf32>,
        %parallel_loop3A_209 = arith.constant 16 : i32
        %parallel_loop3A_210 = arith.muli %parallel_loop3A_65, %parallel_loop3A_209 : i32
        %parallel_loop3A_211 = arith.constant 0 : i32
        %parallel_loop3A_212 = arith.addi %parallel_loop3A_211, %parallel_loop3A_210 : i32
        %parallel_loop3A_213 = arith.constant 1 : i32
        %parallel_loop3A_214 = arith.index_cast %parallel_loop3A_213 : i32 to index
        %parallel_loop3A_215 = arith.index_cast %parallel_loop3A_212 : i32 to index
        %parallel_loop3A_216 = tpu.vector_load %arg8[%parallel_loop3A_214, %parallel_loop3A_215] {strides = array<i32>} : memref<8x1024xf32, #tpu.memory_space<vmem>>, vector<16xf32>,
        tpu.vector_store %arg8[%parallel_loop3A_214, %parallel_loop3A_215], %parallel_loop3A_187 {strides = array<i32>} : memref<8x1024xf32, #tpu.memory_space<vmem>>, vector<16xf32>,
        %parallel_loop3A_217 = arith.constant 16 : i32
        %parallel_loop3A_218 = arith.muli %parallel_loop3A_65, %parallel_loop3A_217 : i32
        %parallel_loop3A_219 = arith.constant 128 : i32
        %parallel_loop3A_220 = arith.addi %parallel_loop3A_219, %parallel_loop3A_218 : i32
        %parallel_loop3A_221 = arith.constant 1 : i32
        %parallel_loop3A_222 = arith.index_cast %parallel_loop3A_221 : i32 to index
        %parallel_loop3A_223 = arith.index_cast %parallel_loop3A_220 : i32 to index
        %parallel_loop3A_224 = tpu.vector_load %arg8[%parallel_loop3A_222, %parallel_loop3A_223] {strides = array<i32>} : memref<8x1024xf32, #tpu.memory_space<vmem>>, vector<16xf32>,
        tpu.vector_store %arg8[%parallel_loop3A_222, %parallel_loop3A_223], %parallel_loop3A_190 {strides = array<i32>} : memref<8x1024xf32, #tpu.memory_space<vmem>>, vector<16xf32>,
        %parallel_loop3A_225 = arith.constant 16 : i32
        %parallel_loop3A_226 = arith.muli %parallel_loop3A_65, %parallel_loop3A_225 : i32
        %parallel_loop3A_227 = arith.constant 256 : i32
        %parallel_loop3A_228 = arith.addi %parallel_loop3A_227, %parallel_loop3A_226 : i32
        %parallel_loop3A_229 = arith.constant 1 : i32
        %parallel_loop3A_230 = arith.index_cast %parallel_loop3A_229 : i32 to index
        %parallel_loop3A_231 = arith.index_cast %parallel_loop3A_228 : i32 to index
        %parallel_loop3A_232 = tpu.vector_load %arg8[%parallel_loop3A_230, %parallel_loop3A_231] {strides = array<i32>} : memref<8x1024xf32, #tpu.memory_space<vmem>>, vector<16xf32>,
        tpu.vector_store %arg8[%parallel_loop3A_230, %parallel_loop3A_231], %parallel_loop3A_193 {strides = array<i32>} : memref<8x1024xf32, #tpu.memory_space<vmem>>, vector<16xf32>,
        %parallel_loop3A_233 = arith.constant 16 : i32
        %parallel_loop3A_234 = arith.muli %parallel_loop3A_65, %parallel_loop3A_233 : i32
        %parallel_loop3A_235 = arith.constant 384 : i32
        %parallel_loop3A_236 = arith.addi %parallel_loop3A_235, %parallel_loop3A_234 : i32
        %parallel_loop3A_237 = arith.constant 1 : i32
        %parallel_loop3A_238 = arith.index_cast %parallel_loop3A_237 : i32 to index
        %parallel_loop3A_239 = arith.index_cast %parallel_loop3A_236 : i32 to index
        %parallel_loop3A_240 = tpu.vector_load %arg8[%parallel_loop3A_238, %parallel_loop3A_239] {strides = array<i32>} : memref<8x1024xf32, #tpu.memory_space<vmem>>, vector<16xf32>,
        tpu.vector_store %arg8[%parallel_loop3A_238, %parallel_loop3A_239], %parallel_loop3A_196 {strides = array<i32>} : memref<8x1024xf32, #tpu.memory_space<vmem>>, vector<16xf32>,
        %parallel_loop3A_241 = arith.constant 16 : i32
        %parallel_loop3A_242 = arith.muli %parallel_loop3A_65, %parallel_loop3A_241 : i32
        %parallel_loop3A_243 = arith.constant 512 : i32
        %parallel_loop3A_244 = arith.addi %parallel_loop3A_243, %parallel_loop3A_242 : i32
        %parallel_loop3A_245 = arith.constant 1 : i32
        %parallel_loop3A_246 = arith.index_cast %parallel_loop3A_245 : i32 to index
        %parallel_loop3A_247 = arith.index_cast %parallel_loop3A_244 : i32 to index
        %parallel_loop3A_248 = tpu.vector_load %arg8[%parallel_loop3A_246, %parallel_loop3A_247] {strides = array<i32>} : memref<8x1024xf32, #tpu.memory_space<vmem>>, vector<16xf32>,
        tpu.vector_store %arg8[%parallel_loop3A_246, %parallel_loop3A_247], %parallel_loop3A_199 {strides = array<i32>} : memref<8x1024xf32, #tpu.memory_space<vmem>>, vector<16xf32>,
        %parallel_loop3A_249 = arith.constant 16 : i32
        %parallel_loop3A_250 = arith.muli %parallel_loop3A_65, %parallel_loop3A_249 : i32
        %parallel_loop3A_251 = arith.constant 640 : i32
        %parallel_loop3A_252 = arith.addi %parallel_loop3A_251, %parallel_loop3A_250 : i32
        %parallel_loop3A_253 = arith.constant 1 : i32
        %parallel_loop3A_254 = arith.index_cast %parallel_loop3A_253 : i32 to index
        %parallel_loop3A_255 = arith.index_cast %parallel_loop3A_252 : i32 to index
        %parallel_loop3A_256 = tpu.vector_load %arg8[%parallel_loop3A_254, %parallel_loop3A_255] {strides = array<i32>} : memref<8x1024xf32, #tpu.memory_space<vmem>>, vector<16xf32>,
        tpu.vector_store %arg8[%parallel_loop3A_254, %parallel_loop3A_255], %parallel_loop3A_202 {strides = array<i32>} : memref<8x1024xf32, #tpu.memory_space<vmem>>, vector<16xf32>,
        %parallel_loop3A_257 = arith.constant 16 : i32
        %parallel_loop3A_258 = arith.muli %parallel_loop3A_65, %parallel_loop3A_257 : i32
        %parallel_loop3A_259 = arith.constant 768 : i32
        %parallel_loop3A_260 = arith.addi %parallel_loop3A_259, %parallel_loop3A_258 : i32
        %parallel_loop3A_261 = arith.constant 1 : i32
        %parallel_loop3A_262 = arith.index_cast %parallel_loop3A_261 : i32 to index
        %parallel_loop3A_263 = arith.index_cast %parallel_loop3A_260 : i32 to index
        %parallel_loop3A_264 = tpu.vector_load %arg8[%parallel_loop3A_262, %parallel_loop3A_263] {strides = array<i32>} : memref<8x1024xf32, #tpu.memory_space<vmem>>, vector<16xf32>,
        tpu.vector_store %arg8[%parallel_loop3A_262, %parallel_loop3A_263], %parallel_loop3A_205 {strides = array<i32>} : memref<8x1024xf32, #tpu.memory_space<vmem>>, vector<16xf32>,
        %parallel_loop3A_265 = arith.constant 16 : i32
        %parallel_loop3A_266 = arith.muli %parallel_loop3A_65, %parallel_loop3A_265 : i32
        %parallel_loop3A_267 = arith.constant 896 : i32
        %parallel_loop3A_268 = arith.addi %parallel_loop3A_267, %parallel_loop3A_266 : i32
        %parallel_loop3A_269 = arith.constant 1 : i32
        %parallel_loop3A_270 = arith.index_cast %parallel_loop3A_269 : i32 to index
        %parallel_loop3A_271 = arith.index_cast %parallel_loop3A_268 : i32 to index
        %parallel_loop3A_272 = tpu.vector_load %arg8[%parallel_loop3A_270, %parallel_loop3A_271] {strides = array<i32>} : memref<8x1024xf32, #tpu.memory_space<vmem>>, vector<16xf32>,
        tpu.vector_store %arg8[%parallel_loop3A_270, %parallel_loop3A_271], %parallel_loop3A_208 {strides = array<i32>} : memref<8x1024xf32, #tpu.memory_space<vmem>>, vector<16xf32>,
        %parallel_loop3A_273 = arith.constant 16 : i32
        %parallel_loop3A_274 = tpu.memref_slice %arg7[%parallel_loop3A_273] : memref<13000xf32, #tpu.memory_space<vmem>> -> memref<12944xf32, #tpu.memory_space<vmem>>
        %parallel_loop3A_275 = tpu.vector_load_idx %parallel_loop3A_274[%parallel_loop3A_75] : memref<12944xf32, #tpu.memory_space<vmem>>[vector<16xi32>], vector<16xf32>,
        %parallel_loop3A_276 = arith.constant 16 : i32
        %parallel_loop3A_277 = tpu.memref_slice %arg7[%parallel_loop3A_276] : memref<13000xf32, #tpu.memory_space<vmem>> -> memref<12944xf32, #tpu.memory_space<vmem>>
        %parallel_loop3A_278 = tpu.vector_load_idx %parallel_loop3A_277[%parallel_loop3A_78] : memref<12944xf32, #tpu.memory_space<vmem>>[vector<16xi32>], vector<16xf32>,
        %parallel_loop3A_279 = arith.constant 16 : i32
        %parallel_loop3A_280 = tpu.memref_slice %arg7[%parallel_loop3A_279] : memref<13000xf32, #tpu.memory_space<vmem>> -> memref<12944xf32, #tpu.memory_space<vmem>>
        %parallel_loop3A_281 = tpu.vector_load_idx %parallel_loop3A_280[%parallel_loop3A_81] : memref<12944xf32, #tpu.memory_space<vmem>>[vector<16xi32>], vector<16xf32>,
        %parallel_loop3A_282 = arith.constant 16 : i32
        %parallel_loop3A_283 = tpu.memref_slice %arg7[%parallel_loop3A_282] : memref<13000xf32, #tpu.memory_space<vmem>> -> memref<12944xf32, #tpu.memory_space<vmem>>
        %parallel_loop3A_284 = tpu.vector_load_idx %parallel_loop3A_283[%parallel_loop3A_84] : memref<12944xf32, #tpu.memory_space<vmem>>[vector<16xi32>], vector<16xf32>,
        %parallel_loop3A_285 = arith.constant 16 : i32
        %parallel_loop3A_286 = tpu.memref_slice %arg7[%parallel_loop3A_285] : memref<13000xf32, #tpu.memory_space<vmem>> -> memref<12944xf32, #tpu.memory_space<vmem>>
        %parallel_loop3A_287 = tpu.vector_load_idx %parallel_loop3A_286[%parallel_loop3A_87] : memref<12944xf32, #tpu.memory_space<vmem>>[vector<16xi32>], vector<16xf32>,
        %parallel_loop3A_288 = arith.constant 16 : i32
        %parallel_loop3A_289 = tpu.memref_slice %arg7[%parallel_loop3A_288] : memref<13000xf32, #tpu.memory_space<vmem>> -> memref<12944xf32, #tpu.memory_space<vmem>>
        %parallel_loop3A_290 = tpu.vector_load_idx %parallel_loop3A_289[%parallel_loop3A_90] : memref<12944xf32, #tpu.memory_space<vmem>>[vector<16xi32>], vector<16xf32>,
        %parallel_loop3A_291 = arith.constant 16 : i32
        %parallel_loop3A_292 = tpu.memref_slice %arg7[%parallel_loop3A_291] : memref<13000xf32, #tpu.memory_space<vmem>> -> memref<12944xf32, #tpu.memory_space<vmem>>
        %parallel_loop3A_293 = tpu.vector_load_idx %parallel_loop3A_292[%parallel_loop3A_93] : memref<12944xf32, #tpu.memory_space<vmem>>[vector<16xi32>], vector<16xf32>,
        %parallel_loop3A_294 = arith.constant 16 : i32
        %parallel_loop3A_295 = tpu.memref_slice %arg7[%parallel_loop3A_294] : memref<13000xf32, #tpu.memory_space<vmem>> -> memref<12944xf32, #tpu.memory_space<vmem>>
        %parallel_loop3A_296 = tpu.vector_load_idx %parallel_loop3A_295[%parallel_loop3A_96] : memref<12944xf32, #tpu.memory_space<vmem>>[vector<16xi32>], vector<16xf32>,
        %parallel_loop3A_297 = arith.constant 16 : i32
        %parallel_loop3A_298 = arith.muli %parallel_loop3A_65, %parallel_loop3A_297 : i32
        %parallel_loop3A_299 = arith.constant 0 : i32
        %parallel_loop3A_300 = arith.addi %parallel_loop3A_299, %parallel_loop3A_298 : i32
        %parallel_loop3A_301 = arith.constant 2 : i32
        %parallel_loop3A_302 = arith.index_cast %parallel_loop3A_301 : i32 to index
        %parallel_loop3A_303 = arith.index_cast %parallel_loop3A_300 : i32 to index
        %parallel_loop3A_304 = tpu.vector_load %arg8[%parallel_loop3A_302, %parallel_loop3A_303] {strides = array<i32>} : memref<8x1024xf32, #tpu.memory_space<vmem>>, vector<16xf32>,
        tpu.vector_store %arg8[%parallel_loop3A_302, %parallel_loop3A_303], %parallel_loop3A_275 {strides = array<i32>} : memref<8x1024xf32, #tpu.memory_space<vmem>>, vector<16xf32>,
        %parallel_loop3A_305 = arith.constant 16 : i32
        %parallel_loop3A_306 = arith.muli %parallel_loop3A_65, %parallel_loop3A_305 : i32
        %parallel_loop3A_307 = arith.constant 128 : i32
        %parallel_loop3A_308 = arith.addi %parallel_loop3A_307, %parallel_loop3A_306 : i32
        %parallel_loop3A_309 = arith.constant 2 : i32
        %parallel_loop3A_310 = arith.index_cast %parallel_loop3A_309 : i32 to index
        %parallel_loop3A_311 = arith.index_cast %parallel_loop3A_308 : i32 to index
        %parallel_loop3A_312 = tpu.vector_load %arg8[%parallel_loop3A_310, %parallel_loop3A_311] {strides = array<i32>} : memref<8x1024xf32, #tpu.memory_space<vmem>>, vector<16xf32>,
        tpu.vector_store %arg8[%parallel_loop3A_310, %parallel_loop3A_311], %parallel_loop3A_278 {strides = array<i32>} : memref<8x1024xf32, #tpu.memory_space<vmem>>, vector<16xf32>,
        %parallel_loop3A_313 = arith.constant 16 : i32
        %parallel_loop3A_314 = arith.muli %parallel_loop3A_65, %parallel_loop3A_313 : i32
        %parallel_loop3A_315 = arith.constant 256 : i32
        %parallel_loop3A_316 = arith.addi %parallel_loop3A_315, %parallel_loop3A_314 : i32
        %parallel_loop3A_317 = arith.constant 2 : i32
        %parallel_loop3A_318 = arith.index_cast %parallel_loop3A_317 : i32 to index
        %parallel_loop3A_319 = arith.index_cast %parallel_loop3A_316 : i32 to index
        %parallel_loop3A_320 = tpu.vector_load %arg8[%parallel_loop3A_318, %parallel_loop3A_319] {strides = array<i32>} : memref<8x1024xf32, #tpu.memory_space<vmem>>, vector<16xf32>,
        tpu.vector_store %arg8[%parallel_loop3A_318, %parallel_loop3A_319], %parallel_loop3A_281 {strides = array<i32>} : memref<8x1024xf32, #tpu.memory_space<vmem>>, vector<16xf32>,
        %parallel_loop3A_321 = arith.constant 16 : i32
        %parallel_loop3A_322 = arith.muli %parallel_loop3A_65, %parallel_loop3A_321 : i32
        %parallel_loop3A_323 = arith.constant 384 : i32
        %parallel_loop3A_324 = arith.addi %parallel_loop3A_323, %parallel_loop3A_322 : i32
        %parallel_loop3A_325 = arith.constant 2 : i32
        %parallel_loop3A_326 = arith.index_cast %parallel_loop3A_325 : i32 to index
        %parallel_loop3A_327 = arith.index_cast %parallel_loop3A_324 : i32 to index
        %parallel_loop3A_328 = tpu.vector_load %arg8[%parallel_loop3A_326, %parallel_loop3A_327] {strides = array<i32>} : memref<8x1024xf32, #tpu.memory_space<vmem>>, vector<16xf32>,
        tpu.vector_store %arg8[%parallel_loop3A_326, %parallel_loop3A_327], %parallel_loop3A_284 {strides = array<i32>} : memref<8x1024xf32, #tpu.memory_space<vmem>>, vector<16xf32>,
        %parallel_loop3A_329 = arith.constant 16 : i32
        %parallel_loop3A_330 = arith.muli %parallel_loop3A_65, %parallel_loop3A_329 : i32
        %parallel_loop3A_331 = arith.constant 512 : i32
        %parallel_loop3A_332 = arith.addi %parallel_loop3A_331, %parallel_loop3A_330 : i32
        %parallel_loop3A_333 = arith.constant 2 : i32
        %parallel_loop3A_334 = arith.index_cast %parallel_loop3A_333 : i32 to index
        %parallel_loop3A_335 = arith.index_cast %parallel_loop3A_332 : i32 to index
        %parallel_loop3A_336 = tpu.vector_load %arg8[%parallel_loop3A_334, %parallel_loop3A_335] {strides = array<i32>} : memref<8x1024xf32, #tpu.memory_space<vmem>>, vector<16xf32>,
        tpu.vector_store %arg8[%parallel_loop3A_334, %parallel_loop3A_335], %parallel_loop3A_287 {strides = array<i32>} : memref<8x1024xf32, #tpu.memory_space<vmem>>, vector<16xf32>,
        %parallel_loop3A_337 = arith.constant 16 : i32
        %parallel_loop3A_338 = arith.muli %parallel_loop3A_65, %parallel_loop3A_337 : i32
        %parallel_loop3A_339 = arith.constant 640 : i32
        %parallel_loop3A_340 = arith.addi %parallel_loop3A_339, %parallel_loop3A_338 : i32
        %parallel_loop3A_341 = arith.constant 2 : i32
        %parallel_loop3A_342 = arith.index_cast %parallel_loop3A_341 : i32 to index
        %parallel_loop3A_343 = arith.index_cast %parallel_loop3A_340 : i32 to index
        %parallel_loop3A_344 = tpu.vector_load %arg8[%parallel_loop3A_342, %parallel_loop3A_343] {strides = array<i32>} : memref<8x1024xf32, #tpu.memory_space<vmem>>, vector<16xf32>,
        tpu.vector_store %arg8[%parallel_loop3A_342, %parallel_loop3A_343], %parallel_loop3A_290 {strides = array<i32>} : memref<8x1024xf32, #tpu.memory_space<vmem>>, vector<16xf32>,
        %parallel_loop3A_345 = arith.constant 16 : i32
        %parallel_loop3A_346 = arith.muli %parallel_loop3A_65, %parallel_loop3A_345 : i32
        %parallel_loop3A_347 = arith.constant 768 : i32
        %parallel_loop3A_348 = arith.addi %parallel_loop3A_347, %parallel_loop3A_346 : i32
        %parallel_loop3A_349 = arith.constant 2 : i32
        %parallel_loop3A_350 = arith.index_cast %parallel_loop3A_349 : i32 to index
        %parallel_loop3A_351 = arith.index_cast %parallel_loop3A_348 : i32 to index
        %parallel_loop3A_352 = tpu.vector_load %arg8[%parallel_loop3A_350, %parallel_loop3A_351] {strides = array<i32>} : memref<8x1024xf32, #tpu.memory_space<vmem>>, vector<16xf32>,
        tpu.vector_store %arg8[%parallel_loop3A_350, %parallel_loop3A_351], %parallel_loop3A_293 {strides = array<i32>} : memref<8x1024xf32, #tpu.memory_space<vmem>>, vector<16xf32>,
        %parallel_loop3A_353 = arith.constant 16 : i32
        %parallel_loop3A_354 = arith.muli %parallel_loop3A_65, %parallel_loop3A_353 : i32
        %parallel_loop3A_355 = arith.constant 896 : i32
        %parallel_loop3A_356 = arith.addi %parallel_loop3A_355, %parallel_loop3A_354 : i32
        %parallel_loop3A_357 = arith.constant 2 : i32
        %parallel_loop3A_358 = arith.index_cast %parallel_loop3A_357 : i32 to index
        %parallel_loop3A_359 = arith.index_cast %parallel_loop3A_356 : i32 to index
        %parallel_loop3A_360 = tpu.vector_load %arg8[%parallel_loop3A_358, %parallel_loop3A_359] {strides = array<i32>} : memref<8x1024xf32, #tpu.memory_space<vmem>>, vector<16xf32>,
        tpu.vector_store %arg8[%parallel_loop3A_358, %parallel_loop3A_359], %parallel_loop3A_296 {strides = array<i32>} : memref<8x1024xf32, #tpu.memory_space<vmem>>, vector<16xf32>,
        %parallel_loop3A_361 = arith.constant 24 : i32
        %parallel_loop3A_362 = tpu.memref_slice %arg7[%parallel_loop3A_361] : memref<13000xf32, #tpu.memory_space<vmem>> -> memref<12944xf32, #tpu.memory_space<vmem>>
        %parallel_loop3A_363 = tpu.vector_load_idx %parallel_loop3A_362[%parallel_loop3A_75] : memref<12944xf32, #tpu.memory_space<vmem>>[vector<16xi32>], vector<16xf32>,
        %parallel_loop3A_364 = arith.constant 24 : i32
        %parallel_loop3A_365 = tpu.memref_slice %arg7[%parallel_loop3A_364] : memref<13000xf32, #tpu.memory_space<vmem>> -> memref<12944xf32, #tpu.memory_space<vmem>>
        %parallel_loop3A_366 = tpu.vector_load_idx %parallel_loop3A_365[%parallel_loop3A_78] : memref<12944xf32, #tpu.memory_space<vmem>>[vector<16xi32>], vector<16xf32>,
        %parallel_loop3A_367 = arith.constant 24 : i32
        %parallel_loop3A_368 = tpu.memref_slice %arg7[%parallel_loop3A_367] : memref<13000xf32, #tpu.memory_space<vmem>> -> memref<12944xf32, #tpu.memory_space<vmem>>
        %parallel_loop3A_369 = tpu.vector_load_idx %parallel_loop3A_368[%parallel_loop3A_81] : memref<12944xf32, #tpu.memory_space<vmem>>[vector<16xi32>], vector<16xf32>,
        %parallel_loop3A_370 = arith.constant 24 : i32
        %parallel_loop3A_371 = tpu.memref_slice %arg7[%parallel_loop3A_370] : memref<13000xf32, #tpu.memory_space<vmem>> -> memref<12944xf32, #tpu.memory_space<vmem>>
        %parallel_loop3A_372 = tpu.vector_load_idx %parallel_loop3A_371[%parallel_loop3A_84] : memref<12944xf32, #tpu.memory_space<vmem>>[vector<16xi32>], vector<16xf32>,
        %parallel_loop3A_373 = arith.constant 24 : i32
        %parallel_loop3A_374 = tpu.memref_slice %arg7[%parallel_loop3A_373] : memref<13000xf32, #tpu.memory_space<vmem>> -> memref<12944xf32, #tpu.memory_space<vmem>>
        %parallel_loop3A_375 = tpu.vector_load_idx %parallel_loop3A_374[%parallel_loop3A_87] : memref<12944xf32, #tpu.memory_space<vmem>>[vector<16xi32>], vector<16xf32>,
        %parallel_loop3A_376 = arith.constant 24 : i32
        %parallel_loop3A_377 = tpu.memref_slice %arg7[%parallel_loop3A_376] : memref<13000xf32, #tpu.memory_space<vmem>> -> memref<12944xf32, #tpu.memory_space<vmem>>
        %parallel_loop3A_378 = tpu.vector_load_idx %parallel_loop3A_377[%parallel_loop3A_90] : memref<12944xf32, #tpu.memory_space<vmem>>[vector<16xi32>], vector<16xf32>,
        %parallel_loop3A_379 = arith.constant 24 : i32
        %parallel_loop3A_380 = tpu.memref_slice %arg7[%parallel_loop3A_379] : memref<13000xf32, #tpu.memory_space<vmem>> -> memref<12944xf32, #tpu.memory_space<vmem>>
        %parallel_loop3A_381 = tpu.vector_load_idx %parallel_loop3A_380[%parallel_loop3A_93] : memref<12944xf32, #tpu.memory_space<vmem>>[vector<16xi32>], vector<16xf32>,
        %parallel_loop3A_382 = arith.constant 24 : i32
        %parallel_loop3A_383 = tpu.memref_slice %arg7[%parallel_loop3A_382] : memref<13000xf32, #tpu.memory_space<vmem>> -> memref<12944xf32, #tpu.memory_space<vmem>>
        %parallel_loop3A_384 = tpu.vector_load_idx %parallel_loop3A_383[%parallel_loop3A_96] : memref<12944xf32, #tpu.memory_space<vmem>>[vector<16xi32>], vector<16xf32>,
        %parallel_loop3A_385 = arith.constant 16 : i32
        %parallel_loop3A_386 = arith.muli %parallel_loop3A_65, %parallel_loop3A_385 : i32
        %parallel_loop3A_387 = arith.constant 0 : i32
        %parallel_loop3A_388 = arith.addi %parallel_loop3A_387, %parallel_loop3A_386 : i32
        %parallel_loop3A_389 = arith.constant 3 : i32
        %parallel_loop3A_390 = arith.index_cast %parallel_loop3A_389 : i32 to index
        %parallel_loop3A_391 = arith.index_cast %parallel_loop3A_388 : i32 to index
        %parallel_loop3A_392 = tpu.vector_load %arg8[%parallel_loop3A_390, %parallel_loop3A_391] {strides = array<i32>} : memref<8x1024xf32, #tpu.memory_space<vmem>>, vector<16xf32>,
        tpu.vector_store %arg8[%parallel_loop3A_390, %parallel_loop3A_391], %parallel_loop3A_363 {strides = array<i32>} : memref<8x1024xf32, #tpu.memory_space<vmem>>, vector<16xf32>,
        %parallel_loop3A_393 = arith.constant 16 : i32
        %parallel_loop3A_394 = arith.muli %parallel_loop3A_65, %parallel_loop3A_393 : i32
        %parallel_loop3A_395 = arith.constant 128 : i32
        %parallel_loop3A_396 = arith.addi %parallel_loop3A_395, %parallel_loop3A_394 : i32
        %parallel_loop3A_397 = arith.constant 3 : i32
        %parallel_loop3A_398 = arith.index_cast %parallel_loop3A_397 : i32 to index
        %parallel_loop3A_399 = arith.index_cast %parallel_loop3A_396 : i32 to index
        %parallel_loop3A_400 = tpu.vector_load %arg8[%parallel_loop3A_398, %parallel_loop3A_399] {strides = array<i32>} : memref<8x1024xf32, #tpu.memory_space<vmem>>, vector<16xf32>,
        tpu.vector_store %arg8[%parallel_loop3A_398, %parallel_loop3A_399], %parallel_loop3A_366 {strides = array<i32>} : memref<8x1024xf32, #tpu.memory_space<vmem>>, vector<16xf32>,
        %parallel_loop3A_401 = arith.constant 16 : i32
        %parallel_loop3A_402 = arith.muli %parallel_loop3A_65, %parallel_loop3A_401 : i32
        %parallel_loop3A_403 = arith.constant 256 : i32
        %parallel_loop3A_404 = arith.addi %parallel_loop3A_403, %parallel_loop3A_402 : i32
        %parallel_loop3A_405 = arith.constant 3 : i32
        %parallel_loop3A_406 = arith.index_cast %parallel_loop3A_405 : i32 to index
        %parallel_loop3A_407 = arith.index_cast %parallel_loop3A_404 : i32 to index
        %parallel_loop3A_408 = tpu.vector_load %arg8[%parallel_loop3A_406, %parallel_loop3A_407] {strides = array<i32>} : memref<8x1024xf32, #tpu.memory_space<vmem>>, vector<16xf32>,
        tpu.vector_store %arg8[%parallel_loop3A_406, %parallel_loop3A_407], %parallel_loop3A_369 {strides = array<i32>} : memref<8x1024xf32, #tpu.memory_space<vmem>>, vector<16xf32>,
        %parallel_loop3A_409 = arith.constant 16 : i32
        %parallel_loop3A_410 = arith.muli %parallel_loop3A_65, %parallel_loop3A_409 : i32
        %parallel_loop3A_411 = arith.constant 384 : i32
        %parallel_loop3A_412 = arith.addi %parallel_loop3A_411, %parallel_loop3A_410 : i32
        %parallel_loop3A_413 = arith.constant 3 : i32
        %parallel_loop3A_414 = arith.index_cast %parallel_loop3A_413 : i32 to index
        %parallel_loop3A_415 = arith.index_cast %parallel_loop3A_412 : i32 to index
        %parallel_loop3A_416 = tpu.vector_load %arg8[%parallel_loop3A_414, %parallel_loop3A_415] {strides = array<i32>} : memref<8x1024xf32, #tpu.memory_space<vmem>>, vector<16xf32>,
        tpu.vector_store %arg8[%parallel_loop3A_414, %parallel_loop3A_415], %parallel_loop3A_372 {strides = array<i32>} : memref<8x1024xf32, #tpu.memory_space<vmem>>, vector<16xf32>,
        %parallel_loop3A_417 = arith.constant 16 : i32
        %parallel_loop3A_418 = arith.muli %parallel_loop3A_65, %parallel_loop3A_417 : i32
        %parallel_loop3A_419 = arith.constant 512 : i32
        %parallel_loop3A_420 = arith.addi %parallel_loop3A_419, %parallel_loop3A_418 : i32
        %parallel_loop3A_421 = arith.constant 3 : i32
        %parallel_loop3A_422 = arith.index_cast %parallel_loop3A_421 : i32 to index
        %parallel_loop3A_423 = arith.index_cast %parallel_loop3A_420 : i32 to index
        %parallel_loop3A_424 = tpu.vector_load %arg8[%parallel_loop3A_422, %parallel_loop3A_423] {strides = array<i32>} : memref<8x1024xf32, #tpu.memory_space<vmem>>, vector<16xf32>,
        tpu.vector_store %arg8[%parallel_loop3A_422, %parallel_loop3A_423], %parallel_loop3A_375 {strides = array<i32>} : memref<8x1024xf32, #tpu.memory_space<vmem>>, vector<16xf32>,
        %parallel_loop3A_425 = arith.constant 16 : i32
        %parallel_loop3A_426 = arith.muli %parallel_loop3A_65, %parallel_loop3A_425 : i32
        %parallel_loop3A_427 = arith.constant 640 : i32
        %parallel_loop3A_428 = arith.addi %parallel_loop3A_427, %parallel_loop3A_426 : i32
        %parallel_loop3A_429 = arith.constant 3 : i32
        %parallel_loop3A_430 = arith.index_cast %parallel_loop3A_429 : i32 to index
        %parallel_loop3A_431 = arith.index_cast %parallel_loop3A_428 : i32 to index
        %parallel_loop3A_432 = tpu.vector_load %arg8[%parallel_loop3A_430, %parallel_loop3A_431] {strides = array<i32>} : memref<8x1024xf32, #tpu.memory_space<vmem>>, vector<16xf32>,
        tpu.vector_store %arg8[%parallel_loop3A_430, %parallel_loop3A_431], %parallel_loop3A_378 {strides = array<i32>} : memref<8x1024xf32, #tpu.memory_space<vmem>>, vector<16xf32>,
        %parallel_loop3A_433 = arith.constant 16 : i32
        %parallel_loop3A_434 = arith.muli %parallel_loop3A_65, %parallel_loop3A_433 : i32
        %parallel_loop3A_435 = arith.constant 768 : i32
        %parallel_loop3A_436 = arith.addi %parallel_loop3A_435, %parallel_loop3A_434 : i32
        %parallel_loop3A_437 = arith.constant 3 : i32
        %parallel_loop3A_438 = arith.index_cast %parallel_loop3A_437 : i32 to index
        %parallel_loop3A_439 = arith.index_cast %parallel_loop3A_436 : i32 to index
        %parallel_loop3A_440 = tpu.vector_load %arg8[%parallel_loop3A_438, %parallel_loop3A_439] {strides = array<i32>} : memref<8x1024xf32, #tpu.memory_space<vmem>>, vector<16xf32>,
        tpu.vector_store %arg8[%parallel_loop3A_438, %parallel_loop3A_439], %parallel_loop3A_381 {strides = array<i32>} : memref<8x1024xf32, #tpu.memory_space<vmem>>, vector<16xf32>,
        %parallel_loop3A_441 = arith.constant 16 : i32
        %parallel_loop3A_442 = arith.muli %parallel_loop3A_65, %parallel_loop3A_441 : i32
        %parallel_loop3A_443 = arith.constant 896 : i32
        %parallel_loop3A_444 = arith.addi %parallel_loop3A_443, %parallel_loop3A_442 : i32
        %parallel_loop3A_445 = arith.constant 3 : i32
        %parallel_loop3A_446 = arith.index_cast %parallel_loop3A_445 : i32 to index
        %parallel_loop3A_447 = arith.index_cast %parallel_loop3A_444 : i32 to index
        %parallel_loop3A_448 = tpu.vector_load %arg8[%parallel_loop3A_446, %parallel_loop3A_447] {strides = array<i32>} : memref<8x1024xf32, #tpu.memory_space<vmem>>, vector<16xf32>,
        tpu.vector_store %arg8[%parallel_loop3A_446, %parallel_loop3A_447], %parallel_loop3A_384 {strides = array<i32>} : memref<8x1024xf32, #tpu.memory_space<vmem>>, vector<16xf32>,
        %parallel_loop3A_449 = arith.constant 32 : i32
        %parallel_loop3A_450 = tpu.memref_slice %arg7[%parallel_loop3A_449] : memref<13000xf32, #tpu.memory_space<vmem>> -> memref<12944xf32, #tpu.memory_space<vmem>>
        %parallel_loop3A_451 = tpu.vector_load_idx %parallel_loop3A_450[%parallel_loop3A_75] : memref<12944xf32, #tpu.memory_space<vmem>>[vector<16xi32>], vector<16xf32>,
        %parallel_loop3A_452 = arith.constant 32 : i32
        %parallel_loop3A_453 = tpu.memref_slice %arg7[%parallel_loop3A_452] : memref<13000xf32, #tpu.memory_space<vmem>> -> memref<12944xf32, #tpu.memory_space<vmem>>
        %parallel_loop3A_454 = tpu.vector_load_idx %parallel_loop3A_453[%parallel_loop3A_78] : memref<12944xf32, #tpu.memory_space<vmem>>[vector<16xi32>], vector<16xf32>,
        %parallel_loop3A_455 = arith.constant 32 : i32
        %parallel_loop3A_456 = tpu.memref_slice %arg7[%parallel_loop3A_455] : memref<13000xf32, #tpu.memory_space<vmem>> -> memref<12944xf32, #tpu.memory_space<vmem>>
        %parallel_loop3A_457 = tpu.vector_load_idx %parallel_loop3A_456[%parallel_loop3A_81] : memref<12944xf32, #tpu.memory_space<vmem>>[vector<16xi32>], vector<16xf32>,
        %parallel_loop3A_458 = arith.constant 32 : i32
        %parallel_loop3A_459 = tpu.memref_slice %arg7[%parallel_loop3A_458] : memref<13000xf32, #tpu.memory_space<vmem>> -> memref<12944xf32, #tpu.memory_space<vmem>>
        %parallel_loop3A_460 = tpu.vector_load_idx %parallel_loop3A_459[%parallel_loop3A_84] : memref<12944xf32, #tpu.memory_space<vmem>>[vector<16xi32>], vector<16xf32>,
        %parallel_loop3A_461 = arith.constant 32 : i32
        %parallel_loop3A_462 = tpu.memref_slice %arg7[%parallel_loop3A_461] : memref<13000xf32, #tpu.memory_space<vmem>> -> memref<12944xf32, #tpu.memory_space<vmem>>
        %parallel_loop3A_463 = tpu.vector_load_idx %parallel_loop3A_462[%parallel_loop3A_87] : memref<12944xf32, #tpu.memory_space<vmem>>[vector<16xi32>], vector<16xf32>,
        %parallel_loop3A_464 = arith.constant 32 : i32
        %parallel_loop3A_465 = tpu.memref_slice %arg7[%parallel_loop3A_464] : memref<13000xf32, #tpu.memory_space<vmem>> -> memref<12944xf32, #tpu.memory_space<vmem>>
        %parallel_loop3A_466 = tpu.vector_load_idx %parallel_loop3A_465[%parallel_loop3A_90] : memref<12944xf32, #tpu.memory_space<vmem>>[vector<16xi32>], vector<16xf32>,
        %parallel_loop3A_467 = arith.constant 32 : i32
        %parallel_loop3A_468 = tpu.memref_slice %arg7[%parallel_loop3A_467] : memref<13000xf32, #tpu.memory_space<vmem>> -> memref<12944xf32, #tpu.memory_space<vmem>>
        %parallel_loop3A_469 = tpu.vector_load_idx %parallel_loop3A_468[%parallel_loop3A_93] : memref<12944xf32, #tpu.memory_space<vmem>>[vector<16xi32>], vector<16xf32>,
        %parallel_loop3A_470 = arith.constant 32 : i32
        %parallel_loop3A_471 = tpu.memref_slice %arg7[%parallel_loop3A_470] : memref<13000xf32, #tpu.memory_space<vmem>> -> memref<12944xf32, #tpu.memory_space<vmem>>
        %parallel_loop3A_472 = tpu.vector_load_idx %parallel_loop3A_471[%parallel_loop3A_96] : memref<12944xf32, #tpu.memory_space<vmem>>[vector<16xi32>], vector<16xf32>,
        %parallel_loop3A_473 = arith.constant 16 : i32
        %parallel_loop3A_474 = arith.muli %parallel_loop3A_65, %parallel_loop3A_473 : i32
        %parallel_loop3A_475 = arith.constant 0 : i32
        %parallel_loop3A_476 = arith.addi %parallel_loop3A_475, %parallel_loop3A_474 : i32
        %parallel_loop3A_477 = arith.constant 4 : i32
        %parallel_loop3A_478 = arith.index_cast %parallel_loop3A_477 : i32 to index
        %parallel_loop3A_479 = arith.index_cast %parallel_loop3A_476 : i32 to index
        %parallel_loop3A_480 = tpu.vector_load %arg8[%parallel_loop3A_478, %parallel_loop3A_479] {strides = array<i32>} : memref<8x1024xf32, #tpu.memory_space<vmem>>, vector<16xf32>,
        tpu.vector_store %arg8[%parallel_loop3A_478, %parallel_loop3A_479], %parallel_loop3A_451 {strides = array<i32>} : memref<8x1024xf32, #tpu.memory_space<vmem>>, vector<16xf32>,
        %parallel_loop3A_481 = arith.constant 16 : i32
        %parallel_loop3A_482 = arith.muli %parallel_loop3A_65, %parallel_loop3A_481 : i32
        %parallel_loop3A_483 = arith.constant 128 : i32
        %parallel_loop3A_484 = arith.addi %parallel_loop3A_483, %parallel_loop3A_482 : i32
        %parallel_loop3A_485 = arith.constant 4 : i32
        %parallel_loop3A_486 = arith.index_cast %parallel_loop3A_485 : i32 to index
        %parallel_loop3A_487 = arith.index_cast %parallel_loop3A_484 : i32 to index
        %parallel_loop3A_488 = tpu.vector_load %arg8[%parallel_loop3A_486, %parallel_loop3A_487] {strides = array<i32>} : memref<8x1024xf32, #tpu.memory_space<vmem>>, vector<16xf32>,
        tpu.vector_store %arg8[%parallel_loop3A_486, %parallel_loop3A_487], %parallel_loop3A_454 {strides = array<i32>} : memref<8x1024xf32, #tpu.memory_space<vmem>>, vector<16xf32>,
        %parallel_loop3A_489 = arith.constant 16 : i32
        %parallel_loop3A_490 = arith.muli %parallel_loop3A_65, %parallel_loop3A_489 : i32
        %parallel_loop3A_491 = arith.constant 256 : i32
        %parallel_loop3A_492 = arith.addi %parallel_loop3A_491, %parallel_loop3A_490 : i32
        %parallel_loop3A_493 = arith.constant 4 : i32
        %parallel_loop3A_494 = arith.index_cast %parallel_loop3A_493 : i32 to index
        %parallel_loop3A_495 = arith.index_cast %parallel_loop3A_492 : i32 to index
        %parallel_loop3A_496 = tpu.vector_load %arg8[%parallel_loop3A_494, %parallel_loop3A_495] {strides = array<i32>} : memref<8x1024xf32, #tpu.memory_space<vmem>>, vector<16xf32>,
        tpu.vector_store %arg8[%parallel_loop3A_494, %parallel_loop3A_495], %parallel_loop3A_457 {strides = array<i32>} : memref<8x1024xf32, #tpu.memory_space<vmem>>, vector<16xf32>,
        %parallel_loop3A_497 = arith.constant 16 : i32
        %parallel_loop3A_498 = arith.muli %parallel_loop3A_65, %parallel_loop3A_497 : i32
        %parallel_loop3A_499 = arith.constant 384 : i32
        %parallel_loop3A_500 = arith.addi %parallel_loop3A_499, %parallel_loop3A_498 : i32
        %parallel_loop3A_501 = arith.constant 4 : i32
        %parallel_loop3A_502 = arith.index_cast %parallel_loop3A_501 : i32 to index
        %parallel_loop3A_503 = arith.index_cast %parallel_loop3A_500 : i32 to index
        %parallel_loop3A_504 = tpu.vector_load %arg8[%parallel_loop3A_502, %parallel_loop3A_503] {strides = array<i32>} : memref<8x1024xf32, #tpu.memory_space<vmem>>, vector<16xf32>,
        tpu.vector_store %arg8[%parallel_loop3A_502, %parallel_loop3A_503], %parallel_loop3A_460 {strides = array<i32>} : memref<8x1024xf32, #tpu.memory_space<vmem>>, vector<16xf32>,
        %parallel_loop3A_505 = arith.constant 16 : i32
        %parallel_loop3A_506 = arith.muli %parallel_loop3A_65, %parallel_loop3A_505 : i32
        %parallel_loop3A_507 = arith.constant 512 : i32
        %parallel_loop3A_508 = arith.addi %parallel_loop3A_507, %parallel_loop3A_506 : i32
        %parallel_loop3A_509 = arith.constant 4 : i32
        %parallel_loop3A_510 = arith.index_cast %parallel_loop3A_509 : i32 to index
        %parallel_loop3A_511 = arith.index_cast %parallel_loop3A_508 : i32 to index
        %parallel_loop3A_512 = tpu.vector_load %arg8[%parallel_loop3A_510, %parallel_loop3A_511] {strides = array<i32>} : memref<8x1024xf32, #tpu.memory_space<vmem>>, vector<16xf32>,
        tpu.vector_store %arg8[%parallel_loop3A_510, %parallel_loop3A_511], %parallel_loop3A_463 {strides = array<i32>} : memref<8x1024xf32, #tpu.memory_space<vmem>>, vector<16xf32>,
        %parallel_loop3A_513 = arith.constant 16 : i32
        %parallel_loop3A_514 = arith.muli %parallel_loop3A_65, %parallel_loop3A_513 : i32
        %parallel_loop3A_515 = arith.constant 640 : i32
        %parallel_loop3A_516 = arith.addi %parallel_loop3A_515, %parallel_loop3A_514 : i32
        %parallel_loop3A_517 = arith.constant 4 : i32
        %parallel_loop3A_518 = arith.index_cast %parallel_loop3A_517 : i32 to index
        %parallel_loop3A_519 = arith.index_cast %parallel_loop3A_516 : i32 to index
        %parallel_loop3A_520 = tpu.vector_load %arg8[%parallel_loop3A_518, %parallel_loop3A_519] {strides = array<i32>} : memref<8x1024xf32, #tpu.memory_space<vmem>>, vector<16xf32>,
        tpu.vector_store %arg8[%parallel_loop3A_518, %parallel_loop3A_519], %parallel_loop3A_466 {strides = array<i32>} : memref<8x1024xf32, #tpu.memory_space<vmem>>, vector<16xf32>,
        %parallel_loop3A_521 = arith.constant 16 : i32
        %parallel_loop3A_522 = arith.muli %parallel_loop3A_65, %parallel_loop3A_521 : i32
        %parallel_loop3A_523 = arith.constant 768 : i32
        %parallel_loop3A_524 = arith.addi %parallel_loop3A_523, %parallel_loop3A_522 : i32
        %parallel_loop3A_525 = arith.constant 4 : i32
        %parallel_loop3A_526 = arith.index_cast %parallel_loop3A_525 : i32 to index
        %parallel_loop3A_527 = arith.index_cast %parallel_loop3A_524 : i32 to index
        %parallel_loop3A_528 = tpu.vector_load %arg8[%parallel_loop3A_526, %parallel_loop3A_527] {strides = array<i32>} : memref<8x1024xf32, #tpu.memory_space<vmem>>, vector<16xf32>,
        tpu.vector_store %arg8[%parallel_loop3A_526, %parallel_loop3A_527], %parallel_loop3A_469 {strides = array<i32>} : memref<8x1024xf32, #tpu.memory_space<vmem>>, vector<16xf32>,
        %parallel_loop3A_529 = arith.constant 16 : i32
        %parallel_loop3A_530 = arith.muli %parallel_loop3A_65, %parallel_loop3A_529 : i32
        %parallel_loop3A_531 = arith.constant 896 : i32
        %parallel_loop3A_532 = arith.addi %parallel_loop3A_531, %parallel_loop3A_530 : i32
        %parallel_loop3A_533 = arith.constant 4 : i32
        %parallel_loop3A_534 = arith.index_cast %parallel_loop3A_533 : i32 to index
        %parallel_loop3A_535 = arith.index_cast %parallel_loop3A_532 : i32 to index
        %parallel_loop3A_536 = tpu.vector_load %arg8[%parallel_loop3A_534, %parallel_loop3A_535] {strides = array<i32>} : memref<8x1024xf32, #tpu.memory_space<vmem>>, vector<16xf32>,
        tpu.vector_store %arg8[%parallel_loop3A_534, %parallel_loop3A_535], %parallel_loop3A_472 {strides = array<i32>} : memref<8x1024xf32, #tpu.memory_space<vmem>>, vector<16xf32>,
        %parallel_loop3A_537 = arith.constant 40 : i32
        %parallel_loop3A_538 = tpu.memref_slice %arg7[%parallel_loop3A_537] : memref<13000xf32, #tpu.memory_space<vmem>> -> memref<12944xf32, #tpu.memory_space<vmem>>
        %parallel_loop3A_539 = tpu.vector_load_idx %parallel_loop3A_538[%parallel_loop3A_75] : memref<12944xf32, #tpu.memory_space<vmem>>[vector<16xi32>], vector<16xf32>,
        %parallel_loop3A_540 = arith.constant 40 : i32
        %parallel_loop3A_541 = tpu.memref_slice %arg7[%parallel_loop3A_540] : memref<13000xf32, #tpu.memory_space<vmem>> -> memref<12944xf32, #tpu.memory_space<vmem>>
        %parallel_loop3A_542 = tpu.vector_load_idx %parallel_loop3A_541[%parallel_loop3A_78] : memref<12944xf32, #tpu.memory_space<vmem>>[vector<16xi32>], vector<16xf32>,
        %parallel_loop3A_543 = arith.constant 40 : i32
        %parallel_loop3A_544 = tpu.memref_slice %arg7[%parallel_loop3A_543] : memref<13000xf32, #tpu.memory_space<vmem>> -> memref<12944xf32, #tpu.memory_space<vmem>>
        %parallel_loop3A_545 = tpu.vector_load_idx %parallel_loop3A_544[%parallel_loop3A_81] : memref<12944xf32, #tpu.memory_space<vmem>>[vector<16xi32>], vector<16xf32>,
        %parallel_loop3A_546 = arith.constant 40 : i32
        %parallel_loop3A_547 = tpu.memref_slice %arg7[%parallel_loop3A_546] : memref<13000xf32, #tpu.memory_space<vmem>> -> memref<12944xf32, #tpu.memory_space<vmem>>
        %parallel_loop3A_548 = tpu.vector_load_idx %parallel_loop3A_547[%parallel_loop3A_84] : memref<12944xf32, #tpu.memory_space<vmem>>[vector<16xi32>], vector<16xf32>,
        %parallel_loop3A_549 = arith.constant 40 : i32
        %parallel_loop3A_550 = tpu.memref_slice %arg7[%parallel_loop3A_549] : memref<13000xf32, #tpu.memory_space<vmem>> -> memref<12944xf32, #tpu.memory_space<vmem>>
        %parallel_loop3A_551 = tpu.vector_load_idx %parallel_loop3A_550[%parallel_loop3A_87] : memref<12944xf32, #tpu.memory_space<vmem>>[vector<16xi32>], vector<16xf32>,
        %parallel_loop3A_552 = arith.constant 40 : i32
        %parallel_loop3A_553 = tpu.memref_slice %arg7[%parallel_loop3A_552] : memref<13000xf32, #tpu.memory_space<vmem>> -> memref<12944xf32, #tpu.memory_space<vmem>>
        %parallel_loop3A_554 = tpu.vector_load_idx %parallel_loop3A_553[%parallel_loop3A_90] : memref<12944xf32, #tpu.memory_space<vmem>>[vector<16xi32>], vector<16xf32>,
        %parallel_loop3A_555 = arith.constant 40 : i32
        %parallel_loop3A_556 = tpu.memref_slice %arg7[%parallel_loop3A_555] : memref<13000xf32, #tpu.memory_space<vmem>> -> memref<12944xf32, #tpu.memory_space<vmem>>
        %parallel_loop3A_557 = tpu.vector_load_idx %parallel_loop3A_556[%parallel_loop3A_93] : memref<12944xf32, #tpu.memory_space<vmem>>[vector<16xi32>], vector<16xf32>,
        %parallel_loop3A_558 = arith.constant 40 : i32
        %parallel_loop3A_559 = tpu.memref_slice %arg7[%parallel_loop3A_558] : memref<13000xf32, #tpu.memory_space<vmem>> -> memref<12944xf32, #tpu.memory_space<vmem>>
        %parallel_loop3A_560 = tpu.vector_load_idx %parallel_loop3A_559[%parallel_loop3A_96] : memref<12944xf32, #tpu.memory_space<vmem>>[vector<16xi32>], vector<16xf32>,
        %parallel_loop3A_561 = arith.constant 16 : i32
        %parallel_loop3A_562 = arith.muli %parallel_loop3A_65, %parallel_loop3A_561 : i32
        %parallel_loop3A_563 = arith.constant 0 : i32
        %parallel_loop3A_564 = arith.addi %parallel_loop3A_563, %parallel_loop3A_562 : i32
        %parallel_loop3A_565 = arith.constant 5 : i32
        %parallel_loop3A_566 = arith.index_cast %parallel_loop3A_565 : i32 to index
        %parallel_loop3A_567 = arith.index_cast %parallel_loop3A_564 : i32 to index
        %parallel_loop3A_568 = tpu.vector_load %arg8[%parallel_loop3A_566, %parallel_loop3A_567] {strides = array<i32>} : memref<8x1024xf32, #tpu.memory_space<vmem>>, vector<16xf32>,
        tpu.vector_store %arg8[%parallel_loop3A_566, %parallel_loop3A_567], %parallel_loop3A_539 {strides = array<i32>} : memref<8x1024xf32, #tpu.memory_space<vmem>>, vector<16xf32>,
        %parallel_loop3A_569 = arith.constant 16 : i32
        %parallel_loop3A_570 = arith.muli %parallel_loop3A_65, %parallel_loop3A_569 : i32
        %parallel_loop3A_571 = arith.constant 128 : i32
        %parallel_loop3A_572 = arith.addi %parallel_loop3A_571, %parallel_loop3A_570 : i32
        %parallel_loop3A_573 = arith.constant 5 : i32
        %parallel_loop3A_574 = arith.index_cast %parallel_loop3A_573 : i32 to index
        %parallel_loop3A_575 = arith.index_cast %parallel_loop3A_572 : i32 to index
        %parallel_loop3A_576 = tpu.vector_load %arg8[%parallel_loop3A_574, %parallel_loop3A_575] {strides = array<i32>} : memref<8x1024xf32, #tpu.memory_space<vmem>>, vector<16xf32>,
        tpu.vector_store %arg8[%parallel_loop3A_574, %parallel_loop3A_575], %parallel_loop3A_542 {strides = array<i32>} : memref<8x1024xf32, #tpu.memory_space<vmem>>, vector<16xf32>,
        %parallel_loop3A_577 = arith.constant 16 : i32
        %parallel_loop3A_578 = arith.muli %parallel_loop3A_65, %parallel_loop3A_577 : i32
        %parallel_loop3A_579 = arith.constant 256 : i32
        %parallel_loop3A_580 = arith.addi %parallel_loop3A_579, %parallel_loop3A_578 : i32
        %parallel_loop3A_581 = arith.constant 5 : i32
        %parallel_loop3A_582 = arith.index_cast %parallel_loop3A_581 : i32 to index
        %parallel_loop3A_583 = arith.index_cast %parallel_loop3A_580 : i32 to index
        %parallel_loop3A_584 = tpu.vector_load %arg8[%parallel_loop3A_582, %parallel_loop3A_583] {strides = array<i32>} : memref<8x1024xf32, #tpu.memory_space<vmem>>, vector<16xf32>,
        tpu.vector_store %arg8[%parallel_loop3A_582, %parallel_loop3A_583], %parallel_loop3A_545 {strides = array<i32>} : memref<8x1024xf32, #tpu.memory_space<vmem>>, vector<16xf32>,
        %parallel_loop3A_585 = arith.constant 16 : i32
        %parallel_loop3A_586 = arith.muli %parallel_loop3A_65, %parallel_loop3A_585 : i32
        %parallel_loop3A_587 = arith.constant 384 : i32
        %parallel_loop3A_588 = arith.addi %parallel_loop3A_587, %parallel_loop3A_586 : i32
        %parallel_loop3A_589 = arith.constant 5 : i32
        %parallel_loop3A_590 = arith.index_cast %parallel_loop3A_589 : i32 to index
        %parallel_loop3A_591 = arith.index_cast %parallel_loop3A_588 : i32 to index
        %parallel_loop3A_592 = tpu.vector_load %arg8[%parallel_loop3A_590, %parallel_loop3A_591] {strides = array<i32>} : memref<8x1024xf32, #tpu.memory_space<vmem>>, vector<16xf32>,
        tpu.vector_store %arg8[%parallel_loop3A_590, %parallel_loop3A_591], %parallel_loop3A_548 {strides = array<i32>} : memref<8x1024xf32, #tpu.memory_space<vmem>>, vector<16xf32>,
        %parallel_loop3A_593 = arith.constant 16 : i32
        %parallel_loop3A_594 = arith.muli %parallel_loop3A_65, %parallel_loop3A_593 : i32
        %parallel_loop3A_595 = arith.constant 512 : i32
        %parallel_loop3A_596 = arith.addi %parallel_loop3A_595, %parallel_loop3A_594 : i32
        %parallel_loop3A_597 = arith.constant 5 : i32
        %parallel_loop3A_598 = arith.index_cast %parallel_loop3A_597 : i32 to index
        %parallel_loop3A_599 = arith.index_cast %parallel_loop3A_596 : i32 to index
        %parallel_loop3A_600 = tpu.vector_load %arg8[%parallel_loop3A_598, %parallel_loop3A_599] {strides = array<i32>} : memref<8x1024xf32, #tpu.memory_space<vmem>>, vector<16xf32>,
        tpu.vector_store %arg8[%parallel_loop3A_598, %parallel_loop3A_599], %parallel_loop3A_551 {strides = array<i32>} : memref<8x1024xf32, #tpu.memory_space<vmem>>, vector<16xf32>,
        %parallel_loop3A_601 = arith.constant 16 : i32
        %parallel_loop3A_602 = arith.muli %parallel_loop3A_65, %parallel_loop3A_601 : i32
        %parallel_loop3A_603 = arith.constant 640 : i32
        %parallel_loop3A_604 = arith.addi %parallel_loop3A_603, %parallel_loop3A_602 : i32
        %parallel_loop3A_605 = arith.constant 5 : i32
        %parallel_loop3A_606 = arith.index_cast %parallel_loop3A_605 : i32 to index
        %parallel_loop3A_607 = arith.index_cast %parallel_loop3A_604 : i32 to index
        %parallel_loop3A_608 = tpu.vector_load %arg8[%parallel_loop3A_606, %parallel_loop3A_607] {strides = array<i32>} : memref<8x1024xf32, #tpu.memory_space<vmem>>, vector<16xf32>,
        tpu.vector_store %arg8[%parallel_loop3A_606, %parallel_loop3A_607], %parallel_loop3A_554 {strides = array<i32>} : memref<8x1024xf32, #tpu.memory_space<vmem>>, vector<16xf32>,
        %parallel_loop3A_609 = arith.constant 16 : i32
        %parallel_loop3A_610 = arith.muli %parallel_loop3A_65, %parallel_loop3A_609 : i32
        %parallel_loop3A_611 = arith.constant 768 : i32
        %parallel_loop3A_612 = arith.addi %parallel_loop3A_611, %parallel_loop3A_610 : i32
        %parallel_loop3A_613 = arith.constant 5 : i32
        %parallel_loop3A_614 = arith.index_cast %parallel_loop3A_613 : i32 to index
        %parallel_loop3A_615 = arith.index_cast %parallel_loop3A_612 : i32 to index
        %parallel_loop3A_616 = tpu.vector_load %arg8[%parallel_loop3A_614, %parallel_loop3A_615] {strides = array<i32>} : memref<8x1024xf32, #tpu.memory_space<vmem>>, vector<16xf32>,
        tpu.vector_store %arg8[%parallel_loop3A_614, %parallel_loop3A_615], %parallel_loop3A_557 {strides = array<i32>} : memref<8x1024xf32, #tpu.memory_space<vmem>>, vector<16xf32>,
        %parallel_loop3A_617 = arith.constant 16 : i32
        %parallel_loop3A_618 = arith.muli %parallel_loop3A_65, %parallel_loop3A_617 : i32
        %parallel_loop3A_619 = arith.constant 896 : i32
        %parallel_loop3A_620 = arith.addi %parallel_loop3A_619, %parallel_loop3A_618 : i32
        %parallel_loop3A_621 = arith.constant 5 : i32
        %parallel_loop3A_622 = arith.index_cast %parallel_loop3A_621 : i32 to index
        %parallel_loop3A_623 = arith.index_cast %parallel_loop3A_620 : i32 to index
        %parallel_loop3A_624 = tpu.vector_load %arg8[%parallel_loop3A_622, %parallel_loop3A_623] {strides = array<i32>} : memref<8x1024xf32, #tpu.memory_space<vmem>>, vector<16xf32>,
        tpu.vector_store %arg8[%parallel_loop3A_622, %parallel_loop3A_623], %parallel_loop3A_560 {strides = array<i32>} : memref<8x1024xf32, #tpu.memory_space<vmem>>, vector<16xf32>,
        %parallel_loop3A_625 = arith.constant 48 : i32
        %parallel_loop3A_626 = tpu.memref_slice %arg7[%parallel_loop3A_625] : memref<13000xf32, #tpu.memory_space<vmem>> -> memref<12944xf32, #tpu.memory_space<vmem>>
        %parallel_loop3A_627 = tpu.vector_load_idx %parallel_loop3A_626[%parallel_loop3A_75] : memref<12944xf32, #tpu.memory_space<vmem>>[vector<16xi32>], vector<16xf32>,
        %parallel_loop3A_628 = arith.constant 48 : i32
        %parallel_loop3A_629 = tpu.memref_slice %arg7[%parallel_loop3A_628] : memref<13000xf32, #tpu.memory_space<vmem>> -> memref<12944xf32, #tpu.memory_space<vmem>>
        %parallel_loop3A_630 = tpu.vector_load_idx %parallel_loop3A_629[%parallel_loop3A_78] : memref<12944xf32, #tpu.memory_space<vmem>>[vector<16xi32>], vector<16xf32>,
        %parallel_loop3A_631 = arith.constant 48 : i32
        %parallel_loop3A_632 = tpu.memref_slice %arg7[%parallel_loop3A_631] : memref<13000xf32, #tpu.memory_space<vmem>> -> memref<12944xf32, #tpu.memory_space<vmem>>
        %parallel_loop3A_633 = tpu.vector_load_idx %parallel_loop3A_632[%parallel_loop3A_81] : memref<12944xf32, #tpu.memory_space<vmem>>[vector<16xi32>], vector<16xf32>,
        %parallel_loop3A_634 = arith.constant 48 : i32
        %parallel_loop3A_635 = tpu.memref_slice %arg7[%parallel_loop3A_634] : memref<13000xf32, #tpu.memory_space<vmem>> -> memref<12944xf32, #tpu.memory_space<vmem>>
        %parallel_loop3A_636 = tpu.vector_load_idx %parallel_loop3A_635[%parallel_loop3A_84] : memref<12944xf32, #tpu.memory_space<vmem>>[vector<16xi32>], vector<16xf32>,
        %parallel_loop3A_637 = arith.constant 48 : i32
        %parallel_loop3A_638 = tpu.memref_slice %arg7[%parallel_loop3A_637] : memref<13000xf32, #tpu.memory_space<vmem>> -> memref<12944xf32, #tpu.memory_space<vmem>>
        %parallel_loop3A_639 = tpu.vector_load_idx %parallel_loop3A_638[%parallel_loop3A_87] : memref<12944xf32, #tpu.memory_space<vmem>>[vector<16xi32>], vector<16xf32>,
        %parallel_loop3A_640 = arith.constant 48 : i32
        %parallel_loop3A_641 = tpu.memref_slice %arg7[%parallel_loop3A_640] : memref<13000xf32, #tpu.memory_space<vmem>> -> memref<12944xf32, #tpu.memory_space<vmem>>
        %parallel_loop3A_642 = tpu.vector_load_idx %parallel_loop3A_641[%parallel_loop3A_90] : memref<12944xf32, #tpu.memory_space<vmem>>[vector<16xi32>], vector<16xf32>,
        %parallel_loop3A_643 = arith.constant 48 : i32
        %parallel_loop3A_644 = tpu.memref_slice %arg7[%parallel_loop3A_643] : memref<13000xf32, #tpu.memory_space<vmem>> -> memref<12944xf32, #tpu.memory_space<vmem>>
        %parallel_loop3A_645 = tpu.vector_load_idx %parallel_loop3A_644[%parallel_loop3A_93] : memref<12944xf32, #tpu.memory_space<vmem>>[vector<16xi32>], vector<16xf32>,
        %parallel_loop3A_646 = arith.constant 48 : i32
        %parallel_loop3A_647 = tpu.memref_slice %arg7[%parallel_loop3A_646] : memref<13000xf32, #tpu.memory_space<vmem>> -> memref<12944xf32, #tpu.memory_space<vmem>>
        %parallel_loop3A_648 = tpu.vector_load_idx %parallel_loop3A_647[%parallel_loop3A_96] : memref<12944xf32, #tpu.memory_space<vmem>>[vector<16xi32>], vector<16xf32>,
        %parallel_loop3A_649 = arith.constant 16 : i32
        %parallel_loop3A_650 = arith.muli %parallel_loop3A_65, %parallel_loop3A_649 : i32
        %parallel_loop3A_651 = arith.constant 0 : i32
        %parallel_loop3A_652 = arith.addi %parallel_loop3A_651, %parallel_loop3A_650 : i32
        %parallel_loop3A_653 = arith.constant 6 : i32
        %parallel_loop3A_654 = arith.index_cast %parallel_loop3A_653 : i32 to index
        %parallel_loop3A_655 = arith.index_cast %parallel_loop3A_652 : i32 to index
        %parallel_loop3A_656 = tpu.vector_load %arg8[%parallel_loop3A_654, %parallel_loop3A_655] {strides = array<i32>} : memref<8x1024xf32, #tpu.memory_space<vmem>>, vector<16xf32>,
        tpu.vector_store %arg8[%parallel_loop3A_654, %parallel_loop3A_655], %parallel_loop3A_627 {strides = array<i32>} : memref<8x1024xf32, #tpu.memory_space<vmem>>, vector<16xf32>,
        %parallel_loop3A_657 = arith.constant 16 : i32
        %parallel_loop3A_658 = arith.muli %parallel_loop3A_65, %parallel_loop3A_657 : i32
        %parallel_loop3A_659 = arith.constant 128 : i32
        %parallel_loop3A_660 = arith.addi %parallel_loop3A_659, %parallel_loop3A_658 : i32
        %parallel_loop3A_661 = arith.constant 6 : i32
        %parallel_loop3A_662 = arith.index_cast %parallel_loop3A_661 : i32 to index
        %parallel_loop3A_663 = arith.index_cast %parallel_loop3A_660 : i32 to index
        %parallel_loop3A_664 = tpu.vector_load %arg8[%parallel_loop3A_662, %parallel_loop3A_663] {strides = array<i32>} : memref<8x1024xf32, #tpu.memory_space<vmem>>, vector<16xf32>,
        tpu.vector_store %arg8[%parallel_loop3A_662, %parallel_loop3A_663], %parallel_loop3A_630 {strides = array<i32>} : memref<8x1024xf32, #tpu.memory_space<vmem>>, vector<16xf32>,
        %parallel_loop3A_665 = arith.constant 16 : i32
        %parallel_loop3A_666 = arith.muli %parallel_loop3A_65, %parallel_loop3A_665 : i32
        %parallel_loop3A_667 = arith.constant 256 : i32
        %parallel_loop3A_668 = arith.addi %parallel_loop3A_667, %parallel_loop3A_666 : i32
        %parallel_loop3A_669 = arith.constant 6 : i32
        %parallel_loop3A_670 = arith.index_cast %parallel_loop3A_669 : i32 to index
        %parallel_loop3A_671 = arith.index_cast %parallel_loop3A_668 : i32 to index
        %parallel_loop3A_672 = tpu.vector_load %arg8[%parallel_loop3A_670, %parallel_loop3A_671] {strides = array<i32>} : memref<8x1024xf32, #tpu.memory_space<vmem>>, vector<16xf32>,
        tpu.vector_store %arg8[%parallel_loop3A_670, %parallel_loop3A_671], %parallel_loop3A_633 {strides = array<i32>} : memref<8x1024xf32, #tpu.memory_space<vmem>>, vector<16xf32>,
        %parallel_loop3A_673 = arith.constant 16 : i32
        %parallel_loop3A_674 = arith.muli %parallel_loop3A_65, %parallel_loop3A_673 : i32
        %parallel_loop3A_675 = arith.constant 384 : i32
        %parallel_loop3A_676 = arith.addi %parallel_loop3A_675, %parallel_loop3A_674 : i32
        %parallel_loop3A_677 = arith.constant 6 : i32
        %parallel_loop3A_678 = arith.index_cast %parallel_loop3A_677 : i32 to index
        %parallel_loop3A_679 = arith.index_cast %parallel_loop3A_676 : i32 to index
        %parallel_loop3A_680 = tpu.vector_load %arg8[%parallel_loop3A_678, %parallel_loop3A_679] {strides = array<i32>} : memref<8x1024xf32, #tpu.memory_space<vmem>>, vector<16xf32>,
        tpu.vector_store %arg8[%parallel_loop3A_678, %parallel_loop3A_679], %parallel_loop3A_636 {strides = array<i32>} : memref<8x1024xf32, #tpu.memory_space<vmem>>, vector<16xf32>,
        %parallel_loop3A_681 = arith.constant 16 : i32
        %parallel_loop3A_682 = arith.muli %parallel_loop3A_65, %parallel_loop3A_681 : i32
        %parallel_loop3A_683 = arith.constant 512 : i32
        %parallel_loop3A_684 = arith.addi %parallel_loop3A_683, %parallel_loop3A_682 : i32
        %parallel_loop3A_685 = arith.constant 6 : i32
        %parallel_loop3A_686 = arith.index_cast %parallel_loop3A_685 : i32 to index
        %parallel_loop3A_687 = arith.index_cast %parallel_loop3A_684 : i32 to index
        %parallel_loop3A_688 = tpu.vector_load %arg8[%parallel_loop3A_686, %parallel_loop3A_687] {strides = array<i32>} : memref<8x1024xf32, #tpu.memory_space<vmem>>, vector<16xf32>,
        tpu.vector_store %arg8[%parallel_loop3A_686, %parallel_loop3A_687], %parallel_loop3A_639 {strides = array<i32>} : memref<8x1024xf32, #tpu.memory_space<vmem>>, vector<16xf32>,
        %parallel_loop3A_689 = arith.constant 16 : i32
        %parallel_loop3A_690 = arith.muli %parallel_loop3A_65, %parallel_loop3A_689 : i32
        %parallel_loop3A_691 = arith.constant 640 : i32
        %parallel_loop3A_692 = arith.addi %parallel_loop3A_691, %parallel_loop3A_690 : i32
        %parallel_loop3A_693 = arith.constant 6 : i32
        %parallel_loop3A_694 = arith.index_cast %parallel_loop3A_693 : i32 to index
        %parallel_loop3A_695 = arith.index_cast %parallel_loop3A_692 : i32 to index
        %parallel_loop3A_696 = tpu.vector_load %arg8[%parallel_loop3A_694, %parallel_loop3A_695] {strides = array<i32>} : memref<8x1024xf32, #tpu.memory_space<vmem>>, vector<16xf32>,
        tpu.vector_store %arg8[%parallel_loop3A_694, %parallel_loop3A_695], %parallel_loop3A_642 {strides = array<i32>} : memref<8x1024xf32, #tpu.memory_space<vmem>>, vector<16xf32>,
        %parallel_loop3A_697 = arith.constant 16 : i32
        %parallel_loop3A_698 = arith.muli %parallel_loop3A_65, %parallel_loop3A_697 : i32
        %parallel_loop3A_699 = arith.constant 768 : i32
        %parallel_loop3A_700 = arith.addi %parallel_loop3A_699, %parallel_loop3A_698 : i32
        %parallel_loop3A_701 = arith.constant 6 : i32
        %parallel_loop3A_702 = arith.index_cast %parallel_loop3A_701 : i32 to index
        %parallel_loop3A_703 = arith.index_cast %parallel_loop3A_700 : i32 to index
        %parallel_loop3A_704 = tpu.vector_load %arg8[%parallel_loop3A_702, %parallel_loop3A_703] {strides = array<i32>} : memref<8x1024xf32, #tpu.memory_space<vmem>>, vector<16xf32>,
        tpu.vector_store %arg8[%parallel_loop3A_702, %parallel_loop3A_703], %parallel_loop3A_645 {strides = array<i32>} : memref<8x1024xf32, #tpu.memory_space<vmem>>, vector<16xf32>,
        %parallel_loop3A_705 = arith.constant 16 : i32
        %parallel_loop3A_706 = arith.muli %parallel_loop3A_65, %parallel_loop3A_705 : i32
        %parallel_loop3A_707 = arith.constant 896 : i32
        %parallel_loop3A_708 = arith.addi %parallel_loop3A_707, %parallel_loop3A_706 : i32
        %parallel_loop3A_709 = arith.constant 6 : i32
        %parallel_loop3A_710 = arith.index_cast %parallel_loop3A_709 : i32 to index
        %parallel_loop3A_711 = arith.index_cast %parallel_loop3A_708 : i32 to index
        %parallel_loop3A_712 = tpu.vector_load %arg8[%parallel_loop3A_710, %parallel_loop3A_711] {strides = array<i32>} : memref<8x1024xf32, #tpu.memory_space<vmem>>, vector<16xf32>,
        tpu.vector_store %arg8[%parallel_loop3A_710, %parallel_loop3A_711], %parallel_loop3A_648 {strides = array<i32>} : memref<8x1024xf32, #tpu.memory_space<vmem>>, vector<16xf32>,
        %parallel_loop3A_713 = arith.constant 56 : i32
        %parallel_loop3A_714 = tpu.memref_slice %arg7[%parallel_loop3A_713] : memref<13000xf32, #tpu.memory_space<vmem>> -> memref<12944xf32, #tpu.memory_space<vmem>>
        %parallel_loop3A_715 = tpu.vector_load_idx %parallel_loop3A_714[%parallel_loop3A_75] : memref<12944xf32, #tpu.memory_space<vmem>>[vector<16xi32>], vector<16xf32>,
        %parallel_loop3A_716 = arith.constant 56 : i32
        %parallel_loop3A_717 = tpu.memref_slice %arg7[%parallel_loop3A_716] : memref<13000xf32, #tpu.memory_space<vmem>> -> memref<12944xf32, #tpu.memory_space<vmem>>
        %parallel_loop3A_718 = tpu.vector_load_idx %parallel_loop3A_717[%parallel_loop3A_78] : memref<12944xf32, #tpu.memory_space<vmem>>[vector<16xi32>], vector<16xf32>,
        %parallel_loop3A_719 = arith.constant 56 : i32
        %parallel_loop3A_720 = tpu.memref_slice %arg7[%parallel_loop3A_719] : memref<13000xf32, #tpu.memory_space<vmem>> -> memref<12944xf32, #tpu.memory_space<vmem>>
        %parallel_loop3A_721 = tpu.vector_load_idx %parallel_loop3A_720[%parallel_loop3A_81] : memref<12944xf32, #tpu.memory_space<vmem>>[vector<16xi32>], vector<16xf32>,
        %parallel_loop3A_722 = arith.constant 56 : i32
        %parallel_loop3A_723 = tpu.memref_slice %arg7[%parallel_loop3A_722] : memref<13000xf32, #tpu.memory_space<vmem>> -> memref<12944xf32, #tpu.memory_space<vmem>>
        %parallel_loop3A_724 = tpu.vector_load_idx %parallel_loop3A_723[%parallel_loop3A_84] : memref<12944xf32, #tpu.memory_space<vmem>>[vector<16xi32>], vector<16xf32>,
        %parallel_loop3A_725 = arith.constant 56 : i32
        %parallel_loop3A_726 = tpu.memref_slice %arg7[%parallel_loop3A_725] : memref<13000xf32, #tpu.memory_space<vmem>> -> memref<12944xf32, #tpu.memory_space<vmem>>
        %parallel_loop3A_727 = tpu.vector_load_idx %parallel_loop3A_726[%parallel_loop3A_87] : memref<12944xf32, #tpu.memory_space<vmem>>[vector<16xi32>], vector<16xf32>,
        %parallel_loop3A_728 = arith.constant 56 : i32
        %parallel_loop3A_729 = tpu.memref_slice %arg7[%parallel_loop3A_728] : memref<13000xf32, #tpu.memory_space<vmem>> -> memref<12944xf32, #tpu.memory_space<vmem>>
        %parallel_loop3A_730 = tpu.vector_load_idx %parallel_loop3A_729[%parallel_loop3A_90] : memref<12944xf32, #tpu.memory_space<vmem>>[vector<16xi32>], vector<16xf32>,
        %parallel_loop3A_731 = arith.constant 56 : i32
        %parallel_loop3A_732 = tpu.memref_slice %arg7[%parallel_loop3A_731] : memref<13000xf32, #tpu.memory_space<vmem>> -> memref<12944xf32, #tpu.memory_space<vmem>>
        %parallel_loop3A_733 = tpu.vector_load_idx %parallel_loop3A_732[%parallel_loop3A_93] : memref<12944xf32, #tpu.memory_space<vmem>>[vector<16xi32>], vector<16xf32>,
        %parallel_loop3A_734 = arith.constant 56 : i32
        %parallel_loop3A_735 = tpu.memref_slice %arg7[%parallel_loop3A_734] : memref<13000xf32, #tpu.memory_space<vmem>> -> memref<12944xf32, #tpu.memory_space<vmem>>
        %parallel_loop3A_736 = tpu.vector_load_idx %parallel_loop3A_735[%parallel_loop3A_96] : memref<12944xf32, #tpu.memory_space<vmem>>[vector<16xi32>], vector<16xf32>,
        %parallel_loop3A_737 = arith.constant 16 : i32
        %parallel_loop3A_738 = arith.muli %parallel_loop3A_65, %parallel_loop3A_737 : i32
        %parallel_loop3A_739 = arith.constant 0 : i32
        %parallel_loop3A_740 = arith.addi %parallel_loop3A_739, %parallel_loop3A_738 : i32
        %parallel_loop3A_741 = arith.constant 7 : i32
        %parallel_loop3A_742 = arith.index_cast %parallel_loop3A_741 : i32 to index
        %parallel_loop3A_743 = arith.index_cast %parallel_loop3A_740 : i32 to index
        %parallel_loop3A_744 = tpu.vector_load %arg8[%parallel_loop3A_742, %parallel_loop3A_743] {strides = array<i32>} : memref<8x1024xf32, #tpu.memory_space<vmem>>, vector<16xf32>,
        tpu.vector_store %arg8[%parallel_loop3A_742, %parallel_loop3A_743], %parallel_loop3A_715 {strides = array<i32>} : memref<8x1024xf32, #tpu.memory_space<vmem>>, vector<16xf32>,
        %parallel_loop3A_745 = arith.constant 16 : i32
        %parallel_loop3A_746 = arith.muli %parallel_loop3A_65, %parallel_loop3A_745 : i32
        %parallel_loop3A_747 = arith.constant 128 : i32
        %parallel_loop3A_748 = arith.addi %parallel_loop3A_747, %parallel_loop3A_746 : i32
        %parallel_loop3A_749 = arith.constant 7 : i32
        %parallel_loop3A_750 = arith.index_cast %parallel_loop3A_749 : i32 to index
        %parallel_loop3A_751 = arith.index_cast %parallel_loop3A_748 : i32 to index
        %parallel_loop3A_752 = tpu.vector_load %arg8[%parallel_loop3A_750, %parallel_loop3A_751] {strides = array<i32>} : memref<8x1024xf32, #tpu.memory_space<vmem>>, vector<16xf32>,
        tpu.vector_store %arg8[%parallel_loop3A_750, %parallel_loop3A_751], %parallel_loop3A_718 {strides = array<i32>} : memref<8x1024xf32, #tpu.memory_space<vmem>>, vector<16xf32>,
        %parallel_loop3A_753 = arith.constant 16 : i32
        %parallel_loop3A_754 = arith.muli %parallel_loop3A_65, %parallel_loop3A_753 : i32
        %parallel_loop3A_755 = arith.constant 256 : i32
        %parallel_loop3A_756 = arith.addi %parallel_loop3A_755, %parallel_loop3A_754 : i32
        %parallel_loop3A_757 = arith.constant 7 : i32
        %parallel_loop3A_758 = arith.index_cast %parallel_loop3A_757 : i32 to index
        %parallel_loop3A_759 = arith.index_cast %parallel_loop3A_756 : i32 to index
        %parallel_loop3A_760 = tpu.vector_load %arg8[%parallel_loop3A_758, %parallel_loop3A_759] {strides = array<i32>} : memref<8x1024xf32, #tpu.memory_space<vmem>>, vector<16xf32>,
        tpu.vector_store %arg8[%parallel_loop3A_758, %parallel_loop3A_759], %parallel_loop3A_721 {strides = array<i32>} : memref<8x1024xf32, #tpu.memory_space<vmem>>, vector<16xf32>,
        %parallel_loop3A_761 = arith.constant 16 : i32
        %parallel_loop3A_762 = arith.muli %parallel_loop3A_65, %parallel_loop3A_761 : i32
        %parallel_loop3A_763 = arith.constant 384 : i32
        %parallel_loop3A_764 = arith.addi %parallel_loop3A_763, %parallel_loop3A_762 : i32
        %parallel_loop3A_765 = arith.constant 7 : i32
        %parallel_loop3A_766 = arith.index_cast %parallel_loop3A_765 : i32 to index
        %parallel_loop3A_767 = arith.index_cast %parallel_loop3A_764 : i32 to index
        %parallel_loop3A_768 = tpu.vector_load %arg8[%parallel_loop3A_766, %parallel_loop3A_767] {strides = array<i32>} : memref<8x1024xf32, #tpu.memory_space<vmem>>, vector<16xf32>,
        tpu.vector_store %arg8[%parallel_loop3A_766, %parallel_loop3A_767], %parallel_loop3A_724 {strides = array<i32>} : memref<8x1024xf32, #tpu.memory_space<vmem>>, vector<16xf32>,
        %parallel_loop3A_769 = arith.constant 16 : i32
        %parallel_loop3A_770 = arith.muli %parallel_loop3A_65, %parallel_loop3A_769 : i32
        %parallel_loop3A_771 = arith.constant 512 : i32
        %parallel_loop3A_772 = arith.addi %parallel_loop3A_771, %parallel_loop3A_770 : i32
        %parallel_loop3A_773 = arith.constant 7 : i32
        %parallel_loop3A_774 = arith.index_cast %parallel_loop3A_773 : i32 to index
        %parallel_loop3A_775 = arith.index_cast %parallel_loop3A_772 : i32 to index
        %parallel_loop3A_776 = tpu.vector_load %arg8[%parallel_loop3A_774, %parallel_loop3A_775] {strides = array<i32>} : memref<8x1024xf32, #tpu.memory_space<vmem>>, vector<16xf32>,
        tpu.vector_store %arg8[%parallel_loop3A_774, %parallel_loop3A_775], %parallel_loop3A_727 {strides = array<i32>} : memref<8x1024xf32, #tpu.memory_space<vmem>>, vector<16xf32>,
        %parallel_loop3A_777 = arith.constant 16 : i32
        %parallel_loop3A_778 = arith.muli %parallel_loop3A_65, %parallel_loop3A_777 : i32
        %parallel_loop3A_779 = arith.constant 640 : i32
        %parallel_loop3A_780 = arith.addi %parallel_loop3A_779, %parallel_loop3A_778 : i32
        %parallel_loop3A_781 = arith.constant 7 : i32
        %parallel_loop3A_782 = arith.index_cast %parallel_loop3A_781 : i32 to index
        %parallel_loop3A_783 = arith.index_cast %parallel_loop3A_780 : i32 to index
        %parallel_loop3A_784 = tpu.vector_load %arg8[%parallel_loop3A_782, %parallel_loop3A_783] {strides = array<i32>} : memref<8x1024xf32, #tpu.memory_space<vmem>>, vector<16xf32>,
        tpu.vector_store %arg8[%parallel_loop3A_782, %parallel_loop3A_783], %parallel_loop3A_730 {strides = array<i32>} : memref<8x1024xf32, #tpu.memory_space<vmem>>, vector<16xf32>,
        %parallel_loop3A_785 = arith.constant 16 : i32
        %parallel_loop3A_786 = arith.muli %parallel_loop3A_65, %parallel_loop3A_785 : i32
        %parallel_loop3A_787 = arith.constant 768 : i32
        %parallel_loop3A_788 = arith.addi %parallel_loop3A_787, %parallel_loop3A_786 : i32
        %parallel_loop3A_789 = arith.constant 7 : i32
        %parallel_loop3A_790 = arith.index_cast %parallel_loop3A_789 : i32 to index
        %parallel_loop3A_791 = arith.index_cast %parallel_loop3A_788 : i32 to index
        %parallel_loop3A_792 = tpu.vector_load %arg8[%parallel_loop3A_790, %parallel_loop3A_791] {strides = array<i32>} : memref<8x1024xf32, #tpu.memory_space<vmem>>, vector<16xf32>,
        tpu.vector_store %arg8[%parallel_loop3A_790, %parallel_loop3A_791], %parallel_loop3A_733 {strides = array<i32>} : memref<8x1024xf32, #tpu.memory_space<vmem>>, vector<16xf32>,
        %parallel_loop3A_793 = arith.constant 16 : i32
        %parallel_loop3A_794 = arith.muli %parallel_loop3A_65, %parallel_loop3A_793 : i32
        %parallel_loop3A_795 = arith.constant 896 : i32
        %parallel_loop3A_796 = arith.addi %parallel_loop3A_795, %parallel_loop3A_794 : i32
        %parallel_loop3A_797 = arith.constant 7 : i32
        %parallel_loop3A_798 = arith.index_cast %parallel_loop3A_797 : i32 to index
        %parallel_loop3A_799 = arith.index_cast %parallel_loop3A_796 : i32 to index
        %parallel_loop3A_800 = tpu.vector_load %arg8[%parallel_loop3A_798, %parallel_loop3A_799] {strides = array<i32>} : memref<8x1024xf32, #tpu.memory_space<vmem>>, vector<16xf32>,
        tpu.vector_store %arg8[%parallel_loop3A_798, %parallel_loop3A_799], %parallel_loop3A_736 {strides = array<i32>} : memref<8x1024xf32, #tpu.memory_space<vmem>>, vector<16xf32>,
      } {sc.loop_unroll_factor = 4 : i64, sc.parallel_access}
      %dma_start3A = arith.constant 0 : i32
      %dma_start3A_38 = arith.constant 0 : i32
      %dma_start3A_39 = tpu.memref_slice %arg4[%mul3A_32, %dma_start3A, %add3A, %dma_start3A_38] : memref<200x8x32x1024xf32, #tpu.memory_space<hbm>> -> memref<1x8x1x1024xf32, #tpu.memory_space<hbm>>
      %dma_start3A_40 = tpu.memref_squeeze %dma_start3A_39 : memref<1x8x1x1024xf32, #tpu.memory_space<hbm>> -> memref<8x1024xf32, #tpu.memory_space<hbm>>
      %dma_start3A_41 = arith.constant 0 : i32
      %dma_start3A_42 = arith.constant 0 : i32
      %dma_start3A_43 = tpu.memref_slice %arg4[%mul3A_32, %dma_start3A_41, %add3A, %dma_start3A_42] : memref<200x8x32x1024xf32, #tpu.memory_space<hbm>> -> memref<1x8x1x1024xf32, #tpu.memory_space<hbm>>
      %dma_start3A_44 = tpu.memref_squeeze %dma_start3A_43 : memref<1x8x1x1024xf32, #tpu.memory_space<hbm>> -> memref<8x1024xf32, #tpu.memory_space<hbm>>
      tpu.enqueue_dma source(%arg8 : memref<8x1024xf32, #tpu.memory_space<vmem>>) target(%dma_start3A_44 : memref<8x1024xf32, #tpu.memory_space<hbm>>) target_semaphore(%arg10 : memref<!tpu.dma_semaphore, #tpu.memory_space<semaphore_mem>>)
      %gt3A_45 = arith.constant 0 : i32
      %gt3A_46 = arith.cmpi sgt, %scan3A_30, %gt3A_45 : i32
      %convert_element_type3A_47 = arith.extui %gt3A_46 : i1 to i32
      %cond3A_48 = arith.constant 0 : i32
      %cond3A_49 = arith.cmpi ne, %convert_element_type3A_47, %cond3A_48 : i32
      scf.if %cond3A_49 {
        %dma_wait3A_65 = arith.constant 0 : i32
        %dma_wait3A_66 = arith.constant 0 : i32
        %dma_wait3A_67 = arith.constant 0 : i32
        %dma_wait3A_68 = tpu.memref_slice %arg4[%dma_wait3A_65, %dma_wait3A_66, %add3A, %dma_wait3A_67] : memref<200x8x32x1024xf32, #tpu.memory_space<hbm>> -> memref<1x8x1x1024xf32, #tpu.memory_space<hbm>>
        %dma_wait3A_69 = tpu.memref_squeeze %dma_wait3A_68 : memref<1x8x1x1024xf32, #tpu.memory_space<hbm>> -> memref<8x1024xf32, #tpu.memory_space<hbm>>
        %dma_wait3A_70 = arith.constant 0 : i32
        %dma_wait3A_71 = arith.constant 0 : i32
        %dma_wait3A_72 = tpu.memref_slice %arg4[%dma_wait3A_65, %dma_wait3A_70, %add3A, %dma_wait3A_71] : memref<200x8x32x1024xf32, #tpu.memory_space<hbm>> -> memref<1x8x1x1024xf32, #tpu.memory_space<hbm>>
        %dma_wait3A_73 = tpu.memref_squeeze %dma_wait3A_72 : memref<1x8x1x1024xf32, #tpu.memory_space<hbm>> -> memref<8x1024xf32, #tpu.memory_space<hbm>>
        tpu.wait_dma2 semaphore(%arg11 : memref<!tpu.dma_semaphore, #tpu.memory_space<semaphore_mem>>) src(%arg9 : memref<8x1024xf32, #tpu.memory_space<vmem>>) dst(%dma_wait3A_73 : memref<8x1024xf32, #tpu.memory_space<hbm>>)
      } else {
      }
      %add3A_50 = arith.constant 1 : i32
      %add3A_51 = arith.addi %mul3A_32, %add3A_50 : i32
      %parallel_loop3A_52 = arith.constant 0 : i32
      %parallel_loop3A_53 = arith.constant 8 : i32
      %parallel_loop3A_54 = arith.constant 1 : i32
      scf.for %parallel_loop3A_65 = %parallel_loop3A_52 to %parallel_loop3A_53 step %parallel_loop3A_54  : i32 {
        %parallel_loop3A_66 = arith.constant 128 : i32
        %parallel_loop3A_67 = arith.muli %add3A_51, %parallel_loop3A_66 : i32
        %parallel_loop3A_68 = arith.constant 16 : i32
        %parallel_loop3A_69 = arith.muli %parallel_loop3A_65, %parallel_loop3A_68 : i32
        %parallel_loop3A_70 = arith.addi %parallel_loop3A_67, %parallel_loop3A_69 : i32
        %parallel_loop3A_71 = arith.index_cast %parallel_loop3A_70 : i32 to index
        %parallel_loop3A_72 = tpu.vector_load %arg6[%parallel_loop3A_71] {strides = array<i32>} : memref<25600xi32, #tpu.memory_space<vmem>>, vector<16xi32>,
        %parallel_loop3A_73 = arith.constant 0 : i32
        %parallel_loop3A_74 = vector.broadcast %parallel_loop3A_73 : i32 to vector<16xi32>
        %parallel_loop3A_75 = arith.addi %parallel_loop3A_72, %parallel_loop3A_74 : vector<16xi32>
        %parallel_loop3A_76 = arith.constant 1 : i32
        %parallel_loop3A_77 = vector.broadcast %parallel_loop3A_76 : i32 to vector<16xi32>
        %parallel_loop3A_78 = arith.addi %parallel_loop3A_72, %parallel_loop3A_77 : vector<16xi32>
        %parallel_loop3A_79 = arith.constant 2 : i32
        %parallel_loop3A_80 = vector.broadcast %parallel_loop3A_79 : i32 to vector<16xi32>
        %parallel_loop3A_81 = arith.addi %parallel_loop3A_72, %parallel_loop3A_80 : vector<16xi32>
        %parallel_loop3A_82 = arith.constant 3 : i32
        %parallel_loop3A_83 = vector.broadcast %parallel_loop3A_82 : i32 to vector<16xi32>
        %parallel_loop3A_84 = arith.addi %parallel_loop3A_72, %parallel_loop3A_83 : vector<16xi32>
        %parallel_loop3A_85 = arith.constant 4 : i32
        %parallel_loop3A_86 = vector.broadcast %parallel_loop3A_85 : i32 to vector<16xi32>
        %parallel_loop3A_87 = arith.addi %parallel_loop3A_72, %parallel_loop3A_86 : vector<16xi32>
        %parallel_loop3A_88 = arith.constant 5 : i32
        %parallel_loop3A_89 = vector.broadcast %parallel_loop3A_88 : i32 to vector<16xi32>
        %parallel_loop3A_90 = arith.addi %parallel_loop3A_72, %parallel_loop3A_89 : vector<16xi32>
        %parallel_loop3A_91 = arith.constant 6 : i32
        %parallel_loop3A_92 = vector.broadcast %parallel_loop3A_91 : i32 to vector<16xi32>
        %parallel_loop3A_93 = arith.addi %parallel_loop3A_72, %parallel_loop3A_92 : vector<16xi32>
        %parallel_loop3A_94 = arith.constant 7 : i32
        %parallel_loop3A_95 = vector.broadcast %parallel_loop3A_94 : i32 to vector<16xi32>
        %parallel_loop3A_96 = arith.addi %parallel_loop3A_72, %parallel_loop3A_95 : vector<16xi32>
        %parallel_loop3A_97 = arith.constant 0 : i32
        %parallel_loop3A_98 = tpu.memref_slice %arg7[%parallel_loop3A_97] : memref<13000xf32, #tpu.memory_space<vmem>> -> memref<12944xf32, #tpu.memory_space<vmem>>
        %parallel_loop3A_99 = tpu.vector_load_idx %parallel_loop3A_98[%parallel_loop3A_75] : memref<12944xf32, #tpu.memory_space<vmem>>[vector<16xi32>], vector<16xf32>,
        %parallel_loop3A_100 = arith.constant 0 : i32
        %parallel_loop3A_101 = tpu.memref_slice %arg7[%parallel_loop3A_100] : memref<13000xf32, #tpu.memory_space<vmem>> -> memref<12944xf32, #tpu.memory_space<vmem>>
        %parallel_loop3A_102 = tpu.vector_load_idx %parallel_loop3A_101[%parallel_loop3A_78] : memref<12944xf32, #tpu.memory_space<vmem>>[vector<16xi32>], vector<16xf32>,
        %parallel_loop3A_103 = arith.constant 0 : i32
        %parallel_loop3A_104 = tpu.memref_slice %arg7[%parallel_loop3A_103] : memref<13000xf32, #tpu.memory_space<vmem>> -> memref<12944xf32, #tpu.memory_space<vmem>>
        %parallel_loop3A_105 = tpu.vector_load_idx %parallel_loop3A_104[%parallel_loop3A_81] : memref<12944xf32, #tpu.memory_space<vmem>>[vector<16xi32>], vector<16xf32>,
        %parallel_loop3A_106 = arith.constant 0 : i32
        %parallel_loop3A_107 = tpu.memref_slice %arg7[%parallel_loop3A_106] : memref<13000xf32, #tpu.memory_space<vmem>> -> memref<12944xf32, #tpu.memory_space<vmem>>
        %parallel_loop3A_108 = tpu.vector_load_idx %parallel_loop3A_107[%parallel_loop3A_84] : memref<12944xf32, #tpu.memory_space<vmem>>[vector<16xi32>], vector<16xf32>,
        %parallel_loop3A_109 = arith.constant 0 : i32
        %parallel_loop3A_110 = tpu.memref_slice %arg7[%parallel_loop3A_109] : memref<13000xf32, #tpu.memory_space<vmem>> -> memref<12944xf32, #tpu.memory_space<vmem>>
        %parallel_loop3A_111 = tpu.vector_load_idx %parallel_loop3A_110[%parallel_loop3A_87] : memref<12944xf32, #tpu.memory_space<vmem>>[vector<16xi32>], vector<16xf32>,
        %parallel_loop3A_112 = arith.constant 0 : i32
        %parallel_loop3A_113 = tpu.memref_slice %arg7[%parallel_loop3A_112] : memref<13000xf32, #tpu.memory_space<vmem>> -> memref<12944xf32, #tpu.memory_space<vmem>>
        %parallel_loop3A_114 = tpu.vector_load_idx %parallel_loop3A_113[%parallel_loop3A_90] : memref<12944xf32, #tpu.memory_space<vmem>>[vector<16xi32>], vector<16xf32>,
        %parallel_loop3A_115 = arith.constant 0 : i32
        %parallel_loop3A_116 = tpu.memref_slice %arg7[%parallel_loop3A_115] : memref<13000xf32, #tpu.memory_space<vmem>> -> memref<12944xf32, #tpu.memory_space<vmem>>
        %parallel_loop3A_117 = tpu.vector_load_idx %parallel_loop3A_116[%parallel_loop3A_93] : memref<12944xf32, #tpu.memory_space<vmem>>[vector<16xi32>], vector<16xf32>,
        %parallel_loop3A_118 = arith.constant 0 : i32
        %parallel_loop3A_119 = tpu.memref_slice %arg7[%parallel_loop3A_118] : memref<13000xf32, #tpu.memory_space<vmem>> -> memref<12944xf32, #tpu.memory_space<vmem>>
        %parallel_loop3A_120 = tpu.vector_load_idx %parallel_loop3A_119[%parallel_loop3A_96] : memref<12944xf32, #tpu.memory_space<vmem>>[vector<16xi32>], vector<16xf32>,
        %parallel_loop3A_121 = arith.constant 16 : i32
        %parallel_loop3A_122 = arith.muli %parallel_loop3A_65, %parallel_loop3A_121 : i32
        %parallel_loop3A_123 = arith.constant 0 : i32
        %parallel_loop3A_124 = arith.addi %parallel_loop3A_123, %parallel_loop3A_122 : i32
        %parallel_loop3A_125 = arith.constant 0 : i32
        %parallel_loop3A_126 = arith.index_cast %parallel_loop3A_125 : i32 to index
        %parallel_loop3A_127 = arith.index_cast %parallel_loop3A_124 : i32 to index
        %parallel_loop3A_128 = tpu.vector_load %arg9[%parallel_loop3A_126, %parallel_loop3A_127] {strides = array<i32>} : memref<8x1024xf32, #tpu.memory_space<vmem>>, vector<16xf32>,
        tpu.vector_store %arg9[%parallel_loop3A_126, %parallel_loop3A_127], %parallel_loop3A_99 {strides = array<i32>} : memref<8x1024xf32, #tpu.memory_space<vmem>>, vector<16xf32>,
        %parallel_loop3A_129 = arith.constant 16 : i32
        %parallel_loop3A_130 = arith.muli %parallel_loop3A_65, %parallel_loop3A_129 : i32
        %parallel_loop3A_131 = arith.constant 128 : i32
        %parallel_loop3A_132 = arith.addi %parallel_loop3A_131, %parallel_loop3A_130 : i32
        %parallel_loop3A_133 = arith.constant 0 : i32
        %parallel_loop3A_134 = arith.index_cast %parallel_loop3A_133 : i32 to index
        %parallel_loop3A_135 = arith.index_cast %parallel_loop3A_132 : i32 to index
        %parallel_loop3A_136 = tpu.vector_load %arg9[%parallel_loop3A_134, %parallel_loop3A_135] {strides = array<i32>} : memref<8x1024xf32, #tpu.memory_space<vmem>>, vector<16xf32>,
        tpu.vector_store %arg9[%parallel_loop3A_134, %parallel_loop3A_135], %parallel_loop3A_102 {strides = array<i32>} : memref<8x1024xf32, #tpu.memory_space<vmem>>, vector<16xf32>,
        %parallel_loop3A_137 = arith.constant 16 : i32
        %parallel_loop3A_138 = arith.muli %parallel_loop3A_65, %parallel_loop3A_137 : i32
        %parallel_loop3A_139 = arith.constant 256 : i32
        %parallel_loop3A_140 = arith.addi %parallel_loop3A_139, %parallel_loop3A_138 : i32
        %parallel_loop3A_141 = arith.constant 0 : i32
        %parallel_loop3A_142 = arith.index_cast %parallel_loop3A_141 : i32 to index
        %parallel_loop3A_143 = arith.index_cast %parallel_loop3A_140 : i32 to index
        %parallel_loop3A_144 = tpu.vector_load %arg9[%parallel_loop3A_142, %parallel_loop3A_143] {strides = array<i32>} : memref<8x1024xf32, #tpu.memory_space<vmem>>, vector<16xf32>,
        tpu.vector_store %arg9[%parallel_loop3A_142, %parallel_loop3A_143], %parallel_loop3A_105 {strides = array<i32>} : memref<8x1024xf32, #tpu.memory_space<vmem>>, vector<16xf32>,
        %parallel_loop3A_145 = arith.constant 16 : i32
        %parallel_loop3A_146 = arith.muli %parallel_loop3A_65, %parallel_loop3A_145 : i32
        %parallel_loop3A_147 = arith.constant 384 : i32
        %parallel_loop3A_148 = arith.addi %parallel_loop3A_147, %parallel_loop3A_146 : i32
        %parallel_loop3A_149 = arith.constant 0 : i32
        %parallel_loop3A_150 = arith.index_cast %parallel_loop3A_149 : i32 to index
        %parallel_loop3A_151 = arith.index_cast %parallel_loop3A_148 : i32 to index
        %parallel_loop3A_152 = tpu.vector_load %arg9[%parallel_loop3A_150, %parallel_loop3A_151] {strides = array<i32>} : memref<8x1024xf32, #tpu.memory_space<vmem>>, vector<16xf32>,
        tpu.vector_store %arg9[%parallel_loop3A_150, %parallel_loop3A_151], %parallel_loop3A_108 {strides = array<i32>} : memref<8x1024xf32, #tpu.memory_space<vmem>>, vector<16xf32>,
        %parallel_loop3A_153 = arith.constant 16 : i32
        %parallel_loop3A_154 = arith.muli %parallel_loop3A_65, %parallel_loop3A_153 : i32
        %parallel_loop3A_155 = arith.constant 512 : i32
        %parallel_loop3A_156 = arith.addi %parallel_loop3A_155, %parallel_loop3A_154 : i32
        %parallel_loop3A_157 = arith.constant 0 : i32
        %parallel_loop3A_158 = arith.index_cast %parallel_loop3A_157 : i32 to index
        %parallel_loop3A_159 = arith.index_cast %parallel_loop3A_156 : i32 to index
        %parallel_loop3A_160 = tpu.vector_load %arg9[%parallel_loop3A_158, %parallel_loop3A_159] {strides = array<i32>} : memref<8x1024xf32, #tpu.memory_space<vmem>>, vector<16xf32>,
        tpu.vector_store %arg9[%parallel_loop3A_158, %parallel_loop3A_159], %parallel_loop3A_111 {strides = array<i32>} : memref<8x1024xf32, #tpu.memory_space<vmem>>, vector<16xf32>,
        %parallel_loop3A_161 = arith.constant 16 : i32
        %parallel_loop3A_162 = arith.muli %parallel_loop3A_65, %parallel_loop3A_161 : i32
        %parallel_loop3A_163 = arith.constant 640 : i32
        %parallel_loop3A_164 = arith.addi %parallel_loop3A_163, %parallel_loop3A_162 : i32
        %parallel_loop3A_165 = arith.constant 0 : i32
        %parallel_loop3A_166 = arith.index_cast %parallel_loop3A_165 : i32 to index
        %parallel_loop3A_167 = arith.index_cast %parallel_loop3A_164 : i32 to index
        %parallel_loop3A_168 = tpu.vector_load %arg9[%parallel_loop3A_166, %parallel_loop3A_167] {strides = array<i32>} : memref<8x1024xf32, #tpu.memory_space<vmem>>, vector<16xf32>,
        tpu.vector_store %arg9[%parallel_loop3A_166, %parallel_loop3A_167], %parallel_loop3A_114 {strides = array<i32>} : memref<8x1024xf32, #tpu.memory_space<vmem>>, vector<16xf32>,
        %parallel_loop3A_169 = arith.constant 16 : i32
        %parallel_loop3A_170 = arith.muli %parallel_loop3A_65, %parallel_loop3A_169 : i32
        %parallel_loop3A_171 = arith.constant 768 : i32
        %parallel_loop3A_172 = arith.addi %parallel_loop3A_171, %parallel_loop3A_170 : i32
        %parallel_loop3A_173 = arith.constant 0 : i32
        %parallel_loop3A_174 = arith.index_cast %parallel_loop3A_173 : i32 to index
        %parallel_loop3A_175 = arith.index_cast %parallel_loop3A_172 : i32 to index
        %parallel_loop3A_176 = tpu.vector_load %arg9[%parallel_loop3A_174, %parallel_loop3A_175] {strides = array<i32>} : memref<8x1024xf32, #tpu.memory_space<vmem>>, vector<16xf32>,
        tpu.vector_store %arg9[%parallel_loop3A_174, %parallel_loop3A_175], %parallel_loop3A_117 {strides = array<i32>} : memref<8x1024xf32, #tpu.memory_space<vmem>>, vector<16xf32>,
        %parallel_loop3A_177 = arith.constant 16 : i32
        %parallel_loop3A_178 = arith.muli %parallel_loop3A_65, %parallel_loop3A_177 : i32
        %parallel_loop3A_179 = arith.constant 896 : i32
        %parallel_loop3A_180 = arith.addi %parallel_loop3A_179, %parallel_loop3A_178 : i32
        %parallel_loop3A_181 = arith.constant 0 : i32
        %parallel_loop3A_182 = arith.index_cast %parallel_loop3A_181 : i32 to index
        %parallel_loop3A_183 = arith.index_cast %parallel_loop3A_180 : i32 to index
        %parallel_loop3A_184 = tpu.vector_load %arg9[%parallel_loop3A_182, %parallel_loop3A_183] {strides = array<i32>} : memref<8x1024xf32, #tpu.memory_space<vmem>>, vector<16xf32>,
        tpu.vector_store %arg9[%parallel_loop3A_182, %parallel_loop3A_183], %parallel_loop3A_120 {strides = array<i32>} : memref<8x1024xf32, #tpu.memory_space<vmem>>, vector<16xf32>,
        %parallel_loop3A_185 = arith.constant 8 : i32
        %parallel_loop3A_186 = tpu.memref_slice %arg7[%parallel_loop3A_185] : memref<13000xf32, #tpu.memory_space<vmem>> -> memref<12944xf32, #tpu.memory_space<vmem>>
        %parallel_loop3A_187 = tpu.vector_load_idx %parallel_loop3A_186[%parallel_loop3A_75] : memref<12944xf32, #tpu.memory_space<vmem>>[vector<16xi32>], vector<16xf32>,
        %parallel_loop3A_188 = arith.constant 8 : i32
        %parallel_loop3A_189 = tpu.memref_slice %arg7[%parallel_loop3A_188] : memref<13000xf32, #tpu.memory_space<vmem>> -> memref<12944xf32, #tpu.memory_space<vmem>>
        %parallel_loop3A_190 = tpu.vector_load_idx %parallel_loop3A_189[%parallel_loop3A_78] : memref<12944xf32, #tpu.memory_space<vmem>>[vector<16xi32>], vector<16xf32>,
        %parallel_loop3A_191 = arith.constant 8 : i32
        %parallel_loop3A_192 = tpu.memref_slice %arg7[%parallel_loop3A_191] : memref<13000xf32, #tpu.memory_space<vmem>> -> memref<12944xf32, #tpu.memory_space<vmem>>
        %parallel_loop3A_193 = tpu.vector_load_idx %parallel_loop3A_192[%parallel_loop3A_81] : memref<12944xf32, #tpu.memory_space<vmem>>[vector<16xi32>], vector<16xf32>,
        %parallel_loop3A_194 = arith.constant 8 : i32
        %parallel_loop3A_195 = tpu.memref_slice %arg7[%parallel_loop3A_194] : memref<13000xf32, #tpu.memory_space<vmem>> -> memref<12944xf32, #tpu.memory_space<vmem>>
        %parallel_loop3A_196 = tpu.vector_load_idx %parallel_loop3A_195[%parallel_loop3A_84] : memref<12944xf32, #tpu.memory_space<vmem>>[vector<16xi32>], vector<16xf32>,
        %parallel_loop3A_197 = arith.constant 8 : i32
        %parallel_loop3A_198 = tpu.memref_slice %arg7[%parallel_loop3A_197] : memref<13000xf32, #tpu.memory_space<vmem>> -> memref<12944xf32, #tpu.memory_space<vmem>>
        %parallel_loop3A_199 = tpu.vector_load_idx %parallel_loop3A_198[%parallel_loop3A_87] : memref<12944xf32, #tpu.memory_space<vmem>>[vector<16xi32>], vector<16xf32>,
        %parallel_loop3A_200 = arith.constant 8 : i32
        %parallel_loop3A_201 = tpu.memref_slice %arg7[%parallel_loop3A_200] : memref<13000xf32, #tpu.memory_space<vmem>> -> memref<12944xf32, #tpu.memory_space<vmem>>
        %parallel_loop3A_202 = tpu.vector_load_idx %parallel_loop3A_201[%parallel_loop3A_90] : memref<12944xf32, #tpu.memory_space<vmem>>[vector<16xi32>], vector<16xf32>,
        %parallel_loop3A_203 = arith.constant 8 : i32
        %parallel_loop3A_204 = tpu.memref_slice %arg7[%parallel_loop3A_203] : memref<13000xf32, #tpu.memory_space<vmem>> -> memref<12944xf32, #tpu.memory_space<vmem>>
        %parallel_loop3A_205 = tpu.vector_load_idx %parallel_loop3A_204[%parallel_loop3A_93] : memref<12944xf32, #tpu.memory_space<vmem>>[vector<16xi32>], vector<16xf32>,
        %parallel_loop3A_206 = arith.constant 8 : i32
        %parallel_loop3A_207 = tpu.memref_slice %arg7[%parallel_loop3A_206] : memref<13000xf32, #tpu.memory_space<vmem>> -> memref<12944xf32, #tpu.memory_space<vmem>>
        %parallel_loop3A_208 = tpu.vector_load_idx %parallel_loop3A_207[%parallel_loop3A_96] : memref<12944xf32, #tpu.memory_space<vmem>>[vector<16xi32>], vector<16xf32>,
        %parallel_loop3A_209 = arith.constant 16 : i32
        %parallel_loop3A_210 = arith.muli %parallel_loop3A_65, %parallel_loop3A_209 : i32
        %parallel_loop3A_211 = arith.constant 0 : i32
        %parallel_loop3A_212 = arith.addi %parallel_loop3A_211, %parallel_loop3A_210 : i32
        %parallel_loop3A_213 = arith.constant 1 : i32
        %parallel_loop3A_214 = arith.index_cast %parallel_loop3A_213 : i32 to index
        %parallel_loop3A_215 = arith.index_cast %parallel_loop3A_212 : i32 to index
        %parallel_loop3A_216 = tpu.vector_load %arg9[%parallel_loop3A_214, %parallel_loop3A_215] {strides = array<i32>} : memref<8x1024xf32, #tpu.memory_space<vmem>>, vector<16xf32>,
        tpu.vector_store %arg9[%parallel_loop3A_214, %parallel_loop3A_215], %parallel_loop3A_187 {strides = array<i32>} : memref<8x1024xf32, #tpu.memory_space<vmem>>, vector<16xf32>,
        %parallel_loop3A_217 = arith.constant 16 : i32
        %parallel_loop3A_218 = arith.muli %parallel_loop3A_65, %parallel_loop3A_217 : i32
        %parallel_loop3A_219 = arith.constant 128 : i32
        %parallel_loop3A_220 = arith.addi %parallel_loop3A_219, %parallel_loop3A_218 : i32
        %parallel_loop3A_221 = arith.constant 1 : i32
        %parallel_loop3A_222 = arith.index_cast %parallel_loop3A_221 : i32 to index
        %parallel_loop3A_223 = arith.index_cast %parallel_loop3A_220 : i32 to index
        %parallel_loop3A_224 = tpu.vector_load %arg9[%parallel_loop3A_222, %parallel_loop3A_223] {strides = array<i32>} : memref<8x1024xf32, #tpu.memory_space<vmem>>, vector<16xf32>,
        tpu.vector_store %arg9[%parallel_loop3A_222, %parallel_loop3A_223], %parallel_loop3A_190 {strides = array<i32>} : memref<8x1024xf32, #tpu.memory_space<vmem>>, vector<16xf32>,
        %parallel_loop3A_225 = arith.constant 16 : i32
        %parallel_loop3A_226 = arith.muli %parallel_loop3A_65, %parallel_loop3A_225 : i32
        %parallel_loop3A_227 = arith.constant 256 : i32
        %parallel_loop3A_228 = arith.addi %parallel_loop3A_227, %parallel_loop3A_226 : i32
        %parallel_loop3A_229 = arith.constant 1 : i32
        %parallel_loop3A_230 = arith.index_cast %parallel_loop3A_229 : i32 to index
        %parallel_loop3A_231 = arith.index_cast %parallel_loop3A_228 : i32 to index
        %parallel_loop3A_232 = tpu.vector_load %arg9[%parallel_loop3A_230, %parallel_loop3A_231] {strides = array<i32>} : memref<8x1024xf32, #tpu.memory_space<vmem>>, vector<16xf32>,
        tpu.vector_store %arg9[%parallel_loop3A_230, %parallel_loop3A_231], %parallel_loop3A_193 {strides = array<i32>} : memref<8x1024xf32, #tpu.memory_space<vmem>>, vector<16xf32>,
        %parallel_loop3A_233 = arith.constant 16 : i32
        %parallel_loop3A_234 = arith.muli %parallel_loop3A_65, %parallel_loop3A_233 : i32
        %parallel_loop3A_235 = arith.constant 384 : i32
        %parallel_loop3A_236 = arith.addi %parallel_loop3A_235, %parallel_loop3A_234 : i32
        %parallel_loop3A_237 = arith.constant 1 : i32
        %parallel_loop3A_238 = arith.index_cast %parallel_loop3A_237 : i32 to index
        %parallel_loop3A_239 = arith.index_cast %parallel_loop3A_236 : i32 to index
        %parallel_loop3A_240 = tpu.vector_load %arg9[%parallel_loop3A_238, %parallel_loop3A_239] {strides = array<i32>} : memref<8x1024xf32, #tpu.memory_space<vmem>>, vector<16xf32>,
        tpu.vector_store %arg9[%parallel_loop3A_238, %parallel_loop3A_239], %parallel_loop3A_196 {strides = array<i32>} : memref<8x1024xf32, #tpu.memory_space<vmem>>, vector<16xf32>,
        %parallel_loop3A_241 = arith.constant 16 : i32
        %parallel_loop3A_242 = arith.muli %parallel_loop3A_65, %parallel_loop3A_241 : i32
        %parallel_loop3A_243 = arith.constant 512 : i32
        %parallel_loop3A_244 = arith.addi %parallel_loop3A_243, %parallel_loop3A_242 : i32
        %parallel_loop3A_245 = arith.constant 1 : i32
        %parallel_loop3A_246 = arith.index_cast %parallel_loop3A_245 : i32 to index
        %parallel_loop3A_247 = arith.index_cast %parallel_loop3A_244 : i32 to index
        %parallel_loop3A_248 = tpu.vector_load %arg9[%parallel_loop3A_246, %parallel_loop3A_247] {strides = array<i32>} : memref<8x1024xf32, #tpu.memory_space<vmem>>, vector<16xf32>,
        tpu.vector_store %arg9[%parallel_loop3A_246, %parallel_loop3A_247], %parallel_loop3A_199 {strides = array<i32>} : memref<8x1024xf32, #tpu.memory_space<vmem>>, vector<16xf32>,
        %parallel_loop3A_249 = arith.constant 16 : i32
        %parallel_loop3A_250 = arith.muli %parallel_loop3A_65, %parallel_loop3A_249 : i32
        %parallel_loop3A_251 = arith.constant 640 : i32
        %parallel_loop3A_252 = arith.addi %parallel_loop3A_251, %parallel_loop3A_250 : i32
        %parallel_loop3A_253 = arith.constant 1 : i32
        %parallel_loop3A_254 = arith.index_cast %parallel_loop3A_253 : i32 to index
        %parallel_loop3A_255 = arith.index_cast %parallel_loop3A_252 : i32 to index
        %parallel_loop3A_256 = tpu.vector_load %arg9[%parallel_loop3A_254, %parallel_loop3A_255] {strides = array<i32>} : memref<8x1024xf32, #tpu.memory_space<vmem>>, vector<16xf32>,
        tpu.vector_store %arg9[%parallel_loop3A_254, %parallel_loop3A_255], %parallel_loop3A_202 {strides = array<i32>} : memref<8x1024xf32, #tpu.memory_space<vmem>>, vector<16xf32>,
        %parallel_loop3A_257 = arith.constant 16 : i32
        %parallel_loop3A_258 = arith.muli %parallel_loop3A_65, %parallel_loop3A_257 : i32
        %parallel_loop3A_259 = arith.constant 768 : i32
        %parallel_loop3A_260 = arith.addi %parallel_loop3A_259, %parallel_loop3A_258 : i32
        %parallel_loop3A_261 = arith.constant 1 : i32
        %parallel_loop3A_262 = arith.index_cast %parallel_loop3A_261 : i32 to index
        %parallel_loop3A_263 = arith.index_cast %parallel_loop3A_260 : i32 to index
        %parallel_loop3A_264 = tpu.vector_load %arg9[%parallel_loop3A_262, %parallel_loop3A_263] {strides = array<i32>} : memref<8x1024xf32, #tpu.memory_space<vmem>>, vector<16xf32>,
        tpu.vector_store %arg9[%parallel_loop3A_262, %parallel_loop3A_263], %parallel_loop3A_205 {strides = array<i32>} : memref<8x1024xf32, #tpu.memory_space<vmem>>, vector<16xf32>,
        %parallel_loop3A_265 = arith.constant 16 : i32
        %parallel_loop3A_266 = arith.muli %parallel_loop3A_65, %parallel_loop3A_265 : i32
        %parallel_loop3A_267 = arith.constant 896 : i32
        %parallel_loop3A_268 = arith.addi %parallel_loop3A_267, %parallel_loop3A_266 : i32
        %parallel_loop3A_269 = arith.constant 1 : i32
        %parallel_loop3A_270 = arith.index_cast %parallel_loop3A_269 : i32 to index
        %parallel_loop3A_271 = arith.index_cast %parallel_loop3A_268 : i32 to index
        %parallel_loop3A_272 = tpu.vector_load %arg9[%parallel_loop3A_270, %parallel_loop3A_271] {strides = array<i32>} : memref<8x1024xf32, #tpu.memory_space<vmem>>, vector<16xf32>,
        tpu.vector_store %arg9[%parallel_loop3A_270, %parallel_loop3A_271], %parallel_loop3A_208 {strides = array<i32>} : memref<8x1024xf32, #tpu.memory_space<vmem>>, vector<16xf32>,
        %parallel_loop3A_273 = arith.constant 16 : i32
        %parallel_loop3A_274 = tpu.memref_slice %arg7[%parallel_loop3A_273] : memref<13000xf32, #tpu.memory_space<vmem>> -> memref<12944xf32, #tpu.memory_space<vmem>>
        %parallel_loop3A_275 = tpu.vector_load_idx %parallel_loop3A_274[%parallel_loop3A_75] : memref<12944xf32, #tpu.memory_space<vmem>>[vector<16xi32>], vector<16xf32>,
        %parallel_loop3A_276 = arith.constant 16 : i32
        %parallel_loop3A_277 = tpu.memref_slice %arg7[%parallel_loop3A_276] : memref<13000xf32, #tpu.memory_space<vmem>> -> memref<12944xf32, #tpu.memory_space<vmem>>
        %parallel_loop3A_278 = tpu.vector_load_idx %parallel_loop3A_277[%parallel_loop3A_78] : memref<12944xf32, #tpu.memory_space<vmem>>[vector<16xi32>], vector<16xf32>,
        %parallel_loop3A_279 = arith.constant 16 : i32
        %parallel_loop3A_280 = tpu.memref_slice %arg7[%parallel_loop3A_279] : memref<13000xf32, #tpu.memory_space<vmem>> -> memref<12944xf32, #tpu.memory_space<vmem>>
        %parallel_loop3A_281 = tpu.vector_load_idx %parallel_loop3A_280[%parallel_loop3A_81] : memref<12944xf32, #tpu.memory_space<vmem>>[vector<16xi32>], vector<16xf32>,
        %parallel_loop3A_282 = arith.constant 16 : i32
        %parallel_loop3A_283 = tpu.memref_slice %arg7[%parallel_loop3A_282] : memref<13000xf32, #tpu.memory_space<vmem>> -> memref<12944xf32, #tpu.memory_space<vmem>>
        %parallel_loop3A_284 = tpu.vector_load_idx %parallel_loop3A_283[%parallel_loop3A_84] : memref<12944xf32, #tpu.memory_space<vmem>>[vector<16xi32>], vector<16xf32>,
        %parallel_loop3A_285 = arith.constant 16 : i32
        %parallel_loop3A_286 = tpu.memref_slice %arg7[%parallel_loop3A_285] : memref<13000xf32, #tpu.memory_space<vmem>> -> memref<12944xf32, #tpu.memory_space<vmem>>
        %parallel_loop3A_287 = tpu.vector_load_idx %parallel_loop3A_286[%parallel_loop3A_87] : memref<12944xf32, #tpu.memory_space<vmem>>[vector<16xi32>], vector<16xf32>,
        %parallel_loop3A_288 = arith.constant 16 : i32
        %parallel_loop3A_289 = tpu.memref_slice %arg7[%parallel_loop3A_288] : memref<13000xf32, #tpu.memory_space<vmem>> -> memref<12944xf32, #tpu.memory_space<vmem>>
        %parallel_loop3A_290 = tpu.vector_load_idx %parallel_loop3A_289[%parallel_loop3A_90] : memref<12944xf32, #tpu.memory_space<vmem>>[vector<16xi32>], vector<16xf32>,
        %parallel_loop3A_291 = arith.constant 16 : i32
        %parallel_loop3A_292 = tpu.memref_slice %arg7[%parallel_loop3A_291] : memref<13000xf32, #tpu.memory_space<vmem>> -> memref<12944xf32, #tpu.memory_space<vmem>>
        %parallel_loop3A_293 = tpu.vector_load_idx %parallel_loop3A_292[%parallel_loop3A_93] : memref<12944xf32, #tpu.memory_space<vmem>>[vector<16xi32>], vector<16xf32>,
        %parallel_loop3A_294 = arith.constant 16 : i32
        %parallel_loop3A_295 = tpu.memref_slice %arg7[%parallel_loop3A_294] : memref<13000xf32, #tpu.memory_space<vmem>> -> memref<12944xf32, #tpu.memory_space<vmem>>
        %parallel_loop3A_296 = tpu.vector_load_idx %parallel_loop3A_295[%parallel_loop3A_96] : memref<12944xf32, #tpu.memory_space<vmem>>[vector<16xi32>], vector<16xf32>,
        %parallel_loop3A_297 = arith.constant 16 : i32
        %parallel_loop3A_298 = arith.muli %parallel_loop3A_65, %parallel_loop3A_297 : i32
        %parallel_loop3A_299 = arith.constant 0 : i32
        %parallel_loop3A_300 = arith.addi %parallel_loop3A_299, %parallel_loop3A_298 : i32
        %parallel_loop3A_301 = arith.constant 2 : i32
        %parallel_loop3A_302 = arith.index_cast %parallel_loop3A_301 : i32 to index
        %parallel_loop3A_303 = arith.index_cast %parallel_loop3A_300 : i32 to index
        %parallel_loop3A_304 = tpu.vector_load %arg9[%parallel_loop3A_302, %parallel_loop3A_303] {strides = array<i32>} : memref<8x1024xf32, #tpu.memory_space<vmem>>, vector<16xf32>,
        tpu.vector_store %arg9[%parallel_loop3A_302, %parallel_loop3A_303], %parallel_loop3A_275 {strides = array<i32>} : memref<8x1024xf32, #tpu.memory_space<vmem>>, vector<16xf32>,
        %parallel_loop3A_305 = arith.constant 16 : i32
        %parallel_loop3A_306 = arith.muli %parallel_loop3A_65, %parallel_loop3A_305 : i32
        %parallel_loop3A_307 = arith.constant 128 : i32
        %parallel_loop3A_308 = arith.addi %parallel_loop3A_307, %parallel_loop3A_306 : i32
        %parallel_loop3A_309 = arith.constant 2 : i32
        %parallel_loop3A_310 = arith.index_cast %parallel_loop3A_309 : i32 to index
        %parallel_loop3A_311 = arith.index_cast %parallel_loop3A_308 : i32 to index
        %parallel_loop3A_312 = tpu.vector_load %arg9[%parallel_loop3A_310, %parallel_loop3A_311] {strides = array<i32>} : memref<8x1024xf32, #tpu.memory_space<vmem>>, vector<16xf32>,
        tpu.vector_store %arg9[%parallel_loop3A_310, %parallel_loop3A_311], %parallel_loop3A_278 {strides = array<i32>} : memref<8x1024xf32, #tpu.memory_space<vmem>>, vector<16xf32>,
        %parallel_loop3A_313 = arith.constant 16 : i32
        %parallel_loop3A_314 = arith.muli %parallel_loop3A_65, %parallel_loop3A_313 : i32
        %parallel_loop3A_315 = arith.constant 256 : i32
        %parallel_loop3A_316 = arith.addi %parallel_loop3A_315, %parallel_loop3A_314 : i32
        %parallel_loop3A_317 = arith.constant 2 : i32
        %parallel_loop3A_318 = arith.index_cast %parallel_loop3A_317 : i32 to index
        %parallel_loop3A_319 = arith.index_cast %parallel_loop3A_316 : i32 to index
        %parallel_loop3A_320 = tpu.vector_load %arg9[%parallel_loop3A_318, %parallel_loop3A_319] {strides = array<i32>} : memref<8x1024xf32, #tpu.memory_space<vmem>>, vector<16xf32>,
        tpu.vector_store %arg9[%parallel_loop3A_318, %parallel_loop3A_319], %parallel_loop3A_281 {strides = array<i32>} : memref<8x1024xf32, #tpu.memory_space<vmem>>, vector<16xf32>,
        %parallel_loop3A_321 = arith.constant 16 : i32
        %parallel_loop3A_322 = arith.muli %parallel_loop3A_65, %parallel_loop3A_321 : i32
        %parallel_loop3A_323 = arith.constant 384 : i32
        %parallel_loop3A_324 = arith.addi %parallel_loop3A_323, %parallel_loop3A_322 : i32
        %parallel_loop3A_325 = arith.constant 2 : i32
        %parallel_loop3A_326 = arith.index_cast %parallel_loop3A_325 : i32 to index
        %parallel_loop3A_327 = arith.index_cast %parallel_loop3A_324 : i32 to index
        %parallel_loop3A_328 = tpu.vector_load %arg9[%parallel_loop3A_326, %parallel_loop3A_327] {strides = array<i32>} : memref<8x1024xf32, #tpu.memory_space<vmem>>, vector<16xf32>,
        tpu.vector_store %arg9[%parallel_loop3A_326, %parallel_loop3A_327], %parallel_loop3A_284 {strides = array<i32>} : memref<8x1024xf32, #tpu.memory_space<vmem>>, vector<16xf32>,
        %parallel_loop3A_329 = arith.constant 16 : i32
        %parallel_loop3A_330 = arith.muli %parallel_loop3A_65, %parallel_loop3A_329 : i32
        %parallel_loop3A_331 = arith.constant 512 : i32
        %parallel_loop3A_332 = arith.addi %parallel_loop3A_331, %parallel_loop3A_330 : i32
        %parallel_loop3A_333 = arith.constant 2 : i32
        %parallel_loop3A_334 = arith.index_cast %parallel_loop3A_333 : i32 to index
        %parallel_loop3A_335 = arith.index_cast %parallel_loop3A_332 : i32 to index
        %parallel_loop3A_336 = tpu.vector_load %arg9[%parallel_loop3A_334, %parallel_loop3A_335] {strides = array<i32>} : memref<8x1024xf32, #tpu.memory_space<vmem>>, vector<16xf32>,
        tpu.vector_store %arg9[%parallel_loop3A_334, %parallel_loop3A_335], %parallel_loop3A_287 {strides = array<i32>} : memref<8x1024xf32, #tpu.memory_space<vmem>>, vector<16xf32>,
        %parallel_loop3A_337 = arith.constant 16 : i32
        %parallel_loop3A_338 = arith.muli %parallel_loop3A_65, %parallel_loop3A_337 : i32
        %parallel_loop3A_339 = arith.constant 640 : i32
        %parallel_loop3A_340 = arith.addi %parallel_loop3A_339, %parallel_loop3A_338 : i32
        %parallel_loop3A_341 = arith.constant 2 : i32
        %parallel_loop3A_342 = arith.index_cast %parallel_loop3A_341 : i32 to index
        %parallel_loop3A_343 = arith.index_cast %parallel_loop3A_340 : i32 to index
        %parallel_loop3A_344 = tpu.vector_load %arg9[%parallel_loop3A_342, %parallel_loop3A_343] {strides = array<i32>} : memref<8x1024xf32, #tpu.memory_space<vmem>>, vector<16xf32>,
        tpu.vector_store %arg9[%parallel_loop3A_342, %parallel_loop3A_343], %parallel_loop3A_290 {strides = array<i32>} : memref<8x1024xf32, #tpu.memory_space<vmem>>, vector<16xf32>,
        %parallel_loop3A_345 = arith.constant 16 : i32
        %parallel_loop3A_346 = arith.muli %parallel_loop3A_65, %parallel_loop3A_345 : i32
        %parallel_loop3A_347 = arith.constant 768 : i32
        %parallel_loop3A_348 = arith.addi %parallel_loop3A_347, %parallel_loop3A_346 : i32
        %parallel_loop3A_349 = arith.constant 2 : i32
        %parallel_loop3A_350 = arith.index_cast %parallel_loop3A_349 : i32 to index
        %parallel_loop3A_351 = arith.index_cast %parallel_loop3A_348 : i32 to index
        %parallel_loop3A_352 = tpu.vector_load %arg9[%parallel_loop3A_350, %parallel_loop3A_351] {strides = array<i32>} : memref<8x1024xf32, #tpu.memory_space<vmem>>, vector<16xf32>,
        tpu.vector_store %arg9[%parallel_loop3A_350, %parallel_loop3A_351], %parallel_loop3A_293 {strides = array<i32>} : memref<8x1024xf32, #tpu.memory_space<vmem>>, vector<16xf32>,
        %parallel_loop3A_353 = arith.constant 16 : i32
        %parallel_loop3A_354 = arith.muli %parallel_loop3A_65, %parallel_loop3A_353 : i32
        %parallel_loop3A_355 = arith.constant 896 : i32
        %parallel_loop3A_356 = arith.addi %parallel_loop3A_355, %parallel_loop3A_354 : i32
        %parallel_loop3A_357 = arith.constant 2 : i32
        %parallel_loop3A_358 = arith.index_cast %parallel_loop3A_357 : i32 to index
        %parallel_loop3A_359 = arith.index_cast %parallel_loop3A_356 : i32 to index
        %parallel_loop3A_360 = tpu.vector_load %arg9[%parallel_loop3A_358, %parallel_loop3A_359] {strides = array<i32>} : memref<8x1024xf32, #tpu.memory_space<vmem>>, vector<16xf32>,
        tpu.vector_store %arg9[%parallel_loop3A_358, %parallel_loop3A_359], %parallel_loop3A_296 {strides = array<i32>} : memref<8x1024xf32, #tpu.memory_space<vmem>>, vector<16xf32>,
        %parallel_loop3A_361 = arith.constant 24 : i32
        %parallel_loop3A_362 = tpu.memref_slice %arg7[%parallel_loop3A_361] : memref<13000xf32, #tpu.memory_space<vmem>> -> memref<12944xf32, #tpu.memory_space<vmem>>
        %parallel_loop3A_363 = tpu.vector_load_idx %parallel_loop3A_362[%parallel_loop3A_75] : memref<12944xf32, #tpu.memory_space<vmem>>[vector<16xi32>], vector<16xf32>,
        %parallel_loop3A_364 = arith.constant 24 : i32
        %parallel_loop3A_365 = tpu.memref_slice %arg7[%parallel_loop3A_364] : memref<13000xf32, #tpu.memory_space<vmem>> -> memref<12944xf32, #tpu.memory_space<vmem>>
        %parallel_loop3A_366 = tpu.vector_load_idx %parallel_loop3A_365[%parallel_loop3A_78] : memref<12944xf32, #tpu.memory_space<vmem>>[vector<16xi32>], vector<16xf32>,
        %parallel_loop3A_367 = arith.constant 24 : i32
        %parallel_loop3A_368 = tpu.memref_slice %arg7[%parallel_loop3A_367] : memref<13000xf32, #tpu.memory_space<vmem>> -> memref<12944xf32, #tpu.memory_space<vmem>>
        %parallel_loop3A_369 = tpu.vector_load_idx %parallel_loop3A_368[%parallel_loop3A_81] : memref<12944xf32, #tpu.memory_space<vmem>>[vector<16xi32>], vector<16xf32>,
        %parallel_loop3A_370 = arith.constant 24 : i32
        %parallel_loop3A_371 = tpu.memref_slice %arg7[%parallel_loop3A_370] : memref<13000xf32, #tpu.memory_space<vmem>> -> memref<12944xf32, #tpu.memory_space<vmem>>
        %parallel_loop3A_372 = tpu.vector_load_idx %parallel_loop3A_371[%parallel_loop3A_84] : memref<12944xf32, #tpu.memory_space<vmem>>[vector<16xi32>], vector<16xf32>,
        %parallel_loop3A_373 = arith.constant 24 : i32
        %parallel_loop3A_374 = tpu.memref_slice %arg7[%parallel_loop3A_373] : memref<13000xf32, #tpu.memory_space<vmem>> -> memref<12944xf32, #tpu.memory_space<vmem>>
        %parallel_loop3A_375 = tpu.vector_load_idx %parallel_loop3A_374[%parallel_loop3A_87] : memref<12944xf32, #tpu.memory_space<vmem>>[vector<16xi32>], vector<16xf32>,
        %parallel_loop3A_376 = arith.constant 24 : i32
        %parallel_loop3A_377 = tpu.memref_slice %arg7[%parallel_loop3A_376] : memref<13000xf32, #tpu.memory_space<vmem>> -> memref<12944xf32, #tpu.memory_space<vmem>>
        %parallel_loop3A_378 = tpu.vector_load_idx %parallel_loop3A_377[%parallel_loop3A_90] : memref<12944xf32, #tpu.memory_space<vmem>>[vector<16xi32>], vector<16xf32>,
        %parallel_loop3A_379 = arith.constant 24 : i32
        %parallel_loop3A_380 = tpu.memref_slice %arg7[%parallel_loop3A_379] : memref<13000xf32, #tpu.memory_space<vmem>> -> memref<12944xf32, #tpu.memory_space<vmem>>
        %parallel_loop3A_381 = tpu.vector_load_idx %parallel_loop3A_380[%parallel_loop3A_93] : memref<12944xf32, #tpu.memory_space<vmem>>[vector<16xi32>], vector<16xf32>,
        %parallel_loop3A_382 = arith.constant 24 : i32
        %parallel_loop3A_383 = tpu.memref_slice %arg7[%parallel_loop3A_382] : memref<13000xf32, #tpu.memory_space<vmem>> -> memref<12944xf32, #tpu.memory_space<vmem>>
        %parallel_loop3A_384 = tpu.vector_load_idx %parallel_loop3A_383[%parallel_loop3A_96] : memref<12944xf32, #tpu.memory_space<vmem>>[vector<16xi32>], vector<16xf32>,
        %parallel_loop3A_385 = arith.constant 16 : i32
        %parallel_loop3A_386 = arith.muli %parallel_loop3A_65, %parallel_loop3A_385 : i32
        %parallel_loop3A_387 = arith.constant 0 : i32
        %parallel_loop3A_388 = arith.addi %parallel_loop3A_387, %parallel_loop3A_386 : i32
        %parallel_loop3A_389 = arith.constant 3 : i32
        %parallel_loop3A_390 = arith.index_cast %parallel_loop3A_389 : i32 to index
        %parallel_loop3A_391 = arith.index_cast %parallel_loop3A_388 : i32 to index
        %parallel_loop3A_392 = tpu.vector_load %arg9[%parallel_loop3A_390, %parallel_loop3A_391] {strides = array<i32>} : memref<8x1024xf32, #tpu.memory_space<vmem>>, vector<16xf32>,
        tpu.vector_store %arg9[%parallel_loop3A_390, %parallel_loop3A_391], %parallel_loop3A_363 {strides = array<i32>} : memref<8x1024xf32, #tpu.memory_space<vmem>>, vector<16xf32>,
        %parallel_loop3A_393 = arith.constant 16 : i32
        %parallel_loop3A_394 = arith.muli %parallel_loop3A_65, %parallel_loop3A_393 : i32
        %parallel_loop3A_395 = arith.constant 128 : i32
        %parallel_loop3A_396 = arith.addi %parallel_loop3A_395, %parallel_loop3A_394 : i32
        %parallel_loop3A_397 = arith.constant 3 : i32
        %parallel_loop3A_398 = arith.index_cast %parallel_loop3A_397 : i32 to index
        %parallel_loop3A_399 = arith.index_cast %parallel_loop3A_396 : i32 to index
        %parallel_loop3A_400 = tpu.vector_load %arg9[%parallel_loop3A_398, %parallel_loop3A_399] {strides = array<i32>} : memref<8x1024xf32, #tpu.memory_space<vmem>>, vector<16xf32>,
        tpu.vector_store %arg9[%parallel_loop3A_398, %parallel_loop3A_399], %parallel_loop3A_366 {strides = array<i32>} : memref<8x1024xf32, #tpu.memory_space<vmem>>, vector<16xf32>,
        %parallel_loop3A_401 = arith.constant 16 : i32
        %parallel_loop3A_402 = arith.muli %parallel_loop3A_65, %parallel_loop3A_401 : i32
        %parallel_loop3A_403 = arith.constant 256 : i32
        %parallel_loop3A_404 = arith.addi %parallel_loop3A_403, %parallel_loop3A_402 : i32
        %parallel_loop3A_405 = arith.constant 3 : i32
        %parallel_loop3A_406 = arith.index_cast %parallel_loop3A_405 : i32 to index
        %parallel_loop3A_407 = arith.index_cast %parallel_loop3A_404 : i32 to index
        %parallel_loop3A_408 = tpu.vector_load %arg9[%parallel_loop3A_406, %parallel_loop3A_407] {strides = array<i32>} : memref<8x1024xf32, #tpu.memory_space<vmem>>, vector<16xf32>,
        tpu.vector_store %arg9[%parallel_loop3A_406, %parallel_loop3A_407], %parallel_loop3A_369 {strides = array<i32>} : memref<8x1024xf32, #tpu.memory_space<vmem>>, vector<16xf32>,
        %parallel_loop3A_409 = arith.constant 16 : i32
        %parallel_loop3A_410 = arith.muli %parallel_loop3A_65, %parallel_loop3A_409 : i32
        %parallel_loop3A_411 = arith.constant 384 : i32
        %parallel_loop3A_412 = arith.addi %parallel_loop3A_411, %parallel_loop3A_410 : i32
        %parallel_loop3A_413 = arith.constant 3 : i32
        %parallel_loop3A_414 = arith.index_cast %parallel_loop3A_413 : i32 to index
        %parallel_loop3A_415 = arith.index_cast %parallel_loop3A_412 : i32 to index
        %parallel_loop3A_416 = tpu.vector_load %arg9[%parallel_loop3A_414, %parallel_loop3A_415] {strides = array<i32>} : memref<8x1024xf32, #tpu.memory_space<vmem>>, vector<16xf32>,
        tpu.vector_store %arg9[%parallel_loop3A_414, %parallel_loop3A_415], %parallel_loop3A_372 {strides = array<i32>} : memref<8x1024xf32, #tpu.memory_space<vmem>>, vector<16xf32>,
        %parallel_loop3A_417 = arith.constant 16 : i32
        %parallel_loop3A_418 = arith.muli %parallel_loop3A_65, %parallel_loop3A_417 : i32
        %parallel_loop3A_419 = arith.constant 512 : i32
        %parallel_loop3A_420 = arith.addi %parallel_loop3A_419, %parallel_loop3A_418 : i32
        %parallel_loop3A_421 = arith.constant 3 : i32
        %parallel_loop3A_422 = arith.index_cast %parallel_loop3A_421 : i32 to index
        %parallel_loop3A_423 = arith.index_cast %parallel_loop3A_420 : i32 to index
        %parallel_loop3A_424 = tpu.vector_load %arg9[%parallel_loop3A_422, %parallel_loop3A_423] {strides = array<i32>} : memref<8x1024xf32, #tpu.memory_space<vmem>>, vector<16xf32>,
        tpu.vector_store %arg9[%parallel_loop3A_422, %parallel_loop3A_423], %parallel_loop3A_375 {strides = array<i32>} : memref<8x1024xf32, #tpu.memory_space<vmem>>, vector<16xf32>,
        %parallel_loop3A_425 = arith.constant 16 : i32
        %parallel_loop3A_426 = arith.muli %parallel_loop3A_65, %parallel_loop3A_425 : i32
        %parallel_loop3A_427 = arith.constant 640 : i32
        %parallel_loop3A_428 = arith.addi %parallel_loop3A_427, %parallel_loop3A_426 : i32
        %parallel_loop3A_429 = arith.constant 3 : i32
        %parallel_loop3A_430 = arith.index_cast %parallel_loop3A_429 : i32 to index
        %parallel_loop3A_431 = arith.index_cast %parallel_loop3A_428 : i32 to index
        %parallel_loop3A_432 = tpu.vector_load %arg9[%parallel_loop3A_430, %parallel_loop3A_431] {strides = array<i32>} : memref<8x1024xf32, #tpu.memory_space<vmem>>, vector<16xf32>,
        tpu.vector_store %arg9[%parallel_loop3A_430, %parallel_loop3A_431], %parallel_loop3A_378 {strides = array<i32>} : memref<8x1024xf32, #tpu.memory_space<vmem>>, vector<16xf32>,
        %parallel_loop3A_433 = arith.constant 16 : i32
        %parallel_loop3A_434 = arith.muli %parallel_loop3A_65, %parallel_loop3A_433 : i32
        %parallel_loop3A_435 = arith.constant 768 : i32
        %parallel_loop3A_436 = arith.addi %parallel_loop3A_435, %parallel_loop3A_434 : i32
        %parallel_loop3A_437 = arith.constant 3 : i32
        %parallel_loop3A_438 = arith.index_cast %parallel_loop3A_437 : i32 to index
        %parallel_loop3A_439 = arith.index_cast %parallel_loop3A_436 : i32 to index
        %parallel_loop3A_440 = tpu.vector_load %arg9[%parallel_loop3A_438, %parallel_loop3A_439] {strides = array<i32>} : memref<8x1024xf32, #tpu.memory_space<vmem>>, vector<16xf32>,
        tpu.vector_store %arg9[%parallel_loop3A_438, %parallel_loop3A_439], %parallel_loop3A_381 {strides = array<i32>} : memref<8x1024xf32, #tpu.memory_space<vmem>>, vector<16xf32>,
        %parallel_loop3A_441 = arith.constant 16 : i32
        %parallel_loop3A_442 = arith.muli %parallel_loop3A_65, %parallel_loop3A_441 : i32
        %parallel_loop3A_443 = arith.constant 896 : i32
        %parallel_loop3A_444 = arith.addi %parallel_loop3A_443, %parallel_loop3A_442 : i32
        %parallel_loop3A_445 = arith.constant 3 : i32
        %parallel_loop3A_446 = arith.index_cast %parallel_loop3A_445 : i32 to index
        %parallel_loop3A_447 = arith.index_cast %parallel_loop3A_444 : i32 to index
        %parallel_loop3A_448 = tpu.vector_load %arg9[%parallel_loop3A_446, %parallel_loop3A_447] {strides = array<i32>} : memref<8x1024xf32, #tpu.memory_space<vmem>>, vector<16xf32>,
        tpu.vector_store %arg9[%parallel_loop3A_446, %parallel_loop3A_447], %parallel_loop3A_384 {strides = array<i32>} : memref<8x1024xf32, #tpu.memory_space<vmem>>, vector<16xf32>,
        %parallel_loop3A_449 = arith.constant 32 : i32
        %parallel_loop3A_450 = tpu.memref_slice %arg7[%parallel_loop3A_449] : memref<13000xf32, #tpu.memory_space<vmem>> -> memref<12944xf32, #tpu.memory_space<vmem>>
        %parallel_loop3A_451 = tpu.vector_load_idx %parallel_loop3A_450[%parallel_loop3A_75] : memref<12944xf32, #tpu.memory_space<vmem>>[vector<16xi32>], vector<16xf32>,
        %parallel_loop3A_452 = arith.constant 32 : i32
        %parallel_loop3A_453 = tpu.memref_slice %arg7[%parallel_loop3A_452] : memref<13000xf32, #tpu.memory_space<vmem>> -> memref<12944xf32, #tpu.memory_space<vmem>>
        %parallel_loop3A_454 = tpu.vector_load_idx %parallel_loop3A_453[%parallel_loop3A_78] : memref<12944xf32, #tpu.memory_space<vmem>>[vector<16xi32>], vector<16xf32>,
        %parallel_loop3A_455 = arith.constant 32 : i32
        %parallel_loop3A_456 = tpu.memref_slice %arg7[%parallel_loop3A_455] : memref<13000xf32, #tpu.memory_space<vmem>> -> memref<12944xf32, #tpu.memory_space<vmem>>
        %parallel_loop3A_457 = tpu.vector_load_idx %parallel_loop3A_456[%parallel_loop3A_81] : memref<12944xf32, #tpu.memory_space<vmem>>[vector<16xi32>], vector<16xf32>,
        %parallel_loop3A_458 = arith.constant 32 : i32
        %parallel_loop3A_459 = tpu.memref_slice %arg7[%parallel_loop3A_458] : memref<13000xf32, #tpu.memory_space<vmem>> -> memref<12944xf32, #tpu.memory_space<vmem>>
        %parallel_loop3A_460 = tpu.vector_load_idx %parallel_loop3A_459[%parallel_loop3A_84] : memref<12944xf32, #tpu.memory_space<vmem>>[vector<16xi32>], vector<16xf32>,
        %parallel_loop3A_461 = arith.constant 32 : i32
        %parallel_loop3A_462 = tpu.memref_slice %arg7[%parallel_loop3A_461] : memref<13000xf32, #tpu.memory_space<vmem>> -> memref<12944xf32, #tpu.memory_space<vmem>>
        %parallel_loop3A_463 = tpu.vector_load_idx %parallel_loop3A_462[%parallel_loop3A_87] : memref<12944xf32, #tpu.memory_space<vmem>>[vector<16xi32>], vector<16xf32>,
        %parallel_loop3A_464 = arith.constant 32 : i32
        %parallel_loop3A_465 = tpu.memref_slice %arg7[%parallel_loop3A_464] : memref<13000xf32, #tpu.memory_space<vmem>> -> memref<12944xf32, #tpu.memory_space<vmem>>
        %parallel_loop3A_466 = tpu.vector_load_idx %parallel_loop3A_465[%parallel_loop3A_90] : memref<12944xf32, #tpu.memory_space<vmem>>[vector<16xi32>], vector<16xf32>,
        %parallel_loop3A_467 = arith.constant 32 : i32
        %parallel_loop3A_468 = tpu.memref_slice %arg7[%parallel_loop3A_467] : memref<13000xf32, #tpu.memory_space<vmem>> -> memref<12944xf32, #tpu.memory_space<vmem>>
        %parallel_loop3A_469 = tpu.vector_load_idx %parallel_loop3A_468[%parallel_loop3A_93] : memref<12944xf32, #tpu.memory_space<vmem>>[vector<16xi32>], vector<16xf32>,
        %parallel_loop3A_470 = arith.constant 32 : i32
        %parallel_loop3A_471 = tpu.memref_slice %arg7[%parallel_loop3A_470] : memref<13000xf32, #tpu.memory_space<vmem>> -> memref<12944xf32, #tpu.memory_space<vmem>>
        %parallel_loop3A_472 = tpu.vector_load_idx %parallel_loop3A_471[%parallel_loop3A_96] : memref<12944xf32, #tpu.memory_space<vmem>>[vector<16xi32>], vector<16xf32>,
        %parallel_loop3A_473 = arith.constant 16 : i32
        %parallel_loop3A_474 = arith.muli %parallel_loop3A_65, %parallel_loop3A_473 : i32
        %parallel_loop3A_475 = arith.constant 0 : i32
        %parallel_loop3A_476 = arith.addi %parallel_loop3A_475, %parallel_loop3A_474 : i32
        %parallel_loop3A_477 = arith.constant 4 : i32
        %parallel_loop3A_478 = arith.index_cast %parallel_loop3A_477 : i32 to index
        %parallel_loop3A_479 = arith.index_cast %parallel_loop3A_476 : i32 to index
        %parallel_loop3A_480 = tpu.vector_load %arg9[%parallel_loop3A_478, %parallel_loop3A_479] {strides = array<i32>} : memref<8x1024xf32, #tpu.memory_space<vmem>>, vector<16xf32>,
        tpu.vector_store %arg9[%parallel_loop3A_478, %parallel_loop3A_479], %parallel_loop3A_451 {strides = array<i32>} : memref<8x1024xf32, #tpu.memory_space<vmem>>, vector<16xf32>,
        %parallel_loop3A_481 = arith.constant 16 : i32
        %parallel_loop3A_482 = arith.muli %parallel_loop3A_65, %parallel_loop3A_481 : i32
        %parallel_loop3A_483 = arith.constant 128 : i32
        %parallel_loop3A_484 = arith.addi %parallel_loop3A_483, %parallel_loop3A_482 : i32
        %parallel_loop3A_485 = arith.constant 4 : i32
        %parallel_loop3A_486 = arith.index_cast %parallel_loop3A_485 : i32 to index
        %parallel_loop3A_487 = arith.index_cast %parallel_loop3A_484 : i32 to index
        %parallel_loop3A_488 = tpu.vector_load %arg9[%parallel_loop3A_486, %parallel_loop3A_487] {strides = array<i32>} : memref<8x1024xf32, #tpu.memory_space<vmem>>, vector<16xf32>,
        tpu.vector_store %arg9[%parallel_loop3A_486, %parallel_loop3A_487], %parallel_loop3A_454 {strides = array<i32>} : memref<8x1024xf32, #tpu.memory_space<vmem>>, vector<16xf32>,
        %parallel_loop3A_489 = arith.constant 16 : i32
        %parallel_loop3A_490 = arith.muli %parallel_loop3A_65, %parallel_loop3A_489 : i32
        %parallel_loop3A_491 = arith.constant 256 : i32
        %parallel_loop3A_492 = arith.addi %parallel_loop3A_491, %parallel_loop3A_490 : i32
        %parallel_loop3A_493 = arith.constant 4 : i32
        %parallel_loop3A_494 = arith.index_cast %parallel_loop3A_493 : i32 to index
        %parallel_loop3A_495 = arith.index_cast %parallel_loop3A_492 : i32 to index
        %parallel_loop3A_496 = tpu.vector_load %arg9[%parallel_loop3A_494, %parallel_loop3A_495] {strides = array<i32>} : memref<8x1024xf32, #tpu.memory_space<vmem>>, vector<16xf32>,
        tpu.vector_store %arg9[%parallel_loop3A_494, %parallel_loop3A_495], %parallel_loop3A_457 {strides = array<i32>} : memref<8x1024xf32, #tpu.memory_space<vmem>>, vector<16xf32>,
        %parallel_loop3A_497 = arith.constant 16 : i32
        %parallel_loop3A_498 = arith.muli %parallel_loop3A_65, %parallel_loop3A_497 : i32
        %parallel_loop3A_499 = arith.constant 384 : i32
        %parallel_loop3A_500 = arith.addi %parallel_loop3A_499, %parallel_loop3A_498 : i32
        %parallel_loop3A_501 = arith.constant 4 : i32
        %parallel_loop3A_502 = arith.index_cast %parallel_loop3A_501 : i32 to index
        %parallel_loop3A_503 = arith.index_cast %parallel_loop3A_500 : i32 to index
        %parallel_loop3A_504 = tpu.vector_load %arg9[%parallel_loop3A_502, %parallel_loop3A_503] {strides = array<i32>} : memref<8x1024xf32, #tpu.memory_space<vmem>>, vector<16xf32>,
        tpu.vector_store %arg9[%parallel_loop3A_502, %parallel_loop3A_503], %parallel_loop3A_460 {strides = array<i32>} : memref<8x1024xf32, #tpu.memory_space<vmem>>, vector<16xf32>,
        %parallel_loop3A_505 = arith.constant 16 : i32
        %parallel_loop3A_506 = arith.muli %parallel_loop3A_65, %parallel_loop3A_505 : i32
        %parallel_loop3A_507 = arith.constant 512 : i32
        %parallel_loop3A_508 = arith.addi %parallel_loop3A_507, %parallel_loop3A_506 : i32
        %parallel_loop3A_509 = arith.constant 4 : i32
        %parallel_loop3A_510 = arith.index_cast %parallel_loop3A_509 : i32 to index
        %parallel_loop3A_511 = arith.index_cast %parallel_loop3A_508 : i32 to index
        %parallel_loop3A_512 = tpu.vector_load %arg9[%parallel_loop3A_510, %parallel_loop3A_511] {strides = array<i32>} : memref<8x1024xf32, #tpu.memory_space<vmem>>, vector<16xf32>,
        tpu.vector_store %arg9[%parallel_loop3A_510, %parallel_loop3A_511], %parallel_loop3A_463 {strides = array<i32>} : memref<8x1024xf32, #tpu.memory_space<vmem>>, vector<16xf32>,
        %parallel_loop3A_513 = arith.constant 16 : i32
        %parallel_loop3A_514 = arith.muli %parallel_loop3A_65, %parallel_loop3A_513 : i32
        %parallel_loop3A_515 = arith.constant 640 : i32
        %parallel_loop3A_516 = arith.addi %parallel_loop3A_515, %parallel_loop3A_514 : i32
        %parallel_loop3A_517 = arith.constant 4 : i32
        %parallel_loop3A_518 = arith.index_cast %parallel_loop3A_517 : i32 to index
        %parallel_loop3A_519 = arith.index_cast %parallel_loop3A_516 : i32 to index
        %parallel_loop3A_520 = tpu.vector_load %arg9[%parallel_loop3A_518, %parallel_loop3A_519] {strides = array<i32>} : memref<8x1024xf32, #tpu.memory_space<vmem>>, vector<16xf32>,
        tpu.vector_store %arg9[%parallel_loop3A_518, %parallel_loop3A_519], %parallel_loop3A_466 {strides = array<i32>} : memref<8x1024xf32, #tpu.memory_space<vmem>>, vector<16xf32>,
        %parallel_loop3A_521 = arith.constant 16 : i32
        %parallel_loop3A_522 = arith.muli %parallel_loop3A_65, %parallel_loop3A_521 : i32
        %parallel_loop3A_523 = arith.constant 768 : i32
        %parallel_loop3A_524 = arith.addi %parallel_loop3A_523, %parallel_loop3A_522 : i32
        %parallel_loop3A_525 = arith.constant 4 : i32
        %parallel_loop3A_526 = arith.index_cast %parallel_loop3A_525 : i32 to index
        %parallel_loop3A_527 = arith.index_cast %parallel_loop3A_524 : i32 to index
        %parallel_loop3A_528 = tpu.vector_load %arg9[%parallel_loop3A_526, %parallel_loop3A_527] {strides = array<i32>} : memref<8x1024xf32, #tpu.memory_space<vmem>>, vector<16xf32>,
        tpu.vector_store %arg9[%parallel_loop3A_526, %parallel_loop3A_527], %parallel_loop3A_469 {strides = array<i32>} : memref<8x1024xf32, #tpu.memory_space<vmem>>, vector<16xf32>,
        %parallel_loop3A_529 = arith.constant 16 : i32
        %parallel_loop3A_530 = arith.muli %parallel_loop3A_65, %parallel_loop3A_529 : i32
        %parallel_loop3A_531 = arith.constant 896 : i32
        %parallel_loop3A_532 = arith.addi %parallel_loop3A_531, %parallel_loop3A_530 : i32
        %parallel_loop3A_533 = arith.constant 4 : i32
        %parallel_loop3A_534 = arith.index_cast %parallel_loop3A_533 : i32 to index
        %parallel_loop3A_535 = arith.index_cast %parallel_loop3A_532 : i32 to index
        %parallel_loop3A_536 = tpu.vector_load %arg9[%parallel_loop3A_534, %parallel_loop3A_535] {strides = array<i32>} : memref<8x1024xf32, #tpu.memory_space<vmem>>, vector<16xf32>,
        tpu.vector_store %arg9[%parallel_loop3A_534, %parallel_loop3A_535], %parallel_loop3A_472 {strides = array<i32>} : memref<8x1024xf32, #tpu.memory_space<vmem>>, vector<16xf32>,
        %parallel_loop3A_537 = arith.constant 40 : i32
        %parallel_loop3A_538 = tpu.memref_slice %arg7[%parallel_loop3A_537] : memref<13000xf32, #tpu.memory_space<vmem>> -> memref<12944xf32, #tpu.memory_space<vmem>>
        %parallel_loop3A_539 = tpu.vector_load_idx %parallel_loop3A_538[%parallel_loop3A_75] : memref<12944xf32, #tpu.memory_space<vmem>>[vector<16xi32>], vector<16xf32>,
        %parallel_loop3A_540 = arith.constant 40 : i32
        %parallel_loop3A_541 = tpu.memref_slice %arg7[%parallel_loop3A_540] : memref<13000xf32, #tpu.memory_space<vmem>> -> memref<12944xf32, #tpu.memory_space<vmem>>
        %parallel_loop3A_542 = tpu.vector_load_idx %parallel_loop3A_541[%parallel_loop3A_78] : memref<12944xf32, #tpu.memory_space<vmem>>[vector<16xi32>], vector<16xf32>,
        %parallel_loop3A_543 = arith.constant 40 : i32
        %parallel_loop3A_544 = tpu.memref_slice %arg7[%parallel_loop3A_543] : memref<13000xf32, #tpu.memory_space<vmem>> -> memref<12944xf32, #tpu.memory_space<vmem>>
        %parallel_loop3A_545 = tpu.vector_load_idx %parallel_loop3A_544[%parallel_loop3A_81] : memref<12944xf32, #tpu.memory_space<vmem>>[vector<16xi32>], vector<16xf32>,
        %parallel_loop3A_546 = arith.constant 40 : i32
        %parallel_loop3A_547 = tpu.memref_slice %arg7[%parallel_loop3A_546] : memref<13000xf32, #tpu.memory_space<vmem>> -> memref<12944xf32, #tpu.memory_space<vmem>>
        %parallel_loop3A_548 = tpu.vector_load_idx %parallel_loop3A_547[%parallel_loop3A_84] : memref<12944xf32, #tpu.memory_space<vmem>>[vector<16xi32>], vector<16xf32>,
        %parallel_loop3A_549 = arith.constant 40 : i32
        %parallel_loop3A_550 = tpu.memref_slice %arg7[%parallel_loop3A_549] : memref<13000xf32, #tpu.memory_space<vmem>> -> memref<12944xf32, #tpu.memory_space<vmem>>
        %parallel_loop3A_551 = tpu.vector_load_idx %parallel_loop3A_550[%parallel_loop3A_87] : memref<12944xf32, #tpu.memory_space<vmem>>[vector<16xi32>], vector<16xf32>,
        %parallel_loop3A_552 = arith.constant 40 : i32
        %parallel_loop3A_553 = tpu.memref_slice %arg7[%parallel_loop3A_552] : memref<13000xf32, #tpu.memory_space<vmem>> -> memref<12944xf32, #tpu.memory_space<vmem>>
        %parallel_loop3A_554 = tpu.vector_load_idx %parallel_loop3A_553[%parallel_loop3A_90] : memref<12944xf32, #tpu.memory_space<vmem>>[vector<16xi32>], vector<16xf32>,
        %parallel_loop3A_555 = arith.constant 40 : i32
        %parallel_loop3A_556 = tpu.memref_slice %arg7[%parallel_loop3A_555] : memref<13000xf32, #tpu.memory_space<vmem>> -> memref<12944xf32, #tpu.memory_space<vmem>>
        %parallel_loop3A_557 = tpu.vector_load_idx %parallel_loop3A_556[%parallel_loop3A_93] : memref<12944xf32, #tpu.memory_space<vmem>>[vector<16xi32>], vector<16xf32>,
        %parallel_loop3A_558 = arith.constant 40 : i32
        %parallel_loop3A_559 = tpu.memref_slice %arg7[%parallel_loop3A_558] : memref<13000xf32, #tpu.memory_space<vmem>> -> memref<12944xf32, #tpu.memory_space<vmem>>
        %parallel_loop3A_560 = tpu.vector_load_idx %parallel_loop3A_559[%parallel_loop3A_96] : memref<12944xf32, #tpu.memory_space<vmem>>[vector<16xi32>], vector<16xf32>,
        %parallel_loop3A_561 = arith.constant 16 : i32
        %parallel_loop3A_562 = arith.muli %parallel_loop3A_65, %parallel_loop3A_561 : i32
        %parallel_loop3A_563 = arith.constant 0 : i32
        %parallel_loop3A_564 = arith.addi %parallel_loop3A_563, %parallel_loop3A_562 : i32
        %parallel_loop3A_565 = arith.constant 5 : i32
        %parallel_loop3A_566 = arith.index_cast %parallel_loop3A_565 : i32 to index
        %parallel_loop3A_567 = arith.index_cast %parallel_loop3A_564 : i32 to index
        %parallel_loop3A_568 = tpu.vector_load %arg9[%parallel_loop3A_566, %parallel_loop3A_567] {strides = array<i32>} : memref<8x1024xf32, #tpu.memory_space<vmem>>, vector<16xf32>,
        tpu.vector_store %arg9[%parallel_loop3A_566, %parallel_loop3A_567], %parallel_loop3A_539 {strides = array<i32>} : memref<8x1024xf32, #tpu.memory_space<vmem>>, vector<16xf32>,
        %parallel_loop3A_569 = arith.constant 16 : i32
        %parallel_loop3A_570 = arith.muli %parallel_loop3A_65, %parallel_loop3A_569 : i32
        %parallel_loop3A_571 = arith.constant 128 : i32
        %parallel_loop3A_572 = arith.addi %parallel_loop3A_571, %parallel_loop3A_570 : i32
        %parallel_loop3A_573 = arith.constant 5 : i32
        %parallel_loop3A_574 = arith.index_cast %parallel_loop3A_573 : i32 to index
        %parallel_loop3A_575 = arith.index_cast %parallel_loop3A_572 : i32 to index
        %parallel_loop3A_576 = tpu.vector_load %arg9[%parallel_loop3A_574, %parallel_loop3A_575] {strides = array<i32>} : memref<8x1024xf32, #tpu.memory_space<vmem>>, vector<16xf32>,
        tpu.vector_store %arg9[%parallel_loop3A_574, %parallel_loop3A_575], %parallel_loop3A_542 {strides = array<i32>} : memref<8x1024xf32, #tpu.memory_space<vmem>>, vector<16xf32>,
        %parallel_loop3A_577 = arith.constant 16 : i32
        %parallel_loop3A_578 = arith.muli %parallel_loop3A_65, %parallel_loop3A_577 : i32
        %parallel_loop3A_579 = arith.constant 256 : i32
        %parallel_loop3A_580 = arith.addi %parallel_loop3A_579, %parallel_loop3A_578 : i32
        %parallel_loop3A_581 = arith.constant 5 : i32
        %parallel_loop3A_582 = arith.index_cast %parallel_loop3A_581 : i32 to index
        %parallel_loop3A_583 = arith.index_cast %parallel_loop3A_580 : i32 to index
        %parallel_loop3A_584 = tpu.vector_load %arg9[%parallel_loop3A_582, %parallel_loop3A_583] {strides = array<i32>} : memref<8x1024xf32, #tpu.memory_space<vmem>>, vector<16xf32>,
        tpu.vector_store %arg9[%parallel_loop3A_582, %parallel_loop3A_583], %parallel_loop3A_545 {strides = array<i32>} : memref<8x1024xf32, #tpu.memory_space<vmem>>, vector<16xf32>,
        %parallel_loop3A_585 = arith.constant 16 : i32
        %parallel_loop3A_586 = arith.muli %parallel_loop3A_65, %parallel_loop3A_585 : i32
        %parallel_loop3A_587 = arith.constant 384 : i32
        %parallel_loop3A_588 = arith.addi %parallel_loop3A_587, %parallel_loop3A_586 : i32
        %parallel_loop3A_589 = arith.constant 5 : i32
        %parallel_loop3A_590 = arith.index_cast %parallel_loop3A_589 : i32 to index
        %parallel_loop3A_591 = arith.index_cast %parallel_loop3A_588 : i32 to index
        %parallel_loop3A_592 = tpu.vector_load %arg9[%parallel_loop3A_590, %parallel_loop3A_591] {strides = array<i32>} : memref<8x1024xf32, #tpu.memory_space<vmem>>, vector<16xf32>,
        tpu.vector_store %arg9[%parallel_loop3A_590, %parallel_loop3A_591], %parallel_loop3A_548 {strides = array<i32>} : memref<8x1024xf32, #tpu.memory_space<vmem>>, vector<16xf32>,
        %parallel_loop3A_593 = arith.constant 16 : i32
        %parallel_loop3A_594 = arith.muli %parallel_loop3A_65, %parallel_loop3A_593 : i32
        %parallel_loop3A_595 = arith.constant 512 : i32
        %parallel_loop3A_596 = arith.addi %parallel_loop3A_595, %parallel_loop3A_594 : i32
        %parallel_loop3A_597 = arith.constant 5 : i32
        %parallel_loop3A_598 = arith.index_cast %parallel_loop3A_597 : i32 to index
        %parallel_loop3A_599 = arith.index_cast %parallel_loop3A_596 : i32 to index
        %parallel_loop3A_600 = tpu.vector_load %arg9[%parallel_loop3A_598, %parallel_loop3A_599] {strides = array<i32>} : memref<8x1024xf32, #tpu.memory_space<vmem>>, vector<16xf32>,
        tpu.vector_store %arg9[%parallel_loop3A_598, %parallel_loop3A_599], %parallel_loop3A_551 {strides = array<i32>} : memref<8x1024xf32, #tpu.memory_space<vmem>>, vector<16xf32>,
        %parallel_loop3A_601 = arith.constant 16 : i32
        %parallel_loop3A_602 = arith.muli %parallel_loop3A_65, %parallel_loop3A_601 : i32
        %parallel_loop3A_603 = arith.constant 640 : i32
        %parallel_loop3A_604 = arith.addi %parallel_loop3A_603, %parallel_loop3A_602 : i32
        %parallel_loop3A_605 = arith.constant 5 : i32
        %parallel_loop3A_606 = arith.index_cast %parallel_loop3A_605 : i32 to index
        %parallel_loop3A_607 = arith.index_cast %parallel_loop3A_604 : i32 to index
        %parallel_loop3A_608 = tpu.vector_load %arg9[%parallel_loop3A_606, %parallel_loop3A_607] {strides = array<i32>} : memref<8x1024xf32, #tpu.memory_space<vmem>>, vector<16xf32>,
        tpu.vector_store %arg9[%parallel_loop3A_606, %parallel_loop3A_607], %parallel_loop3A_554 {strides = array<i32>} : memref<8x1024xf32, #tpu.memory_space<vmem>>, vector<16xf32>,
        %parallel_loop3A_609 = arith.constant 16 : i32
        %parallel_loop3A_610 = arith.muli %parallel_loop3A_65, %parallel_loop3A_609 : i32
        %parallel_loop3A_611 = arith.constant 768 : i32
        %parallel_loop3A_612 = arith.addi %parallel_loop3A_611, %parallel_loop3A_610 : i32
        %parallel_loop3A_613 = arith.constant 5 : i32
        %parallel_loop3A_614 = arith.index_cast %parallel_loop3A_613 : i32 to index
        %parallel_loop3A_615 = arith.index_cast %parallel_loop3A_612 : i32 to index
        %parallel_loop3A_616 = tpu.vector_load %arg9[%parallel_loop3A_614, %parallel_loop3A_615] {strides = array<i32>} : memref<8x1024xf32, #tpu.memory_space<vmem>>, vector<16xf32>,
        tpu.vector_store %arg9[%parallel_loop3A_614, %parallel_loop3A_615], %parallel_loop3A_557 {strides = array<i32>} : memref<8x1024xf32, #tpu.memory_space<vmem>>, vector<16xf32>,
        %parallel_loop3A_617 = arith.constant 16 : i32
        %parallel_loop3A_618 = arith.muli %parallel_loop3A_65, %parallel_loop3A_617 : i32
        %parallel_loop3A_619 = arith.constant 896 : i32
        %parallel_loop3A_620 = arith.addi %parallel_loop3A_619, %parallel_loop3A_618 : i32
        %parallel_loop3A_621 = arith.constant 5 : i32
        %parallel_loop3A_622 = arith.index_cast %parallel_loop3A_621 : i32 to index
        %parallel_loop3A_623 = arith.index_cast %parallel_loop3A_620 : i32 to index
        %parallel_loop3A_624 = tpu.vector_load %arg9[%parallel_loop3A_622, %parallel_loop3A_623] {strides = array<i32>} : memref<8x1024xf32, #tpu.memory_space<vmem>>, vector<16xf32>,
        tpu.vector_store %arg9[%parallel_loop3A_622, %parallel_loop3A_623], %parallel_loop3A_560 {strides = array<i32>} : memref<8x1024xf32, #tpu.memory_space<vmem>>, vector<16xf32>,
        %parallel_loop3A_625 = arith.constant 48 : i32
        %parallel_loop3A_626 = tpu.memref_slice %arg7[%parallel_loop3A_625] : memref<13000xf32, #tpu.memory_space<vmem>> -> memref<12944xf32, #tpu.memory_space<vmem>>
        %parallel_loop3A_627 = tpu.vector_load_idx %parallel_loop3A_626[%parallel_loop3A_75] : memref<12944xf32, #tpu.memory_space<vmem>>[vector<16xi32>], vector<16xf32>,
        %parallel_loop3A_628 = arith.constant 48 : i32
        %parallel_loop3A_629 = tpu.memref_slice %arg7[%parallel_loop3A_628] : memref<13000xf32, #tpu.memory_space<vmem>> -> memref<12944xf32, #tpu.memory_space<vmem>>
        %parallel_loop3A_630 = tpu.vector_load_idx %parallel_loop3A_629[%parallel_loop3A_78] : memref<12944xf32, #tpu.memory_space<vmem>>[vector<16xi32>], vector<16xf32>,
        %parallel_loop3A_631 = arith.constant 48 : i32
        %parallel_loop3A_632 = tpu.memref_slice %arg7[%parallel_loop3A_631] : memref<13000xf32, #tpu.memory_space<vmem>> -> memref<12944xf32, #tpu.memory_space<vmem>>
        %parallel_loop3A_633 = tpu.vector_load_idx %parallel_loop3A_632[%parallel_loop3A_81] : memref<12944xf32, #tpu.memory_space<vmem>>[vector<16xi32>], vector<16xf32>,
        %parallel_loop3A_634 = arith.constant 48 : i32
        %parallel_loop3A_635 = tpu.memref_slice %arg7[%parallel_loop3A_634] : memref<13000xf32, #tpu.memory_space<vmem>> -> memref<12944xf32, #tpu.memory_space<vmem>>
        %parallel_loop3A_636 = tpu.vector_load_idx %parallel_loop3A_635[%parallel_loop3A_84] : memref<12944xf32, #tpu.memory_space<vmem>>[vector<16xi32>], vector<16xf32>,
        %parallel_loop3A_637 = arith.constant 48 : i32
        %parallel_loop3A_638 = tpu.memref_slice %arg7[%parallel_loop3A_637] : memref<13000xf32, #tpu.memory_space<vmem>> -> memref<12944xf32, #tpu.memory_space<vmem>>
        %parallel_loop3A_639 = tpu.vector_load_idx %parallel_loop3A_638[%parallel_loop3A_87] : memref<12944xf32, #tpu.memory_space<vmem>>[vector<16xi32>], vector<16xf32>,
        %parallel_loop3A_640 = arith.constant 48 : i32
        %parallel_loop3A_641 = tpu.memref_slice %arg7[%parallel_loop3A_640] : memref<13000xf32, #tpu.memory_space<vmem>> -> memref<12944xf32, #tpu.memory_space<vmem>>
        %parallel_loop3A_642 = tpu.vector_load_idx %parallel_loop3A_641[%parallel_loop3A_90] : memref<12944xf32, #tpu.memory_space<vmem>>[vector<16xi32>], vector<16xf32>,
        %parallel_loop3A_643 = arith.constant 48 : i32
        %parallel_loop3A_644 = tpu.memref_slice %arg7[%parallel_loop3A_643] : memref<13000xf32, #tpu.memory_space<vmem>> -> memref<12944xf32, #tpu.memory_space<vmem>>
        %parallel_loop3A_645 = tpu.vector_load_idx %parallel_loop3A_644[%parallel_loop3A_93] : memref<12944xf32, #tpu.memory_space<vmem>>[vector<16xi32>], vector<16xf32>,
        %parallel_loop3A_646 = arith.constant 48 : i32
        %parallel_loop3A_647 = tpu.memref_slice %arg7[%parallel_loop3A_646] : memref<13000xf32, #tpu.memory_space<vmem>> -> memref<12944xf32, #tpu.memory_space<vmem>>
        %parallel_loop3A_648 = tpu.vector_load_idx %parallel_loop3A_647[%parallel_loop3A_96] : memref<12944xf32, #tpu.memory_space<vmem>>[vector<16xi32>], vector<16xf32>,
        %parallel_loop3A_649 = arith.constant 16 : i32
        %parallel_loop3A_650 = arith.muli %parallel_loop3A_65, %parallel_loop3A_649 : i32
        %parallel_loop3A_651 = arith.constant 0 : i32
        %parallel_loop3A_652 = arith.addi %parallel_loop3A_651, %parallel_loop3A_650 : i32
        %parallel_loop3A_653 = arith.constant 6 : i32
        %parallel_loop3A_654 = arith.index_cast %parallel_loop3A_653 : i32 to index
        %parallel_loop3A_655 = arith.index_cast %parallel_loop3A_652 : i32 to index
        %parallel_loop3A_656 = tpu.vector_load %arg9[%parallel_loop3A_654, %parallel_loop3A_655] {strides = array<i32>} : memref<8x1024xf32, #tpu.memory_space<vmem>>, vector<16xf32>,
        tpu.vector_store %arg9[%parallel_loop3A_654, %parallel_loop3A_655], %parallel_loop3A_627 {strides = array<i32>} : memref<8x1024xf32, #tpu.memory_space<vmem>>, vector<16xf32>,
        %parallel_loop3A_657 = arith.constant 16 : i32
        %parallel_loop3A_658 = arith.muli %parallel_loop3A_65, %parallel_loop3A_657 : i32
        %parallel_loop3A_659 = arith.constant 128 : i32
        %parallel_loop3A_660 = arith.addi %parallel_loop3A_659, %parallel_loop3A_658 : i32
        %parallel_loop3A_661 = arith.constant 6 : i32
        %parallel_loop3A_662 = arith.index_cast %parallel_loop3A_661 : i32 to index
        %parallel_loop3A_663 = arith.index_cast %parallel_loop3A_660 : i32 to index
        %parallel_loop3A_664 = tpu.vector_load %arg9[%parallel_loop3A_662, %parallel_loop3A_663] {strides = array<i32>} : memref<8x1024xf32, #tpu.memory_space<vmem>>, vector<16xf32>,
        tpu.vector_store %arg9[%parallel_loop3A_662, %parallel_loop3A_663], %parallel_loop3A_630 {strides = array<i32>} : memref<8x1024xf32, #tpu.memory_space<vmem>>, vector<16xf32>,
        %parallel_loop3A_665 = arith.constant 16 : i32
        %parallel_loop3A_666 = arith.muli %parallel_loop3A_65, %parallel_loop3A_665 : i32
        %parallel_loop3A_667 = arith.constant 256 : i32
        %parallel_loop3A_668 = arith.addi %parallel_loop3A_667, %parallel_loop3A_666 : i32
        %parallel_loop3A_669 = arith.constant 6 : i32
        %parallel_loop3A_670 = arith.index_cast %parallel_loop3A_669 : i32 to index
        %parallel_loop3A_671 = arith.index_cast %parallel_loop3A_668 : i32 to index
        %parallel_loop3A_672 = tpu.vector_load %arg9[%parallel_loop3A_670, %parallel_loop3A_671] {strides = array<i32>} : memref<8x1024xf32, #tpu.memory_space<vmem>>, vector<16xf32>,
        tpu.vector_store %arg9[%parallel_loop3A_670, %parallel_loop3A_671], %parallel_loop3A_633 {strides = array<i32>} : memref<8x1024xf32, #tpu.memory_space<vmem>>, vector<16xf32>,
        %parallel_loop3A_673 = arith.constant 16 : i32
        %parallel_loop3A_674 = arith.muli %parallel_loop3A_65, %parallel_loop3A_673 : i32
        %parallel_loop3A_675 = arith.constant 384 : i32
        %parallel_loop3A_676 = arith.addi %parallel_loop3A_675, %parallel_loop3A_674 : i32
        %parallel_loop3A_677 = arith.constant 6 : i32
        %parallel_loop3A_678 = arith.index_cast %parallel_loop3A_677 : i32 to index
        %parallel_loop3A_679 = arith.index_cast %parallel_loop3A_676 : i32 to index
        %parallel_loop3A_680 = tpu.vector_load %arg9[%parallel_loop3A_678, %parallel_loop3A_679] {strides = array<i32>} : memref<8x1024xf32, #tpu.memory_space<vmem>>, vector<16xf32>,
        tpu.vector_store %arg9[%parallel_loop3A_678, %parallel_loop3A_679], %parallel_loop3A_636 {strides = array<i32>} : memref<8x1024xf32, #tpu.memory_space<vmem>>, vector<16xf32>,
        %parallel_loop3A_681 = arith.constant 16 : i32
        %parallel_loop3A_682 = arith.muli %parallel_loop3A_65, %parallel_loop3A_681 : i32
        %parallel_loop3A_683 = arith.constant 512 : i32
        %parallel_loop3A_684 = arith.addi %parallel_loop3A_683, %parallel_loop3A_682 : i32
        %parallel_loop3A_685 = arith.constant 6 : i32
        %parallel_loop3A_686 = arith.index_cast %parallel_loop3A_685 : i32 to index
        %parallel_loop3A_687 = arith.index_cast %parallel_loop3A_684 : i32 to index
        %parallel_loop3A_688 = tpu.vector_load %arg9[%parallel_loop3A_686, %parallel_loop3A_687] {strides = array<i32>} : memref<8x1024xf32, #tpu.memory_space<vmem>>, vector<16xf32>,
        tpu.vector_store %arg9[%parallel_loop3A_686, %parallel_loop3A_687], %parallel_loop3A_639 {strides = array<i32>} : memref<8x1024xf32, #tpu.memory_space<vmem>>, vector<16xf32>,
        %parallel_loop3A_689 = arith.constant 16 : i32
        %parallel_loop3A_690 = arith.muli %parallel_loop3A_65, %parallel_loop3A_689 : i32
        %parallel_loop3A_691 = arith.constant 640 : i32
        %parallel_loop3A_692 = arith.addi %parallel_loop3A_691, %parallel_loop3A_690 : i32
        %parallel_loop3A_693 = arith.constant 6 : i32
        %parallel_loop3A_694 = arith.index_cast %parallel_loop3A_693 : i32 to index
        %parallel_loop3A_695 = arith.index_cast %parallel_loop3A_692 : i32 to index
        %parallel_loop3A_696 = tpu.vector_load %arg9[%parallel_loop3A_694, %parallel_loop3A_695] {strides = array<i32>} : memref<8x1024xf32, #tpu.memory_space<vmem>>, vector<16xf32>,
        tpu.vector_store %arg9[%parallel_loop3A_694, %parallel_loop3A_695], %parallel_loop3A_642 {strides = array<i32>} : memref<8x1024xf32, #tpu.memory_space<vmem>>, vector<16xf32>,
        %parallel_loop3A_697 = arith.constant 16 : i32
        %parallel_loop3A_698 = arith.muli %parallel_loop3A_65, %parallel_loop3A_697 : i32
        %parallel_loop3A_699 = arith.constant 768 : i32
        %parallel_loop3A_700 = arith.addi %parallel_loop3A_699, %parallel_loop3A_698 : i32
        %parallel_loop3A_701 = arith.constant 6 : i32
        %parallel_loop3A_702 = arith.index_cast %parallel_loop3A_701 : i32 to index
        %parallel_loop3A_703 = arith.index_cast %parallel_loop3A_700 : i32 to index
        %parallel_loop3A_704 = tpu.vector_load %arg9[%parallel_loop3A_702, %parallel_loop3A_703] {strides = array<i32>} : memref<8x1024xf32, #tpu.memory_space<vmem>>, vector<16xf32>,
        tpu.vector_store %arg9[%parallel_loop3A_702, %parallel_loop3A_703], %parallel_loop3A_645 {strides = array<i32>} : memref<8x1024xf32, #tpu.memory_space<vmem>>, vector<16xf32>,
        %parallel_loop3A_705 = arith.constant 16 : i32
        %parallel_loop3A_706 = arith.muli %parallel_loop3A_65, %parallel_loop3A_705 : i32
        %parallel_loop3A_707 = arith.constant 896 : i32
        %parallel_loop3A_708 = arith.addi %parallel_loop3A_707, %parallel_loop3A_706 : i32
        %parallel_loop3A_709 = arith.constant 6 : i32
        %parallel_loop3A_710 = arith.index_cast %parallel_loop3A_709 : i32 to index
        %parallel_loop3A_711 = arith.index_cast %parallel_loop3A_708 : i32 to index
        %parallel_loop3A_712 = tpu.vector_load %arg9[%parallel_loop3A_710, %parallel_loop3A_711] {strides = array<i32>} : memref<8x1024xf32, #tpu.memory_space<vmem>>, vector<16xf32>,
        tpu.vector_store %arg9[%parallel_loop3A_710, %parallel_loop3A_711], %parallel_loop3A_648 {strides = array<i32>} : memref<8x1024xf32, #tpu.memory_space<vmem>>, vector<16xf32>,
        %parallel_loop3A_713 = arith.constant 56 : i32
        %parallel_loop3A_714 = tpu.memref_slice %arg7[%parallel_loop3A_713] : memref<13000xf32, #tpu.memory_space<vmem>> -> memref<12944xf32, #tpu.memory_space<vmem>>
        %parallel_loop3A_715 = tpu.vector_load_idx %parallel_loop3A_714[%parallel_loop3A_75] : memref<12944xf32, #tpu.memory_space<vmem>>[vector<16xi32>], vector<16xf32>,
        %parallel_loop3A_716 = arith.constant 56 : i32
        %parallel_loop3A_717 = tpu.memref_slice %arg7[%parallel_loop3A_716] : memref<13000xf32, #tpu.memory_space<vmem>> -> memref<12944xf32, #tpu.memory_space<vmem>>
        %parallel_loop3A_718 = tpu.vector_load_idx %parallel_loop3A_717[%parallel_loop3A_78] : memref<12944xf32, #tpu.memory_space<vmem>>[vector<16xi32>], vector<16xf32>,
        %parallel_loop3A_719 = arith.constant 56 : i32
        %parallel_loop3A_720 = tpu.memref_slice %arg7[%parallel_loop3A_719] : memref<13000xf32, #tpu.memory_space<vmem>> -> memref<12944xf32, #tpu.memory_space<vmem>>
        %parallel_loop3A_721 = tpu.vector_load_idx %parallel_loop3A_720[%parallel_loop3A_81] : memref<12944xf32, #tpu.memory_space<vmem>>[vector<16xi32>], vector<16xf32>,
        %parallel_loop3A_722 = arith.constant 56 : i32
        %parallel_loop3A_723 = tpu.memref_slice %arg7[%parallel_loop3A_722] : memref<13000xf32, #tpu.memory_space<vmem>> -> memref<12944xf32, #tpu.memory_space<vmem>>
        %parallel_loop3A_724 = tpu.vector_load_idx %parallel_loop3A_723[%parallel_loop3A_84] : memref<12944xf32, #tpu.memory_space<vmem>>[vector<16xi32>], vector<16xf32>,
        %parallel_loop3A_725 = arith.constant 56 : i32
        %parallel_loop3A_726 = tpu.memref_slice %arg7[%parallel_loop3A_725] : memref<13000xf32, #tpu.memory_space<vmem>> -> memref<12944xf32, #tpu.memory_space<vmem>>
        %parallel_loop3A_727 = tpu.vector_load_idx %parallel_loop3A_726[%parallel_loop3A_87] : memref<12944xf32, #tpu.memory_space<vmem>>[vector<16xi32>], vector<16xf32>,
        %parallel_loop3A_728 = arith.constant 56 : i32
        %parallel_loop3A_729 = tpu.memref_slice %arg7[%parallel_loop3A_728] : memref<13000xf32, #tpu.memory_space<vmem>> -> memref<12944xf32, #tpu.memory_space<vmem>>
        %parallel_loop3A_730 = tpu.vector_load_idx %parallel_loop3A_729[%parallel_loop3A_90] : memref<12944xf32, #tpu.memory_space<vmem>>[vector<16xi32>], vector<16xf32>,
        %parallel_loop3A_731 = arith.constant 56 : i32
        %parallel_loop3A_732 = tpu.memref_slice %arg7[%parallel_loop3A_731] : memref<13000xf32, #tpu.memory_space<vmem>> -> memref<12944xf32, #tpu.memory_space<vmem>>
        %parallel_loop3A_733 = tpu.vector_load_idx %parallel_loop3A_732[%parallel_loop3A_93] : memref<12944xf32, #tpu.memory_space<vmem>>[vector<16xi32>], vector<16xf32>,
        %parallel_loop3A_734 = arith.constant 56 : i32
        %parallel_loop3A_735 = tpu.memref_slice %arg7[%parallel_loop3A_734] : memref<13000xf32, #tpu.memory_space<vmem>> -> memref<12944xf32, #tpu.memory_space<vmem>>
        %parallel_loop3A_736 = tpu.vector_load_idx %parallel_loop3A_735[%parallel_loop3A_96] : memref<12944xf32, #tpu.memory_space<vmem>>[vector<16xi32>], vector<16xf32>,
        %parallel_loop3A_737 = arith.constant 16 : i32
        %parallel_loop3A_738 = arith.muli %parallel_loop3A_65, %parallel_loop3A_737 : i32
        %parallel_loop3A_739 = arith.constant 0 : i32
        %parallel_loop3A_740 = arith.addi %parallel_loop3A_739, %parallel_loop3A_738 : i32
        %parallel_loop3A_741 = arith.constant 7 : i32
        %parallel_loop3A_742 = arith.index_cast %parallel_loop3A_741 : i32 to index
        %parallel_loop3A_743 = arith.index_cast %parallel_loop3A_740 : i32 to index
        %parallel_loop3A_744 = tpu.vector_load %arg9[%parallel_loop3A_742, %parallel_loop3A_743] {strides = array<i32>} : memref<8x1024xf32, #tpu.memory_space<vmem>>, vector<16xf32>,
        tpu.vector_store %arg9[%parallel_loop3A_742, %parallel_loop3A_743], %parallel_loop3A_715 {strides = array<i32>} : memref<8x1024xf32, #tpu.memory_space<vmem>>, vector<16xf32>,
        %parallel_loop3A_745 = arith.constant 16 : i32
        %parallel_loop3A_746 = arith.muli %parallel_loop3A_65, %parallel_loop3A_745 : i32
        %parallel_loop3A_747 = arith.constant 128 : i32
        %parallel_loop3A_748 = arith.addi %parallel_loop3A_747, %parallel_loop3A_746 : i32
        %parallel_loop3A_749 = arith.constant 7 : i32
        %parallel_loop3A_750 = arith.index_cast %parallel_loop3A_749 : i32 to index
        %parallel_loop3A_751 = arith.index_cast %parallel_loop3A_748 : i32 to index
        %parallel_loop3A_752 = tpu.vector_load %arg9[%parallel_loop3A_750, %parallel_loop3A_751] {strides = array<i32>} : memref<8x1024xf32, #tpu.memory_space<vmem>>, vector<16xf32>,
        tpu.vector_store %arg9[%parallel_loop3A_750, %parallel_loop3A_751], %parallel_loop3A_718 {strides = array<i32>} : memref<8x1024xf32, #tpu.memory_space<vmem>>, vector<16xf32>,
        %parallel_loop3A_753 = arith.constant 16 : i32
        %parallel_loop3A_754 = arith.muli %parallel_loop3A_65, %parallel_loop3A_753 : i32
        %parallel_loop3A_755 = arith.constant 256 : i32
        %parallel_loop3A_756 = arith.addi %parallel_loop3A_755, %parallel_loop3A_754 : i32
        %parallel_loop3A_757 = arith.constant 7 : i32
        %parallel_loop3A_758 = arith.index_cast %parallel_loop3A_757 : i32 to index
        %parallel_loop3A_759 = arith.index_cast %parallel_loop3A_756 : i32 to index
        %parallel_loop3A_760 = tpu.vector_load %arg9[%parallel_loop3A_758, %parallel_loop3A_759] {strides = array<i32>} : memref<8x1024xf32, #tpu.memory_space<vmem>>, vector<16xf32>,
        tpu.vector_store %arg9[%parallel_loop3A_758, %parallel_loop3A_759], %parallel_loop3A_721 {strides = array<i32>} : memref<8x1024xf32, #tpu.memory_space<vmem>>, vector<16xf32>,
        %parallel_loop3A_761 = arith.constant 16 : i32
        %parallel_loop3A_762 = arith.muli %parallel_loop3A_65, %parallel_loop3A_761 : i32
        %parallel_loop3A_763 = arith.constant 384 : i32
        %parallel_loop3A_764 = arith.addi %parallel_loop3A_763, %parallel_loop3A_762 : i32
        %parallel_loop3A_765 = arith.constant 7 : i32
        %parallel_loop3A_766 = arith.index_cast %parallel_loop3A_765 : i32 to index
        %parallel_loop3A_767 = arith.index_cast %parallel_loop3A_764 : i32 to index
        %parallel_loop3A_768 = tpu.vector_load %arg9[%parallel_loop3A_766, %parallel_loop3A_767] {strides = array<i32>} : memref<8x1024xf32, #tpu.memory_space<vmem>>, vector<16xf32>,
        tpu.vector_store %arg9[%parallel_loop3A_766, %parallel_loop3A_767], %parallel_loop3A_724 {strides = array<i32>} : memref<8x1024xf32, #tpu.memory_space<vmem>>, vector<16xf32>,
        %parallel_loop3A_769 = arith.constant 16 : i32
        %parallel_loop3A_770 = arith.muli %parallel_loop3A_65, %parallel_loop3A_769 : i32
        %parallel_loop3A_771 = arith.constant 512 : i32
        %parallel_loop3A_772 = arith.addi %parallel_loop3A_771, %parallel_loop3A_770 : i32
        %parallel_loop3A_773 = arith.constant 7 : i32
        %parallel_loop3A_774 = arith.index_cast %parallel_loop3A_773 : i32 to index
        %parallel_loop3A_775 = arith.index_cast %parallel_loop3A_772 : i32 to index
        %parallel_loop3A_776 = tpu.vector_load %arg9[%parallel_loop3A_774, %parallel_loop3A_775] {strides = array<i32>} : memref<8x1024xf32, #tpu.memory_space<vmem>>, vector<16xf32>,
        tpu.vector_store %arg9[%parallel_loop3A_774, %parallel_loop3A_775], %parallel_loop3A_727 {strides = array<i32>} : memref<8x1024xf32, #tpu.memory_space<vmem>>, vector<16xf32>,
        %parallel_loop3A_777 = arith.constant 16 : i32
        %parallel_loop3A_778 = arith.muli %parallel_loop3A_65, %parallel_loop3A_777 : i32
        %parallel_loop3A_779 = arith.constant 640 : i32
        %parallel_loop3A_780 = arith.addi %parallel_loop3A_779, %parallel_loop3A_778 : i32
        %parallel_loop3A_781 = arith.constant 7 : i32
        %parallel_loop3A_782 = arith.index_cast %parallel_loop3A_781 : i32 to index
        %parallel_loop3A_783 = arith.index_cast %parallel_loop3A_780 : i32 to index
        %parallel_loop3A_784 = tpu.vector_load %arg9[%parallel_loop3A_782, %parallel_loop3A_783] {strides = array<i32>} : memref<8x1024xf32, #tpu.memory_space<vmem>>, vector<16xf32>,
        tpu.vector_store %arg9[%parallel_loop3A_782, %parallel_loop3A_783], %parallel_loop3A_730 {strides = array<i32>} : memref<8x1024xf32, #tpu.memory_space<vmem>>, vector<16xf32>,
        %parallel_loop3A_785 = arith.constant 16 : i32
        %parallel_loop3A_786 = arith.muli %parallel_loop3A_65, %parallel_loop3A_785 : i32
        %parallel_loop3A_787 = arith.constant 768 : i32
        %parallel_loop3A_788 = arith.addi %parallel_loop3A_787, %parallel_loop3A_786 : i32
        %parallel_loop3A_789 = arith.constant 7 : i32
        %parallel_loop3A_790 = arith.index_cast %parallel_loop3A_789 : i32 to index
        %parallel_loop3A_791 = arith.index_cast %parallel_loop3A_788 : i32 to index
        %parallel_loop3A_792 = tpu.vector_load %arg9[%parallel_loop3A_790, %parallel_loop3A_791] {strides = array<i32>} : memref<8x1024xf32, #tpu.memory_space<vmem>>, vector<16xf32>,
        tpu.vector_store %arg9[%parallel_loop3A_790, %parallel_loop3A_791], %parallel_loop3A_733 {strides = array<i32>} : memref<8x1024xf32, #tpu.memory_space<vmem>>, vector<16xf32>,
        %parallel_loop3A_793 = arith.constant 16 : i32
        %parallel_loop3A_794 = arith.muli %parallel_loop3A_65, %parallel_loop3A_793 : i32
        %parallel_loop3A_795 = arith.constant 896 : i32
        %parallel_loop3A_796 = arith.addi %parallel_loop3A_795, %parallel_loop3A_794 : i32
        %parallel_loop3A_797 = arith.constant 7 : i32
        %parallel_loop3A_798 = arith.index_cast %parallel_loop3A_797 : i32 to index
        %parallel_loop3A_799 = arith.index_cast %parallel_loop3A_796 : i32 to index
        %parallel_loop3A_800 = tpu.vector_load %arg9[%parallel_loop3A_798, %parallel_loop3A_799] {strides = array<i32>} : memref<8x1024xf32, #tpu.memory_space<vmem>>, vector<16xf32>,
        tpu.vector_store %arg9[%parallel_loop3A_798, %parallel_loop3A_799], %parallel_loop3A_736 {strides = array<i32>} : memref<8x1024xf32, #tpu.memory_space<vmem>>, vector<16xf32>,
      } {sc.loop_unroll_factor = 4 : i64, sc.parallel_access}
      %add3A_55 = arith.constant 1 : i32
      %add3A_56 = arith.addi %mul3A_32, %add3A_55 : i32
      %dma_start3A_57 = arith.constant 0 : i32
      %dma_start3A_58 = arith.constant 0 : i32
      %dma_start3A_59 = tpu.memref_slice %arg4[%add3A_56, %dma_start3A_57, %add3A, %dma_start3A_58] : memref<200x8x32x1024xf32, #tpu.memory_space<hbm>> -> memref<1x8x1x1024xf32, #tpu.memory_space<hbm>>
      %dma_start3A_60 = tpu.memref_squeeze %dma_start3A_59 : memref<1x8x1x1024xf32, #tpu.memory_space<hbm>> -> memref<8x1024xf32, #tpu.memory_space<hbm>>
      %dma_start3A_61 = arith.constant 0 : i32
      %dma_start3A_62 = arith.constant 0 : i32
      %dma_start3A_63 = tpu.memref_slice %arg4[%add3A_56, %dma_start3A_61, %add3A, %dma_start3A_62] : memref<200x8x32x1024xf32, #tpu.memory_space<hbm>> -> memref<1x8x1x1024xf32, #tpu.memory_space<hbm>>
      %dma_start3A_64 = tpu.memref_squeeze %dma_start3A_63 : memref<1x8x1x1024xf32, #tpu.memory_space<hbm>> -> memref<8x1024xf32, #tpu.memory_space<hbm>>
      tpu.enqueue_dma source(%arg9 : memref<8x1024xf32, #tpu.memory_space<vmem>>) target(%dma_start3A_64 : memref<8x1024xf32, #tpu.memory_space<hbm>>) target_semaphore(%arg11 : memref<!tpu.dma_semaphore, #tpu.memory_space<semaphore_mem>>)
    }
    %scan3A_12 = arith.constant 100 : i32
    %dma_wait3A = arith.constant 0 : i32
    %dma_wait3A_13 = arith.constant 0 : i32
    %dma_wait3A_14 = arith.constant 0 : i32
    %dma_wait3A_15 = tpu.memref_slice %arg4[%dma_wait3A, %dma_wait3A_13, %add3A, %dma_wait3A_14] : memref<200x8x32x1024xf32, #tpu.memory_space<hbm>> -> memref<1x8x1x1024xf32, #tpu.memory_space<hbm>>
    %dma_wait3A_16 = tpu.memref_squeeze %dma_wait3A_15 : memref<1x8x1x1024xf32, #tpu.memory_space<hbm>> -> memref<8x1024xf32, #tpu.memory_space<hbm>>
    %dma_wait3A_17 = arith.constant 0 : i32
    %dma_wait3A_18 = arith.constant 0 : i32
    %dma_wait3A_19 = tpu.memref_slice %arg4[%dma_wait3A, %dma_wait3A_17, %add3A, %dma_wait3A_18] : memref<200x8x32x1024xf32, #tpu.memory_space<hbm>> -> memref<1x8x1x1024xf32, #tpu.memory_space<hbm>>
    %dma_wait3A_20 = tpu.memref_squeeze %dma_wait3A_19 : memref<1x8x1x1024xf32, #tpu.memory_space<hbm>> -> memref<8x1024xf32, #tpu.memory_space<hbm>>
    tpu.wait_dma2 semaphore(%arg10 : memref<!tpu.dma_semaphore, #tpu.memory_space<semaphore_mem>>) src(%arg8 : memref<8x1024xf32, #tpu.memory_space<vmem>>) dst(%dma_wait3A_20 : memref<8x1024xf32, #tpu.memory_space<hbm>>)
    %dma_wait3A_21 = arith.constant 0 : i32
    %dma_wait3A_22 = arith.constant 0 : i32
    %dma_wait3A_23 = arith.constant 0 : i32
    %dma_wait3A_24 = tpu.memref_slice %arg4[%dma_wait3A_21, %dma_wait3A_22, %add3A, %dma_wait3A_23] : memref<200x8x32x1024xf32, #tpu.memory_space<hbm>> -> memref<1x8x1x1024xf32, #tpu.memory_space<hbm>>
    %dma_wait3A_25 = tpu.memref_squeeze %dma_wait3A_24 : memref<1x8x1x1024xf32, #tpu.memory_space<hbm>> -> memref<8x1024xf32, #tpu.memory_space<hbm>>
    %dma_wait3A_26 = arith.constant 0 : i32
    %dma_wait3A_27 = arith.constant 0 : i32
    %dma_wait3A_28 = tpu.memref_slice %arg4[%dma_wait3A_21, %dma_wait3A_26, %add3A, %dma_wait3A_27] : memref<200x8x32x1024xf32, #tpu.memory_space<hbm>> -> memref<1x8x1x1024xf32, #tpu.memory_space<hbm>>
    %dma_wait3A_29 = tpu.memref_squeeze %dma_wait3A_28 : memref<1x8x1x1024xf32, #tpu.memory_space<hbm>> -> memref<8x1024xf32, #tpu.memory_space<hbm>>
    tpu.wait_dma2 semaphore(%arg11 : memref<!tpu.dma_semaphore, #tpu.memory_space<semaphore_mem>>) src(%arg9 : memref<8x1024xf32, #tpu.memory_space<vmem>>) dst(%dma_wait3A_29 : memref<8x1024xf32, #tpu.memory_space<hbm>>)
    return
  }
}

</mosaic_0001>

<sc_bundles>
// kernel: kernel.3.cloned.1.call-start
scs
__scs_entry_jumppad:
0x0: {  	(pc) =	sbr.rel $0x88, $3  }
0x1: {  	(tag) =	ssettag $0x0;
	lr =	simm.s32 $0x1  }
0x2: {  	[smem:$0x3F9F] =	sst lr;
	_ =	strace $0xD0000000  }
0x3: {  	_ = 	snop  }
0x4: {  	_ = 	snop  }
0x5: {  	_ = 	snop  }
0x6: {  	_ = 	snop  }
0x7: {  	_ = 	snop  }
__scs_overlays_trampoline_lowered:
0x8: {  	[smem:$0x3FAE] =	sst s0  }
0x9: {  	[smem:$0x3FAF] =	sst s1  }
0xa: {  	[smem:$0x3FB0] =	sst s2  }
0xb: {  	[smem:$0x3FB1] =	sst s3  }
0xc: {  	[smem:$0x3FB2] =	sst s4  }
0xd: {  	[smem:$0x3FB3] =	sst s5  }
0xe: {  	[smem:$0x3FB4] =	sst s6  }
0xf: {  	[smem:$0x3FB5] =	sst s7  }
0x10: {  	[smem:$0x3FB6] =	sst s8  }
0x11: {  	[smem:$0x3FB7] =	sst s9;
	s0 =	simm.s32 @!p0 $0x0  }
0x12: {  	s1 =	sld [smem:$0x3F9D];
	s0 =	simm.s32 @p0 $0x1  }
0x13: {  	[smem:$0x3FB8] =	sst s0;
	s0 =	simm.s32 @!p1 $0x0  }
0x14: {  	s2 =	sld [smem:$0x3F9C];
	s0 =	simm.s32 @p1 $0x1  }
0x15: {  	[smem:$0x3FB9] =	sst s0;
	s0 =	simm.s32 @!p2 $0x0  }
0x16: {  	s3 =	sld [smem:$0x3FDB];
	s0 =	simm.s32 @p2 $0x1  }
0x17: {  	s4 =	simm.s32 $0x1BF5;
	[smem:$0x3FBB] =	sst s0  }
0x18: {  	s0 =	sld [smem:$0x3F9E];
	_ =	swait.ge [sflag:s4], $0x0  }
0x19: {  	s7 =	sld [smem:$0x3F9F]  }
0x1a: {  	s8 =	sadd.s32 $0xFFFFE003, lr  }
0x1b: {  	s9 =	sadd.s32 $0xFFFFFEF7, lr;
	s5 =	simm.s32 $0xFFFFFFFF;
	p2 =	slt.u32 s8, $0xFFFFF086  }
0x1c: {  	p1 =	slt.u32 s9, $0xF7A;
	s5 =	simm.s32 @!p2 $0x0  }
0x1d: {  	s5 =	simm.s32 @p1 $0x1;
	p0 =	seq.s32 s7, s2  }
0x1e: {  	s7 =	smul.u32 @!p0 $0xF7A, s2;
	p2 =	seq.s32 @!p0 s5, $0x0  }
0x1f: {  	s9 =	smul.u32 $0xF7A, s1;
	s8 =	simm.s32 @!p0 $0x1BF5;
	p2 =	por !p2, p0  }
0x20: {  	[sflag:s8] =	ssyncset.s32 @!p0 $0xFFFFF086;
	s6 =	sadd.s32 @!p0 s3, s7;
	s7 =	simm.s32 @!p0 $0x108  }
0x21: {  	s3 =	sadd.s32 s3, s9;
	s6 =	sadd.s32 @!p0 $0x88, s6;
	s7 =	simm.s32 @p2 $0x1082  }
0x22: {  	[simem:s7], [sflag:s8] =	dma.local @!p0 [hbm:s6], $0xF7A  }
0x23: {  	s9 =	sor.u32 $0xD0000000, s2;
	s6 =	simm.s32 $0x108;
	_ =	swait.ge @!p0 [sflag:s8], $0x0  }
0x24: {  	s3 =	sadd.s32 $0x88, s3;
	s6 =	simm.s32 @!p1 $0x1082;
	[sflag:s4] =	ssyncset.s32 $0xFFFFF086  }
0x25: {  	[simem:s6], [sflag:s4] =	dma.local [hbm:s3], $0xF7A  }
0x26: {  	[smem:$0x3F9F] =	sst s1;
	(tag) =	ssettag s2;
	_ =	strace s9  }
0x27: {  	s1 =	sld [smem:$0x3FAF]  }
0x28: {  	s2 =	sld [smem:$0x3FB0]  }
0x29: {  	s4 =	sld [smem:$0x3FB2]  }
0x2a: {  	p0 =	seq.s32 s5, $0x0;
	s5 =	sld [smem:$0x3FB3]  }
0x2b: {  	s6 =	sld [smem:$0x3FB4]  }
0x2c: {  	s7 =	sld [smem:$0x3FB5]  }
0x2d: {  	s3 =	simm.s32 $0x108;
	s8 =	sld [smem:$0x3FB6]  }
0x2e: {  	s3 =	simm.s32 @!p0 $0x1082;
	s9 =	sld [smem:$0x3FB7]  }
0x2f: {  	lr =	sadd.s32 s0, s3;
	s0 =	sld [smem:$0x3FAE]  }
0x30: {  	s3 =	sld [smem:$0x3FB1]  }
0x31: {  	[smem:$0x3FBA] =	sst s10  }
0x32: {  	s10 =	sld [smem:$0x3FB8];
	_ =	sdelay $0x3  }
0x33: {  	p0 =	seq.s32 s10, $0x1;
	s10 =	sld [smem:$0x3FBA];
	_ =	sdelay $0x3  }
0x34: {  	[smem:$0x3FBA] =	sst s10  }
0x35: {  	s10 =	sld [smem:$0x3FB9];
	_ =	sdelay $0x3  }
0x36: {  	p1 =	seq.s32 s10, $0x1;
	s10 =	sld [smem:$0x3FBA];
	_ =	sdelay $0x3  }
0x37: {  	[smem:$0x3FBA] =	sst s10  }
0x38: {  	s10 =	sld [smem:$0x3FBB]  }
0x39: {  	_ = 	snop;
	(pc) =	sbr.ind lr, $3  }
0x3a: {  	_ = 	snop  }
0x3b: {  	_ = 	snop  }
0x3c: {  	p2 =	seq.s32 s10, $0x1;
	s10 =	sld [smem:$0x3FBA]  }
0x3d: {  	_ =	shalt  }
0x3e: {  	_ =	shalt  }
0x3f: {  	_ =	shalt  }
0x40: {  	_ =	shalt  }
0x41: {  	_ =	shalt  }
0x42: {  	_ =	shalt  }
0x43: {  	_ =	shalt  }
0x44: {  	_ =	shalt  }
0x45: {  	_ =	shalt  }
0x46: {  	_ =	shalt  }
0x47: {  	_ =	shalt  }
0x48: {  	_ =	shalt  }
0x49: {  	_ =	shalt  }
0x4a: {  	_ =	shalt  }
0x4b: {  	_ =	shalt  }
0x4c: {  	_ =	shalt  }
0x4d: {  	_ =	shalt  }
0x4e: {  	_ =	shalt  }
0x4f: {  	_ =	shalt  }
0x50: {  	_ =	shalt  }
0x51: {  	_ =	shalt  }
0x52: {  	_ =	shalt  }
0x53: {  	_ =	shalt  }
0x54: {  	_ =	shalt  }
0x55: {  	_ =	shalt  }
0x56: {  	_ =	shalt  }
0x57: {  	_ =	shalt  }
0x58: {  	_ =	shalt  }
0x59: {  	_ =	shalt  }
0x5a: {  	_ =	shalt  }
0x5b: {  	_ =	shalt  }
0x5c: {  	_ =	shalt  }
0x5d: {  	_ =	shalt  }
0x5e: {  	_ =	shalt  }
0x5f: {  	_ =	shalt  }
0x60: {  	_ =	shalt  }
0x61: {  	_ =	shalt  }
0x62: {  	_ =	shalt  }
0x63: {  	_ =	shalt  }
0x64: {  	_ =	shalt  }
0x65: {  	_ =	shalt  }
0x66: {  	_ =	shalt  }
0x67: {  	_ =	shalt  }
0x68: {  	_ =	shalt  }
0x69: {  	_ =	shalt  }
0x6a: {  	_ =	shalt  }
0x6b: {  	_ =	shalt  }
0x6c: {  	_ =	shalt  }
0x6d: {  	_ =	shalt  }
0x6e: {  	_ =	shalt  }
0x6f: {  	_ =	shalt  }
0x70: {  	_ =	shalt  }
0x71: {  	_ =	shalt  }
0x72: {  	_ =	shalt  }
0x73: {  	_ =	shalt  }
0x74: {  	_ =	shalt  }
0x75: {  	_ =	shalt  }
0x76: {  	_ =	shalt  }
0x77: {  	_ =	shalt  }
0x78: {  	_ =	shalt  }
0x79: {  	_ =	shalt  }
0x7a: {  	_ =	shalt  }
0x7b: {  	_ =	shalt  }
0x7c: {  	_ =	shalt  }
0x7d: {  	_ =	shalt  }
0x7e: {  	_ =	shalt  }
0x7f: {  	_ =	shalt  }
0x80: {  	_ =	shalt  }
0x81: {  	_ =	shalt  }
0x82: {  	_ =	shalt  }
0x83: {  	_ =	shalt  }
0x84: {  	_ =	shalt  }
0x85: {  	_ =	shalt  }
0x86: {  	_ =	shalt  }
0x87: {  	_ =	shalt  }
.Lfunc_end0:
.L_simem_size_0:
called_computation_lowered:
.L_overlay_start_0:
0x88: {  	s2 =	sld [smem:$0x3FD9]  }
0x89: {  	s3 =	sld [smem:$0x3FFE];
	_ =	sdelay $0x1  }
0x8a: {  	s1 =	srdreg.scid  }
0x8b: {  	s0 =	sand.u32 $0x1, s1  }
0x8c: {  	s17 =	sshll.u32 s0, $0xA;
	s2 =	sadd.s32 s3, s2  }
0x8d: {  	s2 =	sadd.s32 s2, s17  }
0x8e: {  	[smem:$0x3FC6] =	sst s2  }
0x8f: {  	_ = 	snop  }
0x90: {  	s2 =	sld [smem:$0x3FD0];
	(tm) =	ssettm $0x1  }
0x91: {  	s18 =	sld [smem:$0x3FFB];
	_ =	sdelay $0x3  }
0x92: {  	_ =	strace s18  }
0x93: {  	s3 =	sld [smem:$0x3FFC];
	_ =	sdelay $0x3  }
0x94: {  	_ =	strace s3  }
0x95: {  	s3 =	sld [smem:$0x3FFD];
	_ =	sdelay $0x3  }
0x96: {  	_ =	strace s3  }
0x97: {  	_ =	strace $0x8FFFFFFF  }
0x98: {  	s19 =	sld [smem:$0x3FDB];
	_ =	sdelay $0x1  }
0x99: {  	s4 =	simm.s32 $_scs_section_size  }
0x9a: {  	s5 =	simm.s32 $_size__tile_overlayer_lowered;
	s6 =	simm.s32 $_tile_overlayer_lowered  }
0x9b: {  	s22 =	simm.s32 $0x1BFF;
	s21 =	sshll.u32 s6, $0x1;
	s3 =	sadd.s32 s4, s19  }
0x9c: {  	s7 =	simm.s32 $0x0;
	s20 =	sshll.u32 s5, $0x1;
	s5 =	sadd.s32 s21, s3  }
0x9d: {  	[timem:s7], [sflag:s22] =	dma.local [hbm:s5], s20  }
0x9e: {  	_ =	swait.ge [sflag:s22], s20  }
0x9f: {  	s4 =	ssub.s32 $0x0, s20;
	[sflag:s22] =	ssyncset.done $0x0  }
0xa0: {  	[sflag:s22] =	ssyncadd.s32 s4;
	_ =	sdelay $0x1  }
0xa1: {  	s23 =	simm.s32 $0x1B8B  }
0xa2: {  	_ =	swait.ge [sflag:s23], $0x1  }
0xa3: {  	[sflag:s23] =	ssyncset.done $0x0  }
0xa4: {  	s25 =	simm.s32 $0x1B8E;
	s24 =	sld [smem:$0x3FFE];
	[sflag:s23] =	ssyncadd.s32 $0xFFFFFFFF  }
0xa5: {  	s26 =	simm.s32 $execute0_lowered;
	[smem:$0x3FD2] =	sst s25  }
0xa6: {  	s5 =	sshll.u32 s26, $0x1;
	_ =	strace $0x80000046;
	[dreg:$0x1] =	wrdreg $0xFFFFFFFF  }
0xa7: {  	s28 =	simm.s32 $_size_execute0_lowered;
	s3 =	sadd.s32 s3, s5;
	[dreg:$0x0] =	wrdreg $0x0  }
0xa8: {  	s5 =	sshll.u32 s28, $0x1;
	[dreg:$0x2] =	wrdreg s3  }
0xa9: {  	[dreg:$0x3] =	wrdreg s5  }
0xaa: {  	[dreg:$0x4] =	wrdreg $0xC0  }
0xab: {  	_ =	task [dreg:s7], $0x5FFFF  }
0xac: {  	[dreg:$0x1] =	wrdreg $0xFFFFFFFF  }
0xad: {  	[dreg:$0x0] =	wrdreg $0x60  }
0xae: {  	[dreg:$0x2] =	wrdreg s24  }
0xaf: {  	[dreg:$0x3] =	wrdreg s2  }
0xb0: {  	[dreg:$0x4] =	wrdreg $0x9  }
0xb1: {  	_ =	task.clear_ibuf [dreg:s7], $0x5FFFF;
	_ =	strace $0x90000046  }
0xb2: {  	s29 =	simm.s32 $0x9;
	_ =	strace $0x80000048  }
0xb3: {  	_ =	swait.ge [sflag:s29], $0x1  }
0xb4: {  	[sflag:s29] =	ssyncadd.s32 $0xFFFFFFFF  }
0xb5: {  	_ =	strace $0x90000048  }
0xb6: {  	_ =	sfence  }
0xb7: {  	s30 =	sld [smem:$0x0];
	_ =	sdelay $0x2  }
0xb8: {  	s31 =	sshll.u32 s1, $0xD;
	s1 =	sshrl.u32 s1, $0x2  }
0xb9: {  	s3 =	sand.u32 $0x4000, s31;
	s1 =	sadd.s32 s1, s30  }
0xba: {  	s0 =	sor.u32 s3, s0;
	s1 =	sshll.u32 s1, $0x11  }
0xbb: {  	s0 =	sor.u32 s1, s0  }
0xbc: {  	s0 =	sadd.s32 $0x8F2B, s0  }
0xbd: {  	[sflag:s0] =	ssyncadd.remote.s32 $0x1  }
0xbe: {  	_ =	sfence.sel $0xFFFF  }
0xbf: {  	[dreg:$0x0] =	wrdreg $0xFFFFFFFF;
	(pc) =	sbr.abs _section_cstart, $3  }
0xc0: {  	[dreg:$0x1] =	wrdreg $0xFFFFFFFF  }
0xc1: {  	_ =	task.clear_ibuf [dreg:s7], $0x2FFFF;
	_ =	strace $0x9FFFFFFF  }
0xc2: {  	(tm) =	ssettm $0x7FFFFFFF  }
0xc3: {  	_ =	shalt  }
tec
execute0_lowered:
.L_overlay_start_1:
0x0: {  	(tag) =	ssettag $0x1  }
0x1: {  	s1 =	srdreg.scid  }
0x2: {  	s0 =	stileid.u32;
	s4 =	rddreg [dreg:$0x0]  }
0x3: {  	s2 =	rddreg [dreg:$0x1];
	s3 =	simm.s32 $0x0;
	s9 =	simm.s32 $0xC800  }
0x4: {  	s10 =	simm.s32 $0xC808;
	s11 =	simm.s32 $0xC810;
	s12 =	simm.s32 $0xC818  }
0x5: {  	s13 =	simm.s32 $0xC820;
	s14 =	simm.s32 $0xC828;
	s15 =	simm.s32 $0xC830  }
0x6: {  	s16 =	simm.s32 $0xC838;
	s17 =	simm.s32 $0x400;
	s18 =	simm.s32 $0x8000  }
0x7: {  	s19 =	simm.s32 $0xFAC8;
	s20 =	simm.s32 $0x11AC8;
	s21 =	simm.s32 $0x1  }
0x8: {  	s22 =	simm.s32 $0x2;
	s5 =	sand.u32 $0x1, s1;
	s31 =	sshll.u32 s0, $0x1  }
0x9: {  	s23 =	simm.s32 $0x0;
	s1 =	rddreg [dreg:$0x2];
	s6 =	sor.u32 s5, s31  }
0xa: {  	[smem:$0x7FF] =	sst s3;
	s5 =	ssub.s32 $0x2, s5;
	s7 =	smul.u32 $0xC80, s6  }
0xb: {  	v0 =	vlaneseq.u32;
	_ =	strace $0x80000047;
	s8 =	sshrl.u32 s5, $0x1;
	s6 =	sshll.u32 s6, $0xA  }
0xc: {  	v0 =	vmul.u32 $0xC8, v0;
	s8 =	ssub.s32 s5, s8;
	s7 =	sadd.s32 s7, s4;
	s4 =	sadd.s32 $0x400, s4  }
0xd: {  	s5 =	sadd.s32 $0xC00, s7;
	s7 =	smax.u32 s8, $0x1;
	s8 =	simm.s32 $0x3  }
.LBB2_1:
0xe: {  	v1 =	vadd.s32 s3, v0;
	v2 =	vmov s3;
	s24 =	simm.s32 $0xC80  }
0xf: {  	s25 =	simm.s32 $0x1900;
	v1 =	vand.u32 $0x1FF8, v1;
	v2 =	vand.u32 $0x6, v2;
	v3 =	vmov s24  }
0x10: {  	s26 =	simm.s32 $0x5780;
	v4 =	vadd.s32 s24, v0;
	s24 =	simm.s32 $0x2580;
	v5 =	vmov s25;
	v6 =	vadd.s32 s25, v0  }
0x11: {  	[tilespmem:s3], [sflag:$0x3] =	stream.linear.gather [hbm4b:s5+s3], $0x6400, $0x38;
	v8 =	vmov s26;
	v9 =	vadd.s32 s26, v0;
	v7 =	vmov s24;
	[tilespmem:$0x13AC8] =	vst v63  }
0x12: {  	_ =	swait.ge [sflag:s8], $0x6400;
	s26 =	simm.s32 $0x3200;
	v10 =	vadd.s32 s24, v0;
	v9 =	vand.u32 $0x7FF8, v9;
	v8 =	vand.u32 $0x6, v8  }
0x13: {  	[sflag:s8] =	ssyncset.done $0x0;
	v11 =	vmov s26;
	v12 =	vadd.s32 s26, v0;
	v1 =	vor.u32 v2, v1  }
0x14: {  	v2 =	vand.u32 $0x1FF8, v4;
	v3 =	vand.u32 $0x6, v3;
	s24 =	simm.s32 $0x5782;
	[sflag:s8] =	ssyncadd.s32 $0xFFFF9C00;
	v8 =	vor.u32 v8, v9  }
0x15: {  	v4 =	vand.u32 $0x6, v5;
	v2 =	vor.u32 v3, v2;
	v3 =	vand.u32 $0x3FF8, v6;
	[tilespmem:s9], [sflag:$0x3] =	stream.linear.gather [hbm4b:s4+s3], $0x32C8, $0x38;
	[tilespmem:$0x13AC8] =	vst v63  }
0x16: {  	v5 =	vand.u32 $0x6, v7;
	v6 =	vand.u32 $0x6, v11;
	v26 =	vmov s24;
	_ =	swait.ge [sflag:s8], $0x32C8  }
0x17: {  	v27 =	vadd.s32 s24, v0;
	v3 =	vor.u32 v4, v3;
	v4 =	vand.u32 $0x3FF8, v10;
	[sflag:s8] =	ssyncset.done $0x0  }
0x18: {  	s25 =	simm.s32 $0x1;
	v27 =	vand.u32 $0x7FF8, v27;
	v4 =	vor.u32 v5, v4;
	v5 =	vand.u32 $0x7FF8, v12;
	[sflag:s8] =	ssyncadd.s32 $0xFFFFCD38  }
0x19: {  	v26 =	vand.u32 $0x6, v26;
	v5 =	vor.u32 v6, v5;
	v6 =	vadd.s32 s25, v0;
	s25 =	simm.s32 $0x3E80;
	v7 =	vld.idx.msk [tilespmem:v8+s3+$0x0], $0xffff  }
0x1a: {  	s26 =	simm.s32 $0xC81;
	v26 =	vor.u32 v26, v27;
	v9 =	vmov s25;
	v10 =	vadd.s32 s25, v0;
	v1 =	vld.idx.msk [tilespmem:v1+s3+$0x0], $0xffff  }
0x1b: {  	v8 =	vadd.s32 s26, v0;
	s26 =	simm.s32 $0x4B00;
	v2 =	vld.idx.msk [tilespmem:v2+s3+$0x0], $0xffff;
	v10 =	vand.u32 $0x7FF8, v10;
	v9 =	vand.u32 $0x6, v9  }
0x1c: {  	v11 =	vmov s26;
	v12 =	vadd.s32 s26, v0;
	v3 =	vld.idx.msk [tilespmem:v3+s3+$0x0], $0xffff;
	s26 =	simm.s32 $0x1901;
	v9 =	vor.u32 v9, v10  }
0x1d: {  	s25 =	simm.s32 $0x2581;
	v12 =	vand.u32 $0x5FF8, v12;
	v11 =	vand.u32 $0x6, v11;
	v13 =	vadd.s32 s26, v0;
	s26 =	simm.s32 $0x3201  }
0x1e: {  	v4 =	vld.idx.msk [tilespmem:v4+s3+$0x0], $0xffff;
	v10 =	vor.u32 v11, v12;
	v11 =	vadd.s32 s25, v0;
	v12 =	vadd.s32 s26, v0;
	s26 =	simm.s32 $0x3E81;
	s25 =	simm.s32 $0x3  }
0x1f: {  	v14 =	vadd.s32 s26, v0;
	s26 =	simm.s32 $0x4B01;
	v15 =	vadd.s32 s25, v0;
	v7 =	vmul.u32 $0x41, v7  }
0x20: {  	v5 =	vld.idx.msk [tilespmem:v5+s3+$0x0], $0xffff;
	s25 =	simm.s32 $0x2;
	v1 =	vmul.u32 $0x41, v1;
	v2 =	vmul.u32 $0x41, v2;
	v16 =	vadd.s32 s26, v0  }
0x21: {  	v26 =	vld.idx.msk [tilespmem:v26+s3+$0x0], $0xffff;
	s26 =	simm.s32 $0x5781;
	v18 =	vadd.s32 s25, v0;
	v19 =	vmov s25;
	v3 =	vmul.u32 $0x41, v3  }
0x22: {  	v6 =	vld.idx.msk [tilespmem:v6+s3+$0x0], $0xffff;
	s25 =	simm.s32 $0x1902;
	v17 =	vadd.s32 s26, v0;
	v18 =	vand.u32 $0x1FF8, v18;
	v19 =	vand.u32 $0x6, v19  }
0x23: {  	v8 =	vld.idx.msk [tilespmem:v8+s3+$0x0], $0xffff;
	s26 =	simm.s32 $0xC82;
	v22 =	vmov s25;
	v23 =	vadd.s32 s25, v0;
	v4 =	vmul.u32 $0x41, v4  }
0x24: {  	s24 =	simm.s32 $0x3E82;
	v9 =	vld.idx.msk [tilespmem:v9+s3+$0x0], $0xffff;
	v20 =	vmov s26;
	v21 =	vadd.s32 s26, v0;
	v18 =	vor.u32 v19, v18  }
0x25: {  	s26 =	simm.s32 $0x2582;
	v13 =	vld.idx.msk [tilespmem:v13+s3+$0x0], $0xffff;
	v19 =	vmov s24;
	v22 =	vand.u32 $0x6, v22;
	v5 =	vmul.u32 $0x41, v5  }
0x26: {  	v10 =	vld.idx.msk [tilespmem:v10+s3+$0x0], $0xffff;
	v24 =	vmov s26;
	v25 =	vadd.s32 s26, v0;
	v21 =	vand.u32 $0x1FF8, v21  }
0x27: {  	s26 =	simm.s32 $0x3202;
	v11 =	vld.idx.msk [tilespmem:v11+s3+$0x0], $0xffff;
	v20 =	vand.u32 $0x6, v20;
	v19 =	vand.u32 $0x6, v19;
	v6 =	vmul.u32 $0x41, v6  }
0x28: {  	s25 =	simm.s32 $0x6480;
	v12 =	vld.idx.msk [tilespmem:v12+s3+$0x0], $0xffff;
	v28 =	vmov s26;
	v27 =	vadd.s32 s26, v0;
	v20 =	vor.u32 v20, v21  }
0x29: {  	[tilespmem:s25+$0xFFFFFFF0] =	vst v7;
	v14 =	vld.idx.msk [tilespmem:v14+s3+$0x0], $0xffff;
	s26 =	simm.s32 $0x4B02;
	v21 =	vand.u32 $0x3FF8, v23;
	v23 =	vadd.s32 s24, v0;
	v25 =	vand.u32 $0x3FF8, v25  }
0x2a: {  	[tilespmem:s25+$0xFFFFFF80] =	vst v1;
	v24 =	vand.u32 $0x6, v24;
	v15 =	vld.idx.msk [tilespmem:v15+s3+$0x0], $0xffff;
	v21 =	vor.u32 v22, v21;
	v22 =	vmov s26  }
0x2b: {  	[tilespmem:s25+$0xFFFFFF90] =	vst v2;
	v16 =	vld.idx.msk [tilespmem:v16+s3+$0x0], $0xffff;
	v1 =	vor.u32 v24, v25;
	v24 =	vand.u32 $0x7FF8, v27;
	v25 =	vand.u32 $0x6, v28  }
0x2c: {  	[tilespmem:s25+$0xFFFFFFA0] =	vst v3;
	v7 =	vadd.s32 s26, v0;
	v23 =	vand.u32 $0x7FF8, v23;
	v17 =	vld.idx.msk [tilespmem:v17+s3+$0x0], $0xffff;
	v2 =	vor.u32 v25, v24  }
0x2d: {  	[tilespmem:s25+$0xFFFFFFB0] =	vst v4;
	s26 =	simm.s32 $0xC83;
	v3 =	vor.u32 v19, v23;
	v7 =	vand.u32 $0x5FF8, v7;
	v19 =	vand.u32 $0x6, v22;
	v18 =	vld.idx.msk [tilespmem:v18+s3+$0x0], $0xffff  }
0x2e: {  	[tilespmem:s25+$0xFFFFFFC0] =	vst v5;
	v5 =	vmul.u32 $0x41, v9;
	v4 =	vor.u32 v19, v7;
	v19 =	vadd.s32 s26, v0;
	s26 =	simm.s32 $0x1903;
	v20 =	vld.idx.msk [tilespmem:v20+s3+$0x0], $0xffff  }
0x2f: {  	s24 =	simm.s32 $0x3E83;
	[tilespmem:s25+$0x0] =	vst v6;
	v22 =	vadd.s32 s26, v0;
	v6 =	vmul.u32 $0x41, v10;
	v10 =	vmul.u32 $0x41, v8;
	s26 =	simm.s32 $0x2583;
	v21 =	vld.idx.msk [tilespmem:v21+s3+$0x0], $0xffff  }
0x30: {  	[tilespmem:s25+$0xFFFFFFD0] =	vst v5;
	v9 =	vmul.u32 $0x41, v14;
	v5 =	vadd.s32 s26, v0;
	v14 =	vadd.s32 s24, v0;
	v23 =	vld.idx.msk [tilespmem:v1+s3+$0x0], $0xffff  }
0x31: {  	s26 =	simm.s32 $0x3203;
	v1 =	vmul.u32 $0x41, v13;
	v13 =	vmul.u32 $0x41, v11;
	v11 =	vmul.u32 $0x41, v12;
	[tilespmem:s25+$0xFFFFFFE0] =	vst v6;
	v24 =	vld.idx.msk [tilespmem:v2+s3+$0x0], $0xffff  }
0x32: {  	s28 =	simm.s32 $0x5;
	v7 =	vmul.u32 $0x41, v16;
	v6 =	vadd.s32 s26, v0;
	[tilespmem:s25+$0x10] =	vst v10;
	v2 =	vmul.u32 $0x41, v26;
	v3 =	vld.idx.msk [tilespmem:v3+s3+$0x0], $0xffff  }
0x33: {  	s24 =	simm.s32 $0x4B03;
	s26 =	simm.s32 $0x6580;
	v16 =	vadd.s32 s28, v0;
	v8 =	vmul.u32 $0x41, v17;
	v4 =	vld.idx.msk [tilespmem:v4+s3+$0x0], $0xffff;
	v12 =	vmul.u32 $0x41, v18;
	[tilespmem:s25+$0x20] =	vst v1  }
0x34: {  	s29 =	simm.s32 $0xC85;
	v17 =	vmul.u32 $0x41, v15;
	v26 =	vadd.s32 s24, v0;
	s24 =	simm.s32 $0x5783;
	v10 =	vld.idx.msk [tilespmem:v19+s3+$0x0], $0xffff;
	[tilespmem:s26+$0xFFFFFFF0] =	vst v2;
	v15 =	vmul.u32 $0x41, v20  }
0x35: {  	s28 =	simm.s32 $0x4;
	v1 =	vadd.s32 s29, v0;
	s29 =	simm.s32 $0x1905;
	v18 =	vadd.s32 s24, v0;
	[tilespmem:s26+$0xFFFFFF80] =	vst v12;
	v12 =	vld.idx.msk [tilespmem:v22+s3+$0x0], $0xffff;
	v20 =	vmul.u32 $0x41, v21  }
0x36: {  	v19 =	vadd.s32 s28, v0;
	v2 =	vadd.s32 s29, v0;
	v5 =	vld.idx.msk [tilespmem:v5+s3+$0x0], $0xffff;
	[tilespmem:s26+$0xFFFFFF90] =	vst v15;
	v15 =	vmul.u32 $0x41, v23  }
0x37: {  	s24 =	simm.s32 $0xC84;
	v19 =	vand.u32 $0x1FF8, v19;
	v14 =	vld.idx.msk [tilespmem:v14+s3+$0x0], $0xffff;
	v21 =	vmov s28;
	v27 =	vmul.u32 $0x41, v24;
	[tilespmem:s26+$0xFFFFFFA0] =	vst v20  }
0x38: {  	s30 =	simm.s32 $0x2584;
	v6 =	vld.idx.msk [tilespmem:v6+s3+$0x0], $0xffff;
	v22 =	vand.u32 $0x6, v21;
	v21 =	vmov s24;
	v23 =	vadd.s32 s24, v0;
	s24 =	simm.s32 $0x1904;
	[tilespmem:s26+$0xFFFFFFB0] =	vst v15  }
0x39: {  	s31 =	simm.s32 $0x5784;
	s29 =	simm.s32 $0x6;
	v24 =	vmov s24;
	v25 =	vadd.s32 s24, v0;
	v20 =	vmov s30;
	s24 =	simm.s32 $0x0;
	[tilespmem:s26+$0xFFFFFFC0] =	vst v27;
	v15 =	vld.idx.msk [tilespmem:v26+s3+$0x0], $0xffff  }
.LBB2_2:
0x3a: {  	p0 =	slt.u32 s29, $0xC6;
	v26 =	vadd.s32 s30, v0;
	s30 =	sadd.s32 $0x3200, s28;
	v27 =	vmov s31;
	v28 =	vadd.s32 s31, v0;
	v18 =	vld.idx.msk [tilespmem:v18+s24+$0x0], $0xffff;
	[tilespmem:s26+$0x0] =	vst v17  }
0x3b: {  	s24 =	sadd.s32 $0x3E80, s28;
	v17 =	vmov s30;
	v28 =	vand.u32 $0x7FF8, v28;
	v27 =	vand.u32 $0x6, v27;
	[tilespmem:s25+$0x30] =	vst v13  }
0x3c: {  	v13 =	vadd.s32 s30, v0;
	v29 =	vmov s24;
	s30 =	sadd.s32 $0x4B00, s28;
	v27 =	vor.u32 v27, v28;
	[tilespmem:s25+$0x40] =	vst v11  }
0x3d: {  	v11 =	vadd.s32 s24, v0;
	v28 =	vmov s30;
	v30 =	vadd.s32 s30, v0;
	[tilespmem:s25+$0x50] =	vst v9  }
0x3e: {  	v21 =	vand.u32 $0x6, v21;
	v9 =	vor.u32 v22, v19;
	v19 =	vand.u32 $0x1FF8, v23;
	[tilespmem:s25+$0x60] =	vst v7  }
0x3f: {  	v7 =	vor.u32 v21, v19;
	v19 =	vand.u32 $0x3FF8, v25;
	v21 =	vand.u32 $0x6, v24;
	[tilespmem:s25+$0x70] =	vst v8;
	s25 =	smov.u32 s26  }
0x40: {  	v20 =	vand.u32 $0x6, v20;
	s24 =	simm.s32 $0x0;
	v8 =	vor.u32 v21, v19;
	v19 =	vand.u32 $0x3FF8, v26  }
0x41: {  	v13 =	vand.u32 $0x7FF8, v13;
	v17 =	vand.u32 $0x6, v17;
	v19 =	vor.u32 v20, v19;
	v20 =	vld.idx.msk [tilespmem:v27+s24+$0x0], $0xffff  }
0x42: {  	v17 =	vor.u32 v17, v13;
	v11 =	vand.u32 $0x7FF8, v11;
	v13 =	vand.u32 $0x6, v29;
	v16 =	vld.idx.msk [tilespmem:v16+s24+$0x0], $0xffff  }
0x43: {  	v22 =	vor.u32 v13, v11;
	v11 =	vand.u32 $0x6, v28;
	v21 =	vld.idx.msk [tilespmem:v9+s24+$0x0], $0xffff;
	v9 =	vand.u32 $0x5FF8, v30  }
0x44: {  	v3 =	vmul.u32 $0x41, v3;
	v4 =	vmul.u32 $0x41, v4;
	v23 =	vld.idx.msk [tilespmem:v7+s24+$0x0], $0xffff;
	v24 =	vor.u32 v11, v9  }
0x45: {  	v10 =	vmul.u32 $0x41, v10;
	v12 =	vmul.u32 $0x41, v12;
	v13 =	vmul.u32 $0x41, v5;
	v25 =	vld.idx.msk [tilespmem:v8+s24+$0x0], $0xffff  }
0x46: {  	s30 =	sadd.s32 $0x2581, s28;
	v11 =	vmul.u32 $0x41, v6;
	v9 =	vmul.u32 $0x41, v14;
	v7 =	vmul.u32 $0x41, v15;
	v5 =	vld.idx.msk [tilespmem:v19+s24+$0x0], $0xffff;
	[tilespmem:s26+$0xFFFFFFD0] =	vst v3  }
0x47: {  	v15 =	vadd.s32 s30, v0;
	s30 =	sadd.s32 $0x3201, s28;
	v8 =	vmul.u32 $0x41, v18;
	v14 =	vmul.u32 $0x41, v20;
	v6 =	vld.idx.msk [tilespmem:v17+s24+$0x0], $0xffff;
	[tilespmem:s26+$0xFFFFFFE0] =	vst v4  }
0x48: {  	v20 =	vadd.s32 s30, v0;
	s30 =	sadd.s32 $0x3E81, s28;
	v17 =	vmul.u32 $0x41, v16;
	s26 =	sadd.s32 $0x100, s26;
	v3 =	vld.idx.msk [tilespmem:v22+s24+$0x0], $0xffff;
	[tilespmem:s25+$0x10] =	vst v10  }
0x49: {  	s31 =	sadd.s32 $0x1, s29;
	v18 =	vmul.u32 $0x41, v21;
	v4 =	vld.idx.msk [tilespmem:v24+s24+$0x0], $0xffff;
	[tilespmem:s26+$0xFFFFFFF0] =	vst v14;
	v14 =	vadd.s32 s30, v0;
	s30 =	sadd.s32 $0x4B01, s28  }
0x4a: {  	v16 =	vadd.s32 s31, v0;
	s31 =	sadd.s32 $0xC81, s29;
	v19 =	vmul.u32 $0x41, v23;
	v10 =	vld.idx.msk [tilespmem:v1+s24+$0x0], $0xffff;
	v26 =	vadd.s32 s30, v0;
	s30 =	sadd.s32 $0x5781, s28;
	[tilespmem:s25+$0x20] =	vst v12;
	s28 =	smov.u32 s29  }
.Ltmp0:
0x4b: {  	v1 =	vadd.s32 s31, v0;
	s31 =	sadd.s32 $0x1901, s29;
	v21 =	vmul.u32 $0x41, v25;
	[tilespmem:s26+$0xFFFFFF80] =	vst v18;
	v12 =	vld.idx.msk [tilespmem:v2+s24+$0x0], $0xffff;
	v18 =	vadd.s32 s30, v0;
	(pc) =	sbr.rel @p0 .LBB2_2-.Ltmp0, $4  }
0x4c: {  	v22 =	vadd.s32 s29, v0;
	v2 =	vadd.s32 s31, v0;
	v24 =	vmul.u32 $0x41, v5;
	[tilespmem:s26+$0xFFFFFF90] =	vst v19;
	v5 =	vld.idx.msk [tilespmem:v15+s24+$0x0], $0xffff  }
0x4d: {  	s30 =	sadd.s32 $0xC80, s29;
	v15 =	vmov s29;
	v19 =	vand.u32 $0x1FF8, v22;
	v27 =	vmul.u32 $0x41, v6;
	[tilespmem:s26+$0xFFFFFFA0] =	vst v21;
	v6 =	vld.idx.msk [tilespmem:v20+s24+$0x0], $0xffff  }
0x4e: {  	s31 =	sadd.s32 $0x1900, s29;
	v23 =	vadd.s32 s30, v0;
	v22 =	vand.u32 $0x6, v15;
	v21 =	vmov s30;
	s30 =	sadd.s32 $0x2580, s29;
	[tilespmem:s26+$0xFFFFFFB0] =	vst v24;
	v14 =	vld.idx.msk [tilespmem:v14+s24+$0x0], $0xffff  }
0x4f: {  	v25 =	vadd.s32 s31, v0;
	s29 =	sadd.s32 $0x2, s29;
	v24 =	vmov s31;
	v20 =	vmov s30;
	s31 =	sadd.s32 $0x5780, s28;
	[tilespmem:s26+$0xFFFFFFC0] =	vst v27;
	v15 =	vld.idx.msk [tilespmem:v26+s24+$0x0], $0xffff  }
0x50: {  	_ =	sdelay $0x1  }
0x51: {  	v26 =	vadd.s32 s30, v0;
	v27 =	vmov s31;
	v28 =	vadd.s32 s31, v0  }
0x52: {  	v19 =	vor.u32 v22, v19;
	v23 =	vand.u32 $0x1FF8, v23;
	v21 =	vand.u32 $0x6, v21  }
0x53: {  	v25 =	vand.u32 $0x3FF8, v25;
	v24 =	vand.u32 $0x6, v24;
	v18 =	vld.idx.msk [tilespmem:v18+s24+$0x0], $0xffff;
	v20 =	vand.u32 $0x6, v20;
	[tilespmem:s26+$0x0] =	vst v17  }
0x54: {  	s29 =	sadd.s32 $0x3200, s28;
	[tilespmem:s25+$0x30] =	vst v13;
	v3 =	vmul.u32 $0x41, v3;
	v4 =	vmul.u32 $0x41, v4;
	v10 =	vmul.u32 $0x41, v10  }
0x55: {  	s31 =	sadd.s32 $0x3E80, s28;
	[tilespmem:s25+$0x40] =	vst v11;
	v12 =	vmul.u32 $0x41, v12;
	v29 =	vmov s29;
	v28 =	vand.u32 $0x7FF8, v28  }
0x56: {  	[tilespmem:s25+$0x50] =	vst v9;
	v27 =	vand.u32 $0x6, v27;
	v30 =	vadd.s32 s29, v0;
	v61 =	vmov s31  }
0x57: {  	[tilespmem:s25+$0x60] =	vst v7;
	v62 =	vadd.s32 s31, v0;
	v21 =	vor.u32 v21, v23;
	v24 =	vor.u32 v24, v25  }
0x58: {  	[tilespmem:s25+$0x70] =	vst v8;
	s31 =	sadd.s32 $0x4B00, s28;
	v26 =	vand.u32 $0x3FF8, v26;
	v5 =	vmul.u32 $0x41, v5;
	v27 =	vor.u32 v27, v28  }
0x59: {  	v16 =	vld.idx.msk [tilespmem:v16+s24+$0x0], $0xffff;
	v63 =	vmov s31;
	v31 =	vadd.s32 s31, v0;
	v32 =	vor.u32 v20, v26;
	[tilespmem:s26+$0xFFFFFFD0] =	vst v3  }
0x5a: {  	v1 =	vld.idx.msk [tilespmem:v1+s24+$0x0], $0xffff;
	v33 =	vand.u32 $0x7FF8, v30;
	v34 =	vand.u32 $0x6, v29;
	v36 =	vand.u32 $0x7FF8, v62;
	[tilespmem:s26+$0xFFFFFFE0] =	vst v4  }
0x5b: {  	v37 =	vand.u32 $0x6, v61;
	[tilespmem:s26+$0x10] =	vst v10;
	v6 =	vmul.u32 $0x41, v6;
	v35 =	vor.u32 v34, v33;
	v38 =	vld.idx.msk [tilespmem:v19+s24+$0x0], $0xffff  }
0x5c: {  	[tilespmem:s26+$0x20] =	vst v12;
	v39 =	vor.u32 v37, v36;
	v40 =	vand.u32 $0x5FF8, v31;
	v41 =	vand.u32 $0x6, v63;
	v42 =	vld.idx.msk [tilespmem:v21+s24+$0x0], $0xffff  }
0x5d: {  	v58 =	vmul.u32 $0x41, v14;
	[tilespmem:s26+$0x30] =	vst v5;
	v20 =	vor.u32 v41, v40;
	v43 =	vld.idx.msk [tilespmem:v24+s24+$0x0], $0xffff  }
0x5e: {  	s30 =	sadd.s32 $0x3201, s28;
	v59 =	vmul.u32 $0x41, v15;
	[tilespmem:s26+$0x40] =	vst v6;
	v27 =	vld.idx.msk [tilespmem:v27+s24+$0x0], $0xffff  }
0x5f: {  	s29 =	sadd.s32 $0x2581, s28;
	v48 =	vadd.s32 s30, v0;
	v60 =	vmul.u32 $0x41, v18;
	[tilespmem:s26+$0x50] =	vst v58;
	v44 =	vld.idx.msk [tilespmem:v32+s24+$0x0], $0xffff  }
0x60: {  	s30 =	sadd.s32 $0x4B01, s28;
	v45 =	vadd.s32 s29, v0;
	[tilespmem:s26+$0x60] =	vst v59;
	v3 =	vld.idx.msk [tilespmem:v35+s24+$0x0], $0xffff;
	v11 =	vmul.u32 $0x41, v38  }
0x61: {  	s31 =	sadd.s32 $0x3E81, s28;
	s29 =	sadd.s32 $0x100, s26;
	v51 =	vadd.s32 s30, v0;
	[tilespmem:s26+$0x70] =	vst v60;
	v47 =	vld.idx.msk [tilespmem:v39+s24+$0x0], $0xffff;
	v9 =	vmul.u32 $0x41, v42  }
0x62: {  	v50 =	vadd.s32 s31, v0;
	s31 =	sadd.s32 $0x5781, s28;
	v49 =	vld.idx.msk [tilespmem:v20+s24+$0x0], $0xffff;
	v7 =	vmul.u32 $0x41, v43;
	[tilespmem:s29+$0xFFFFFF80] =	vst v11  }
0x63: {  	v2 =	vld.idx.msk [tilespmem:v2+s24+$0x0], $0xffff;
	v52 =	vadd.s32 s31, v0;
	v46 =	vmul.u32 $0x41, v27;
	[tilespmem:s29+$0xFFFFFF90] =	vst v9  }
0x64: {  	v54 =	vld.idx.msk [tilespmem:v48+s24+$0x0], $0xffff;
	v8 =	vmul.u32 $0x41, v44;
	[tilespmem:s29+$0xFFFFFFA0] =	vst v7  }
0x65: {  	v53 =	vld.idx.msk [tilespmem:v45+s24+$0x0], $0xffff;
	v3 =	vmul.u32 $0x41, v3;
	[tilespmem:s29+$0xFFFFFFF0] =	vst v46  }
0x66: {  	v56 =	vmul.u32 $0x41, v16;
	v57 =	vld.idx.msk [tilespmem:v51+s24+$0x0], $0xffff;
	[tilespmem:s29+$0xFFFFFFB0] =	vst v8  }
0x67: {  	v55 =	vld.idx.msk [tilespmem:v50+s24+$0x0], $0xffff;
	v4 =	vmul.u32 $0x41, v47;
	[tilespmem:s29+$0xFFFFFFC0] =	vst v3  }
0x68: {  	v1 =	vmul.u32 $0x41, v1;
	v3 =	vld.idx.msk [tilespmem:v52+s24+$0x0], $0xffff;
	[tilespmem:s29+$0x0] =	vst v56  }
0x69: {  	v2 =	vmul.u32 $0x41, v2;
	[tilespmem:s29+$0xFFFFFFD0] =	vst v4  }
0x6a: {  	v62 =	vmul.u32 $0x41, v53;
	[tilespmem:s29+$0x10] =	vst v1  }
0x6b: {  	v63 =	vmul.u32 $0x41, v57;
	[tilespmem:s29+$0x20] =	vst v2  }
0x6c: {  	v61 =	vmul.u32 $0x41, v49;
	[tilespmem:s29+$0x30] =	vst v62  }
0x6d: {  	v1 =	vmul.u32 $0x41, v54;
	[tilespmem:s29+$0x60] =	vst v63  }
0x6e: {  	v2 =	vmul.u32 $0x41, v55;
	[tilespmem:s29+$0xFFFFFFE0] =	vst v61  }
0x6f: {  	[tilespmem:s29+$0x40] =	vst v1;
	v1 =	vmul.u32 $0x41, v3  }
0x70: {  	[tilespmem:s29+$0x50] =	vst v2  }
0x71: {  	[tilespmem:s29+$0x70] =	vst v1  }
.LBB2_4:
0x72: {  	s25 =	sshll.u32 s24, $0x8  }
0x73: {  	s28 =	sand.u32 $0x3FFFFF00, s25  }
0x74: {  	s28 =	sadd.s32 $0x6400, s28  }
0x75: {  	p0 =	seq.s32 s24, $0x0;
	v1 =	vmov s28  }
0x76: {  	s26 =	simm.s32 @!p0 $0x1  }
0x77: {  	_ =	swait.ge @!p0 [sflag:s26], $0x2000  }
0x78: {  	p1 =	por $0x1, $0x1;
	[sflag:s26] =	ssyncset.done @!p0 $0x0  }
0x79: {  	s25 =	sshll.u32 s24, $0x1;
	[sflag:s26] =	ssyncadd.s32 @!p0 $0xFFFFE000;
	s26 =	simm.s32 $0x0  }
.LBB2_5:
0x7a: {  	v9 =	vld.idx.msk [tilespmem:v1+s26+$0x0 ss:$0x1], $0xffff;
	_ =	sdelay $0x4  }
0x7b: {  	v8 =	vadd.s32 $0x1, v9  }
0x7c: {  	v7 =	vadd.s32 $0x2, v9  }
0x7d: {  	v6 =	vadd.s32 $0x3, v9  }
0x7e: {  	v5 =	vadd.s32 $0x4, v9  }
0x7f: {  	v2 =	vadd.s32 $0x5, v9;
	v10 =	vld.idx.msk [tilespmem:v9+s9+$0x0], $0xffff  }
0x80: {  	v3 =	vadd.s32 $0x6, v9;
	v11 =	vld.idx.msk [tilespmem:v8+s9+$0x0], $0xffff  }
0x81: {  	v4 =	vadd.s32 $0x7, v9;
	v12 =	vld.idx.msk [tilespmem:v7+s9+$0x0], $0xffff  }
0x82: {  	v13 =	vld.idx.msk [tilespmem:v6+s9+$0x0], $0xffff  }
0x83: {  	v14 =	vld.idx.msk [tilespmem:v5+s9+$0x0], $0xffff  }
0x84: {  	v15 =	vld.idx.msk [tilespmem:v2+s9+$0x0], $0xffff  }
0x85: {  	v16 =	vld.idx.msk [tilespmem:v3+s9+$0x0], $0xffff  }
0x86: {  	v17 =	vld.idx.msk [tilespmem:v4+s9+$0x0], $0xffff;
	[tilespmem:s26+$0xFAC8] =	vst v10  }
0x87: {  	[tilespmem:s26+$0xFB48] =	vst v11  }
0x88: {  	[tilespmem:s26+$0xFBC8] =	vst v12  }
0x89: {  	[tilespmem:s26+$0xFC48] =	vst v13  }
0x8a: {  	[tilespmem:s26+$0xFCC8] =	vst v14  }
0x8b: {  	[tilespmem:s26+$0xFD48] =	vst v15  }
0x8c: {  	[tilespmem:s26+$0xFDC8] =	vst v16  }
0x8d: {  	[tilespmem:s26+$0xFE48] =	vst v17  }
0x8e: {  	v61 =	vld.idx.msk [tilespmem:v9+s10+$0x0], $0xffff  }
0x8f: {  	v62 =	vld.idx.msk [tilespmem:v8+s10+$0x0], $0xffff  }
0x90: {  	v63 =	vld.idx.msk [tilespmem:v7+s10+$0x0], $0xffff  }
0x91: {  	v28 =	vld.idx.msk [tilespmem:v6+s10+$0x0], $0xffff  }
0x92: {  	v29 =	vld.idx.msk [tilespmem:v5+s10+$0x0], $0xffff  }
0x93: {  	v30 =	vld.idx.msk [tilespmem:v2+s10+$0x0], $0xffff  }
0x94: {  	v31 =	vld.idx.msk [tilespmem:v3+s10+$0x0], $0xffff  }
0x95: {  	v32 =	vld.idx.msk [tilespmem:v4+s10+$0x0], $0xffff;
	[tilespmem:s26+$0xFEC8] =	vst v61  }
0x96: {  	[tilespmem:s26+$0xFF48] =	vst v62  }
0x97: {  	[tilespmem:s26+$0xFFC8] =	vst v63  }
0x98: {  	[tilespmem:s26+$0x10048] =	vst v28  }
0x99: {  	[tilespmem:s26+$0x100C8] =	vst v29  }
0x9a: {  	[tilespmem:s26+$0x10148] =	vst v30  }
0x9b: {  	[tilespmem:s26+$0x101C8] =	vst v31  }
0x9c: {  	v17 =	vld.idx.msk [tilespmem:v1+s26+$0x10 ss:$0x1], $0xffff;
	[tilespmem:s26+$0x10248] =	vst v32  }
0x9d: {  	v41 =	vld.idx.msk [tilespmem:v9+s11+$0x0], $0xffff  }
0x9e: {  	v42 =	vld.idx.msk [tilespmem:v8+s11+$0x0], $0xffff  }
0x9f: {  	v43 =	vld.idx.msk [tilespmem:v7+s11+$0x0], $0xffff  }
0xa0: {  	v44 =	vld.idx.msk [tilespmem:v6+s11+$0x0], $0xffff  }
0xa1: {  	v16 =	vadd.s32 $0x1, v17;
	v45 =	vld.idx.msk [tilespmem:v5+s11+$0x0], $0xffff  }
0xa2: {  	v15 =	vadd.s32 $0x2, v17;
	v46 =	vld.idx.msk [tilespmem:v2+s11+$0x0], $0xffff  }
0xa3: {  	v14 =	vadd.s32 $0x3, v17;
	v47 =	vld.idx.msk [tilespmem:v3+s11+$0x0], $0xffff  }
0xa4: {  	v13 =	vadd.s32 $0x4, v17;
	v48 =	vld.idx.msk [tilespmem:v4+s11+$0x0], $0xffff;
	[tilespmem:s26+$0x102C8] =	vst v41  }
0xa5: {  	v12 =	vadd.s32 $0x5, v17;
	v18 =	vld.idx.msk [tilespmem:v17+s9+$0x0], $0xffff;
	[tilespmem:s26+$0x10348] =	vst v42  }
0xa6: {  	v11 =	vadd.s32 $0x6, v17;
	v19 =	vld.idx.msk [tilespmem:v16+s9+$0x0], $0xffff;
	[tilespmem:s26+$0x103C8] =	vst v43  }
0xa7: {  	v10 =	vadd.s32 $0x7, v17;
	v20 =	vld.idx.msk [tilespmem:v15+s9+$0x0], $0xffff;
	[tilespmem:s26+$0x10448] =	vst v44  }
0xa8: {  	v21 =	vld.idx.msk [tilespmem:v14+s9+$0x0], $0xffff;
	[tilespmem:s26+$0x104C8] =	vst v45  }
0xa9: {  	v22 =	vld.idx.msk [tilespmem:v13+s9+$0x0], $0xffff;
	[tilespmem:s26+$0x10548] =	vst v46  }
0xaa: {  	v23 =	vld.idx.msk [tilespmem:v12+s9+$0x0], $0xffff;
	[tilespmem:s26+$0x105C8] =	vst v47  }
0xab: {  	v24 =	vld.idx.msk [tilespmem:v11+s9+$0x0], $0xffff;
	[tilespmem:s26+$0x10648] =	vst v48  }
0xac: {  	v25 =	vld.idx.msk [tilespmem:v10+s9+$0x0], $0xffff;
	[tilespmem:s26+$0xFAD8] =	vst v18  }
0xad: {  	v57 =	vld.idx.msk [tilespmem:v9+s12+$0x0], $0xffff;
	[tilespmem:s26+$0xFB58] =	vst v19  }
0xae: {  	v58 =	vld.idx.msk [tilespmem:v8+s12+$0x0], $0xffff;
	[tilespmem:s26+$0xFBD8] =	vst v20  }
0xaf: {  	v59 =	vld.idx.msk [tilespmem:v7+s12+$0x0], $0xffff;
	[tilespmem:s26+$0xFC58] =	vst v21  }
0xb0: {  	v60 =	vld.idx.msk [tilespmem:v6+s12+$0x0], $0xffff;
	[tilespmem:s26+$0xFCD8] =	vst v22  }
0xb1: {  	v61 =	vld.idx.msk [tilespmem:v5+s12+$0x0], $0xffff;
	[tilespmem:s26+$0xFD58] =	vst v23  }
0xb2: {  	v62 =	vld.idx.msk [tilespmem:v2+s12+$0x0], $0xffff;
	[tilespmem:s26+$0xFDD8] =	vst v24  }
0xb3: {  	v63 =	vld.idx.msk [tilespmem:v3+s12+$0x0], $0xffff;
	[tilespmem:s26+$0xFE58] =	vst v25  }
0xb4: {  	v28 =	vld.idx.msk [tilespmem:v4+s12+$0x0], $0xffff;
	[tilespmem:s26+$0x106C8] =	vst v57  }
0xb5: {  	v33 =	vld.idx.msk [tilespmem:v17+s10+$0x0], $0xffff;
	[tilespmem:s26+$0x10748] =	vst v58  }
0xb6: {  	v34 =	vld.idx.msk [tilespmem:v16+s10+$0x0], $0xffff;
	[tilespmem:s26+$0x107C8] =	vst v59  }
0xb7: {  	v35 =	vld.idx.msk [tilespmem:v15+s10+$0x0], $0xffff;
	[tilespmem:s26+$0x10848] =	vst v60  }
0xb8: {  	v36 =	vld.idx.msk [tilespmem:v14+s10+$0x0], $0xffff;
	[tilespmem:s26+$0x108C8] =	vst v61  }
0xb9: {  	v37 =	vld.idx.msk [tilespmem:v13+s10+$0x0], $0xffff;
	[tilespmem:s26+$0x10948] =	vst v62  }
0xba: {  	v38 =	vld.idx.msk [tilespmem:v12+s10+$0x0], $0xffff;
	[tilespmem:s26+$0x109C8] =	vst v63  }
0xbb: {  	v39 =	vld.idx.msk [tilespmem:v11+s10+$0x0], $0xffff;
	[tilespmem:s26+$0x10A48] =	vst v28  }
0xbc: {  	v40 =	vld.idx.msk [tilespmem:v10+s10+$0x0], $0xffff;
	[tilespmem:s26+$0xFED8] =	vst v33  }
0xbd: {  	v41 =	vld.idx.msk [tilespmem:v5+s13+$0x0], $0xffff;
	[tilespmem:s26+$0xFF58] =	vst v34  }
0xbe: {  	v42 =	vld.idx.msk [tilespmem:v2+s13+$0x0], $0xffff;
	[tilespmem:s26+$0xFFD8] =	vst v35  }
0xbf: {  	v43 =	vld.idx.msk [tilespmem:v3+s13+$0x0], $0xffff;
	[tilespmem:s26+$0x10058] =	vst v36  }
0xc0: {  	v44 =	vld.idx.msk [tilespmem:v4+s13+$0x0], $0xffff;
	[tilespmem:s26+$0x100D8] =	vst v37  }
0xc1: {  	[tilespmem:s26+$0x10158] =	vst v38;
	v37 =	vld.idx.msk [tilespmem:v9+s13+$0x0], $0xffff  }
0xc2: {  	[tilespmem:s26+$0x101D8] =	vst v39;
	v38 =	vld.idx.msk [tilespmem:v8+s13+$0x0], $0xffff  }
0xc3: {  	[tilespmem:s26+$0x10258] =	vst v40;
	v39 =	vld.idx.msk [tilespmem:v7+s13+$0x0], $0xffff  }
0xc4: {  	v40 =	vld.idx.msk [tilespmem:v6+s13+$0x0], $0xffff;
	[tilespmem:s26+$0x10CC8] =	vst v41  }
0xc5: {  	v49 =	vld.idx.msk [tilespmem:v17+s11+$0x0], $0xffff;
	[tilespmem:s26+$0x10D48] =	vst v42  }
0xc6: {  	v50 =	vld.idx.msk [tilespmem:v16+s11+$0x0], $0xffff;
	[tilespmem:s26+$0x10DC8] =	vst v43  }
0xc7: {  	v51 =	vld.idx.msk [tilespmem:v15+s11+$0x0], $0xffff;
	[tilespmem:s26+$0x10E48] =	vst v44  }
0xc8: {  	v53 =	vld.idx.msk [tilespmem:v13+s11+$0x0], $0xffff;
	[tilespmem:s26+$0x10AC8] =	vst v37  }
0xc9: {  	v54 =	vld.idx.msk [tilespmem:v12+s11+$0x0], $0xffff;
	[tilespmem:s26+$0x10B48] =	vst v38  }
0xca: {  	v55 =	vld.idx.msk [tilespmem:v11+s11+$0x0], $0xffff;
	[tilespmem:s26+$0x10BC8] =	vst v39  }
0xcb: {  	v56 =	vld.idx.msk [tilespmem:v10+s11+$0x0], $0xffff;
	[tilespmem:s26+$0x10C48] =	vst v40  }
0xcc: {  	v52 =	vld.idx.msk [tilespmem:v14+s11+$0x0], $0xffff;
	[tilespmem:s26+$0x102D8] =	vst v49  }
0xcd: {  	[tilespmem:s26+$0x104D8] =	vst v53;
	v53 =	vld.idx.msk [tilespmem:v9+s14+$0x0], $0xffff  }
0xce: {  	[tilespmem:s26+$0x10558] =	vst v54;
	v54 =	vld.idx.msk [tilespmem:v8+s14+$0x0], $0xffff  }
0xcf: {  	[tilespmem:s26+$0x105D8] =	vst v55;
	v55 =	vld.idx.msk [tilespmem:v7+s14+$0x0], $0xffff  }
0xd0: {  	[tilespmem:s26+$0x10658] =	vst v56;
	v56 =	vld.idx.msk [tilespmem:v6+s14+$0x0], $0xffff  }
0xd1: {  	[tilespmem:s26+$0x10358] =	vst v50;
	v57 =	vld.idx.msk [tilespmem:v5+s14+$0x0], $0xffff  }
0xd2: {  	[tilespmem:s26+$0x103D8] =	vst v51;
	v58 =	vld.idx.msk [tilespmem:v2+s14+$0x0], $0xffff  }
0xd3: {  	[tilespmem:s26+$0x10458] =	vst v52;
	v59 =	vld.idx.msk [tilespmem:v3+s14+$0x0], $0xffff  }
0xd4: {  	v60 =	vld.idx.msk [tilespmem:v4+s14+$0x0], $0xffff;
	[tilespmem:s26+$0x10EC8] =	vst v53  }
0xd5: {  	v29 =	vld.idx.msk [tilespmem:v17+s12+$0x0], $0xffff;
	[tilespmem:s26+$0x10F48] =	vst v54  }
0xd6: {  	v30 =	vld.idx.msk [tilespmem:v16+s12+$0x0], $0xffff;
	[tilespmem:s26+$0x10FC8] =	vst v55  }
0xd7: {  	v31 =	vld.idx.msk [tilespmem:v15+s12+$0x0], $0xffff;
	[tilespmem:s26+$0x11048] =	vst v56  }
0xd8: {  	v33 =	vld.idx.msk [tilespmem:v13+s12+$0x0], $0xffff;
	[tilespmem:s26+$0x110C8] =	vst v57  }
0xd9: {  	v34 =	vld.idx.msk [tilespmem:v12+s12+$0x0], $0xffff;
	[tilespmem:s26+$0x11148] =	vst v58  }
0xda: {  	v35 =	vld.idx.msk [tilespmem:v11+s12+$0x0], $0xffff;
	[tilespmem:s26+$0x111C8] =	vst v59  }
0xdb: {  	v36 =	vld.idx.msk [tilespmem:v10+s12+$0x0], $0xffff;
	[tilespmem:s26+$0x11248] =	vst v60  }
0xdc: {  	v32 =	vld.idx.msk [tilespmem:v14+s12+$0x0], $0xffff;
	[tilespmem:s26+$0x106D8] =	vst v29  }
0xdd: {  	[tilespmem:s26+$0x108D8] =	vst v33;
	v33 =	vld.idx.msk [tilespmem:v9+s15+$0x0], $0xffff  }
0xde: {  	[tilespmem:s26+$0x10958] =	vst v34;
	v34 =	vld.idx.msk [tilespmem:v8+s15+$0x0], $0xffff  }
0xdf: {  	[tilespmem:s26+$0x109D8] =	vst v35;
	v35 =	vld.idx.msk [tilespmem:v7+s15+$0x0], $0xffff  }
0xe0: {  	[tilespmem:s26+$0x10A58] =	vst v36;
	v36 =	vld.idx.msk [tilespmem:v6+s15+$0x0], $0xffff  }
0xe1: {  	[tilespmem:s26+$0x10758] =	vst v30;
	v37 =	vld.idx.msk [tilespmem:v5+s15+$0x0], $0xffff  }
0xe2: {  	[tilespmem:s26+$0x107D8] =	vst v31;
	v38 =	vld.idx.msk [tilespmem:v2+s15+$0x0], $0xffff  }
0xe3: {  	[tilespmem:s26+$0x10858] =	vst v32;
	v39 =	vld.idx.msk [tilespmem:v3+s15+$0x0], $0xffff  }
0xe4: {  	v40 =	vld.idx.msk [tilespmem:v4+s15+$0x0], $0xffff;
	[tilespmem:s26+$0x112C8] =	vst v33  }
0xe5: {  	v45 =	vld.idx.msk [tilespmem:v17+s13+$0x0], $0xffff;
	[tilespmem:s26+$0x11348] =	vst v34  }
0xe6: {  	v46 =	vld.idx.msk [tilespmem:v16+s13+$0x0], $0xffff;
	[tilespmem:s26+$0x113C8] =	vst v35  }
0xe7: {  	v47 =	vld.idx.msk [tilespmem:v15+s13+$0x0], $0xffff;
	[tilespmem:s26+$0x11448] =	vst v36  }
0xe8: {  	v48 =	vld.idx.msk [tilespmem:v14+s13+$0x0], $0xffff;
	[tilespmem:s26+$0x114C8] =	vst v37  }
0xe9: {  	v49 =	vld.idx.msk [tilespmem:v13+s13+$0x0], $0xffff;
	[tilespmem:s26+$0x11548] =	vst v38  }
0xea: {  	v50 =	vld.idx.msk [tilespmem:v12+s13+$0x0], $0xffff;
	[tilespmem:s26+$0x115C8] =	vst v39  }
0xeb: {  	v51 =	vld.idx.msk [tilespmem:v11+s13+$0x0], $0xffff;
	[tilespmem:s26+$0x11648] =	vst v40  }
0xec: {  	v52 =	vld.idx.msk [tilespmem:v10+s13+$0x0], $0xffff;
	[tilespmem:s26+$0x10AD8] =	vst v45  }
0xed: {  	[tilespmem:s26+$0x10B58] =	vst v46  }
0xee: {  	[tilespmem:s26+$0x10BD8] =	vst v47  }
0xef: {  	[tilespmem:s26+$0x10C58] =	vst v48  }
0xf0: {  	[tilespmem:s26+$0x10CD8] =	vst v49  }
0xf1: {  	[tilespmem:s26+$0x10D58] =	vst v50  }
0xf2: {  	[tilespmem:s26+$0x10DD8] =	vst v51  }
0xf3: {  	[tilespmem:s26+$0x10E58] =	vst v52;
	v9 =	vld.idx.msk [tilespmem:v9+s16+$0x0], $0xffff  }
0xf4: {  	v61 =	vld.idx.msk [tilespmem:v17+s14+$0x0], $0xffff  }
0xf5: {  	v62 =	vld.idx.msk [tilespmem:v16+s14+$0x0], $0xffff  }
0xf6: {  	v63 =	vld.idx.msk [tilespmem:v15+s14+$0x0], $0xffff  }
0xf7: {  	v28 =	vld.idx.msk [tilespmem:v14+s14+$0x0], $0xffff  }
0xf8: {  	v29 =	vld.idx.msk [tilespmem:v13+s14+$0x0], $0xffff  }
0xf9: {  	v30 =	vld.idx.msk [tilespmem:v12+s14+$0x0], $0xffff  }
0xfa: {  	v31 =	vld.idx.msk [tilespmem:v11+s14+$0x0], $0xffff  }
0xfb: {  	v32 =	vld.idx.msk [tilespmem:v10+s14+$0x0], $0xffff;
	[tilespmem:s26+$0x10ED8] =	vst v61  }
0xfc: {  	v8 =	vld.idx.msk [tilespmem:v8+s16+$0x0], $0xffff;
	[tilespmem:s26+$0x10F58] =	vst v62  }
0xfd: {  	v7 =	vld.idx.msk [tilespmem:v7+s16+$0x0], $0xffff;
	[tilespmem:s26+$0x10FD8] =	vst v63  }
0xfe: {  	v6 =	vld.idx.msk [tilespmem:v6+s16+$0x0], $0xffff;
	[tilespmem:s26+$0x11058] =	vst v28  }
0xff: {  	v5 =	vld.idx.msk [tilespmem:v5+s16+$0x0], $0xffff;
	[tilespmem:s26+$0x110D8] =	vst v29  }
0x100: {  	v49 =	vld.idx.msk [tilespmem:v2+s16+$0x0], $0xffff;
	[tilespmem:s26+$0x11158] =	vst v30  }
0x101: {  	v3 =	vld.idx.msk [tilespmem:v3+s16+$0x0], $0xffff;
	[tilespmem:s26+$0x111D8] =	vst v31  }
0x102: {  	v50 =	vld.idx.msk [tilespmem:v4+s16+$0x0], $0xffff;
	[tilespmem:s26+$0x11258] =	vst v32  }
0x103: {  	v41 =	vld.idx.msk [tilespmem:v17+s15+$0x0], $0xffff  }
0x104: {  	v42 =	vld.idx.msk [tilespmem:v16+s15+$0x0], $0xffff  }
0x105: {  	v43 =	vld.idx.msk [tilespmem:v15+s15+$0x0], $0xffff  }
0x106: {  	v44 =	vld.idx.msk [tilespmem:v14+s15+$0x0], $0xffff  }
0x107: {  	v45 =	vld.idx.msk [tilespmem:v13+s15+$0x0], $0xffff  }
0x108: {  	v46 =	vld.idx.msk [tilespmem:v12+s15+$0x0], $0xffff  }
0x109: {  	[tilespmem:s26+$0x119C8] =	vst v3;
	v47 =	vld.idx.msk [tilespmem:v11+s15+$0x0], $0xffff  }
0x10a: {  	v48 =	vld.idx.msk [tilespmem:v10+s15+$0x0], $0xffff;
	[tilespmem:s26+$0x112D8] =	vst v41  }
0x10b: {  	[tilespmem:s26+$0x11358] =	vst v42  }
0x10c: {  	[tilespmem:s26+$0x113D8] =	vst v43  }
0x10d: {  	[tilespmem:s26+$0x11458] =	vst v44  }
0x10e: {  	[tilespmem:s26+$0x114D8] =	vst v45  }
0x10f: {  	[tilespmem:s26+$0x11558] =	vst v46  }
0x110: {  	v2 =	vld.idx.msk [tilespmem:v1+s26+$0x20 ss:$0x1], $0xffff;
	[tilespmem:s26+$0x115D8] =	vst v47  }
0x111: {  	v3 =	vld.idx.msk [tilespmem:v1+s26+$0x30 ss:$0x1], $0xffff;
	[tilespmem:s26+$0x11658] =	vst v48  }
0x112: {  	[tilespmem:s26+$0x116C8] =	vst v9;
	v17 =	vld.idx.msk [tilespmem:v17+s16+$0x0], $0xffff  }
0x113: {  	[tilespmem:s26+$0x11748] =	vst v8;
	v51 =	vld.idx.msk [tilespmem:v16+s16+$0x0], $0xffff  }
0x114: {  	[tilespmem:s26+$0x117C8] =	vst v7;
	v15 =	vld.idx.msk [tilespmem:v15+s16+$0x0], $0xffff  }
0x115: {  	[tilespmem:s26+$0x11848] =	vst v6;
	v14 =	vld.idx.msk [tilespmem:v14+s16+$0x0], $0xffff  }
0x116: {  	[tilespmem:s26+$0x118C8] =	vst v5;
	v4 =	vadd.s32 $0x1, v2;
	v13 =	vld.idx.msk [tilespmem:v13+s16+$0x0], $0xffff  }
0x117: {  	[tilespmem:s26+$0x11948] =	vst v49;
	v5 =	vadd.s32 $0x2, v2;
	v12 =	vld.idx.msk [tilespmem:v12+s16+$0x0], $0xffff  }
0x118: {  	v6 =	vadd.s32 $0x3, v2;
	[tilespmem:s26+$0x11A48] =	vst v50;
	v52 =	vld.idx.msk [tilespmem:v11+s16+$0x0], $0xffff  }
0x119: {  	v7 =	vadd.s32 $0x4, v2;
	v53 =	vld.idx.msk [tilespmem:v10+s16+$0x0], $0xffff;
	[tilespmem:s26+$0x116D8] =	vst v17  }
0x11a: {  	v8 =	vadd.s32 $0x5, v2;
	v54 =	vld.idx.msk [tilespmem:v2+s9+$0x0], $0xffff;
	[tilespmem:s26+$0x11758] =	vst v51  }
0x11b: {  	v9 =	vadd.s32 $0x6, v2;
	v55 =	vld.idx.msk [tilespmem:v4+s9+$0x0], $0xffff;
	[tilespmem:s26+$0x117D8] =	vst v15  }
0x11c: {  	v56 =	vld.idx.msk [tilespmem:v5+s9+$0x0], $0xffff;
	v10 =	vadd.s32 $0x7, v2;
	[tilespmem:s26+$0x11858] =	vst v14  }
0x11d: {  	v57 =	vld.idx.msk [tilespmem:v6+s9+$0x0], $0xffff;
	[tilespmem:s26+$0x118D8] =	vst v13  }
0x11e: {  	v58 =	vld.idx.msk [tilespmem:v7+s9+$0x0], $0xffff;
	v11 =	vadd.s32 $0x1, v3;
	[tilespmem:s26+$0x11958] =	vst v12  }
0x11f: {  	v59 =	vld.idx.msk [tilespmem:v8+s9+$0x0], $0xffff;
	v16 =	vadd.s32 $0x6, v3;
	[tilespmem:s26+$0x119D8] =	vst v52  }
0x120: {  	v60 =	vld.idx.msk [tilespmem:v9+s9+$0x0], $0xffff;
	v12 =	vadd.s32 $0x2, v3;
	[tilespmem:s26+$0x11A58] =	vst v53  }
0x121: {  	v13 =	vadd.s32 $0x3, v3;
	v61 =	vld.idx.msk [tilespmem:v10+s9+$0x0], $0xffff;
	[tilespmem:s26+$0xFAE8] =	vst v54  }
0x122: {  	v62 =	vld.idx.msk [tilespmem:v3+s9+$0x0], $0xffff;
	v14 =	vadd.s32 $0x4, v3;
	[tilespmem:s26+$0xFB68] =	vst v55  }
0x123: {  	v15 =	vadd.s32 $0x5, v3;
	v63 =	vld.idx.msk [tilespmem:v11+s9+$0x0], $0xffff;
	[tilespmem:s26+$0xFBE8] =	vst v56  }
0x124: {  	v17 =	vadd.s32 $0x7, v3;
	[tilespmem:s26+$0xFC68] =	vst v57;
	v32 =	vld.idx.msk [tilespmem:v16+s9+$0x0], $0xffff  }
0x125: {  	[tilespmem:s26+$0xFCE8] =	vst v58;
	v28 =	vld.idx.msk [tilespmem:v12+s9+$0x0], $0xffff  }
0x126: {  	[tilespmem:s26+$0xFD68] =	vst v59;
	v29 =	vld.idx.msk [tilespmem:v13+s9+$0x0], $0xffff  }
0x127: {  	[tilespmem:s26+$0xFDE8] =	vst v60;
	v30 =	vld.idx.msk [tilespmem:v14+s9+$0x0], $0xffff  }
0x128: {  	v31 =	vld.idx.msk [tilespmem:v15+s9+$0x0], $0xffff;
	[tilespmem:s26+$0xFE68] =	vst v61  }
0x129: {  	v33 =	vld.idx.msk [tilespmem:v17+s9+$0x0], $0xffff;
	[tilespmem:s26+$0xFAF8] =	vst v62  }
0x12a: {  	[tilespmem:s26+$0xFB78] =	vst v63;
	v34 =	vld.idx.msk [tilespmem:v2+s10+$0x0], $0xffff  }
0x12b: {  	[tilespmem:s26+$0xFDF8] =	vst v32;
	v35 =	vld.idx.msk [tilespmem:v4+s10+$0x0], $0xffff  }
0x12c: {  	v36 =	vld.idx.msk [tilespmem:v5+s10+$0x0], $0xffff;
	[tilespmem:s26+$0xFBF8] =	vst v28  }
0x12d: {  	v37 =	vld.idx.msk [tilespmem:v6+s10+$0x0], $0xffff;
	[tilespmem:s26+$0xFC78] =	vst v29  }
0x12e: {  	v38 =	vld.idx.msk [tilespmem:v7+s10+$0x0], $0xffff;
	[tilespmem:s26+$0xFCF8] =	vst v30  }
0x12f: {  	v39 =	vld.idx.msk [tilespmem:v8+s10+$0x0], $0xffff;
	[tilespmem:s26+$0xFD78] =	vst v31  }
0x130: {  	v40 =	vld.idx.msk [tilespmem:v9+s10+$0x0], $0xffff;
	[tilespmem:s26+$0xFE78] =	vst v33  }
0x131: {  	v41 =	vld.idx.msk [tilespmem:v10+s10+$0x0], $0xffff;
	[tilespmem:s26+$0xFEE8] =	vst v34  }
0x132: {  	v42 =	vld.idx.msk [tilespmem:v3+s10+$0x0], $0xffff;
	[tilespmem:s26+$0xFF68] =	vst v35  }
0x133: {  	v43 =	vld.idx.msk [tilespmem:v11+s10+$0x0], $0xffff;
	[tilespmem:s26+$0xFFE8] =	vst v36  }
0x134: {  	v44 =	vld.idx.msk [tilespmem:v12+s10+$0x0], $0xffff;
	[tilespmem:s26+$0x10068] =	vst v37  }
0x135: {  	v45 =	vld.idx.msk [tilespmem:v13+s10+$0x0], $0xffff;
	[tilespmem:s26+$0x100E8] =	vst v38  }
0x136: {  	v46 =	vld.idx.msk [tilespmem:v14+s10+$0x0], $0xffff;
	[tilespmem:s26+$0x10168] =	vst v39  }
0x137: {  	v47 =	vld.idx.msk [tilespmem:v15+s10+$0x0], $0xffff;
	[tilespmem:s26+$0x101E8] =	vst v40  }
0x138: {  	v48 =	vld.idx.msk [tilespmem:v16+s10+$0x0], $0xffff;
	[tilespmem:s26+$0x10268] =	vst v41  }
0x139: {  	v49 =	vld.idx.msk [tilespmem:v17+s10+$0x0], $0xffff;
	[tilespmem:s26+$0xFEF8] =	vst v42  }
0x13a: {  	v50 =	vld.idx.msk [tilespmem:v2+s11+$0x0], $0xffff;
	[tilespmem:s26+$0xFF78] =	vst v43  }
0x13b: {  	v51 =	vld.idx.msk [tilespmem:v4+s11+$0x0], $0xffff;
	[tilespmem:s26+$0xFFF8] =	vst v44  }
0x13c: {  	v52 =	vld.idx.msk [tilespmem:v5+s11+$0x0], $0xffff;
	[tilespmem:s26+$0x10078] =	vst v45  }
0x13d: {  	v53 =	vld.idx.msk [tilespmem:v6+s11+$0x0], $0xffff;
	[tilespmem:s26+$0x100F8] =	vst v46  }
0x13e: {  	v54 =	vld.idx.msk [tilespmem:v7+s11+$0x0], $0xffff;
	[tilespmem:s26+$0x10178] =	vst v47  }
0x13f: {  	v55 =	vld.idx.msk [tilespmem:v8+s11+$0x0], $0xffff;
	[tilespmem:s26+$0x101F8] =	vst v48  }
0x140: {  	v56 =	vld.idx.msk [tilespmem:v9+s11+$0x0], $0xffff;
	[tilespmem:s26+$0x10278] =	vst v49  }
0x141: {  	v57 =	vld.idx.msk [tilespmem:v10+s11+$0x0], $0xffff;
	[tilespmem:s26+$0x102E8] =	vst v50  }
0x142: {  	v58 =	vld.idx.msk [tilespmem:v3+s11+$0x0], $0xffff;
	[tilespmem:s26+$0x10368] =	vst v51  }
0x143: {  	v59 =	vld.idx.msk [tilespmem:v11+s11+$0x0], $0xffff;
	[tilespmem:s26+$0x103E8] =	vst v52  }
0x144: {  	v60 =	vld.idx.msk [tilespmem:v12+s11+$0x0], $0xffff;
	[tilespmem:s26+$0x10468] =	vst v53  }
0x145: {  	v61 =	vld.idx.msk [tilespmem:v13+s11+$0x0], $0xffff;
	[tilespmem:s26+$0x104E8] =	vst v54  }
0x146: {  	v62 =	vld.idx.msk [tilespmem:v14+s11+$0x0], $0xffff;
	[tilespmem:s26+$0x10568] =	vst v55  }
0x147: {  	v63 =	vld.idx.msk [tilespmem:v15+s11+$0x0], $0xffff;
	[tilespmem:s26+$0x105E8] =	vst v56  }
0x148: {  	v28 =	vld.idx.msk [tilespmem:v16+s11+$0x0], $0xffff;
	[tilespmem:s26+$0x10668] =	vst v57  }
0x149: {  	v29 =	vld.idx.msk [tilespmem:v17+s11+$0x0], $0xffff;
	[tilespmem:s26+$0x102F8] =	vst v58  }
0x14a: {  	v30 =	vld.idx.msk [tilespmem:v2+s12+$0x0], $0xffff;
	[tilespmem:s26+$0x10378] =	vst v59  }
0x14b: {  	v31 =	vld.idx.msk [tilespmem:v4+s12+$0x0], $0xffff;
	[tilespmem:s26+$0x103F8] =	vst v60  }
0x14c: {  	v32 =	vld.idx.msk [tilespmem:v5+s12+$0x0], $0xffff;
	[tilespmem:s26+$0x10478] =	vst v61  }
0x14d: {  	v33 =	vld.idx.msk [tilespmem:v6+s12+$0x0], $0xffff;
	[tilespmem:s26+$0x104F8] =	vst v62  }
0x14e: {  	v34 =	vld.idx.msk [tilespmem:v7+s12+$0x0], $0xffff;
	[tilespmem:s26+$0x10578] =	vst v63  }
0x14f: {  	v35 =	vld.idx.msk [tilespmem:v8+s12+$0x0], $0xffff;
	[tilespmem:s26+$0x105F8] =	vst v28  }
0x150: {  	v36 =	vld.idx.msk [tilespmem:v9+s12+$0x0], $0xffff;
	[tilespmem:s26+$0x10678] =	vst v29  }
0x151: {  	v37 =	vld.idx.msk [tilespmem:v10+s12+$0x0], $0xffff;
	[tilespmem:s26+$0x106E8] =	vst v30  }
0x152: {  	v38 =	vld.idx.msk [tilespmem:v3+s12+$0x0], $0xffff;
	[tilespmem:s26+$0x10768] =	vst v31  }
0x153: {  	v39 =	vld.idx.msk [tilespmem:v11+s12+$0x0], $0xffff;
	[tilespmem:s26+$0x107E8] =	vst v32  }
0x154: {  	v40 =	vld.idx.msk [tilespmem:v12+s12+$0x0], $0xffff;
	[tilespmem:s26+$0x10868] =	vst v33  }
0x155: {  	v41 =	vld.idx.msk [tilespmem:v13+s12+$0x0], $0xffff;
	[tilespmem:s26+$0x108E8] =	vst v34  }
0x156: {  	v42 =	vld.idx.msk [tilespmem:v14+s12+$0x0], $0xffff;
	[tilespmem:s26+$0x10968] =	vst v35  }
0x157: {  	v43 =	vld.idx.msk [tilespmem:v15+s12+$0x0], $0xffff;
	[tilespmem:s26+$0x109E8] =	vst v36  }
0x158: {  	v44 =	vld.idx.msk [tilespmem:v16+s12+$0x0], $0xffff;
	[tilespmem:s26+$0x10A68] =	vst v37  }
0x159: {  	v45 =	vld.idx.msk [tilespmem:v17+s12+$0x0], $0xffff;
	[tilespmem:s26+$0x106F8] =	vst v38  }
0x15a: {  	v46 =	vld.idx.msk [tilespmem:v2+s13+$0x0], $0xffff;
	[tilespmem:s26+$0x10778] =	vst v39  }
0x15b: {  	v47 =	vld.idx.msk [tilespmem:v4+s13+$0x0], $0xffff;
	[tilespmem:s26+$0x107F8] =	vst v40  }
0x15c: {  	v48 =	vld.idx.msk [tilespmem:v5+s13+$0x0], $0xffff;
	[tilespmem:s26+$0x10878] =	vst v41  }
0x15d: {  	v49 =	vld.idx.msk [tilespmem:v6+s13+$0x0], $0xffff;
	[tilespmem:s26+$0x108F8] =	vst v42  }
0x15e: {  	v50 =	vld.idx.msk [tilespmem:v7+s13+$0x0], $0xffff;
	[tilespmem:s26+$0x10978] =	vst v43  }
0x15f: {  	v51 =	vld.idx.msk [tilespmem:v8+s13+$0x0], $0xffff;
	[tilespmem:s26+$0x109F8] =	vst v44  }
0x160: {  	v52 =	vld.idx.msk [tilespmem:v9+s13+$0x0], $0xffff;
	[tilespmem:s26+$0x10A78] =	vst v45  }
0x161: {  	v53 =	vld.idx.msk [tilespmem:v10+s13+$0x0], $0xffff;
	[tilespmem:s26+$0x10AE8] =	vst v46  }
0x162: {  	v54 =	vld.idx.msk [tilespmem:v3+s13+$0x0], $0xffff;
	[tilespmem:s26+$0x10B68] =	vst v47  }
0x163: {  	v55 =	vld.idx.msk [tilespmem:v11+s13+$0x0], $0xffff;
	[tilespmem:s26+$0x10BE8] =	vst v48  }
0x164: {  	v56 =	vld.idx.msk [tilespmem:v12+s13+$0x0], $0xffff;
	[tilespmem:s26+$0x10C68] =	vst v49  }
0x165: {  	v57 =	vld.idx.msk [tilespmem:v13+s13+$0x0], $0xffff;
	[tilespmem:s26+$0x10CE8] =	vst v50  }
0x166: {  	v58 =	vld.idx.msk [tilespmem:v14+s13+$0x0], $0xffff;
	[tilespmem:s26+$0x10D68] =	vst v51  }
0x167: {  	v59 =	vld.idx.msk [tilespmem:v15+s13+$0x0], $0xffff;
	[tilespmem:s26+$0x10DE8] =	vst v52  }
0x168: {  	v60 =	vld.idx.msk [tilespmem:v16+s13+$0x0], $0xffff;
	[tilespmem:s26+$0x10E68] =	vst v53  }
0x169: {  	v61 =	vld.idx.msk [tilespmem:v17+s13+$0x0], $0xffff;
	[tilespmem:s26+$0x10AF8] =	vst v54  }
0x16a: {  	v62 =	vld.idx.msk [tilespmem:v2+s14+$0x0], $0xffff;
	[tilespmem:s26+$0x10B78] =	vst v55  }
0x16b: {  	v63 =	vld.idx.msk [tilespmem:v4+s14+$0x0], $0xffff;
	[tilespmem:s26+$0x10BF8] =	vst v56  }
0x16c: {  	v28 =	vld.idx.msk [tilespmem:v5+s14+$0x0], $0xffff;
	[tilespmem:s26+$0x10C78] =	vst v57  }
0x16d: {  	v29 =	vld.idx.msk [tilespmem:v6+s14+$0x0], $0xffff;
	[tilespmem:s26+$0x10CF8] =	vst v58  }
0x16e: {  	v30 =	vld.idx.msk [tilespmem:v7+s14+$0x0], $0xffff;
	[tilespmem:s26+$0x10D78] =	vst v59  }
0x16f: {  	v31 =	vld.idx.msk [tilespmem:v8+s14+$0x0], $0xffff;
	[tilespmem:s26+$0x10DF8] =	vst v60  }
0x170: {  	v32 =	vld.idx.msk [tilespmem:v9+s14+$0x0], $0xffff;
	[tilespmem:s26+$0x10E78] =	vst v61  }
0x171: {  	v33 =	vld.idx.msk [tilespmem:v10+s14+$0x0], $0xffff;
	[tilespmem:s26+$0x10EE8] =	vst v62  }
0x172: {  	v34 =	vld.idx.msk [tilespmem:v3+s14+$0x0], $0xffff;
	[tilespmem:s26+$0x10F68] =	vst v63  }
0x173: {  	v35 =	vld.idx.msk [tilespmem:v11+s14+$0x0], $0xffff;
	[tilespmem:s26+$0x10FE8] =	vst v28  }
0x174: {  	v36 =	vld.idx.msk [tilespmem:v12+s14+$0x0], $0xffff;
	[tilespmem:s26+$0x11068] =	vst v29  }
0x175: {  	v37 =	vld.idx.msk [tilespmem:v13+s14+$0x0], $0xffff;
	[tilespmem:s26+$0x110E8] =	vst v30  }
0x176: {  	v38 =	vld.idx.msk [tilespmem:v14+s14+$0x0], $0xffff;
	[tilespmem:s26+$0x11168] =	vst v31  }
0x177: {  	v39 =	vld.idx.msk [tilespmem:v15+s14+$0x0], $0xffff;
	[tilespmem:s26+$0x111E8] =	vst v32  }
0x178: {  	v40 =	vld.idx.msk [tilespmem:v16+s14+$0x0], $0xffff;
	[tilespmem:s26+$0x11268] =	vst v33  }
0x179: {  	v41 =	vld.idx.msk [tilespmem:v17+s14+$0x0], $0xffff;
	[tilespmem:s26+$0x10EF8] =	vst v34  }
0x17a: {  	v42 =	vld.idx.msk [tilespmem:v2+s15+$0x0], $0xffff;
	[tilespmem:s26+$0x10F78] =	vst v35  }
0x17b: {  	v43 =	vld.idx.msk [tilespmem:v4+s15+$0x0], $0xffff;
	[tilespmem:s26+$0x10FF8] =	vst v36  }
0x17c: {  	v44 =	vld.idx.msk [tilespmem:v5+s15+$0x0], $0xffff;
	[tilespmem:s26+$0x11078] =	vst v37  }
0x17d: {  	v45 =	vld.idx.msk [tilespmem:v6+s15+$0x0], $0xffff;
	[tilespmem:s26+$0x110F8] =	vst v38  }
0x17e: {  	v46 =	vld.idx.msk [tilespmem:v7+s15+$0x0], $0xffff;
	[tilespmem:s26+$0x11178] =	vst v39  }
0x17f: {  	v47 =	vld.idx.msk [tilespmem:v8+s15+$0x0], $0xffff;
	[tilespmem:s26+$0x111F8] =	vst v40  }
0x180: {  	v48 =	vld.idx.msk [tilespmem:v9+s15+$0x0], $0xffff;
	[tilespmem:s26+$0x11278] =	vst v41  }
0x181: {  	v49 =	vld.idx.msk [tilespmem:v10+s15+$0x0], $0xffff;
	[tilespmem:s26+$0x112E8] =	vst v42  }
0x182: {  	v50 =	vld.idx.msk [tilespmem:v3+s15+$0x0], $0xffff;
	[tilespmem:s26+$0x11368] =	vst v43  }
0x183: {  	v51 =	vld.idx.msk [tilespmem:v11+s15+$0x0], $0xffff;
	[tilespmem:s26+$0x113E8] =	vst v44  }
0x184: {  	v52 =	vld.idx.msk [tilespmem:v12+s15+$0x0], $0xffff;
	[tilespmem:s26+$0x11468] =	vst v45  }
0x185: {  	v53 =	vld.idx.msk [tilespmem:v13+s15+$0x0], $0xffff;
	[tilespmem:s26+$0x114E8] =	vst v46  }
0x186: {  	v54 =	vld.idx.msk [tilespmem:v14+s15+$0x0], $0xffff;
	[tilespmem:s26+$0x11568] =	vst v47  }
0x187: {  	v55 =	vld.idx.msk [tilespmem:v15+s15+$0x0], $0xffff;
	[tilespmem:s26+$0x115E8] =	vst v48  }
0x188: {  	v56 =	vld.idx.msk [tilespmem:v16+s15+$0x0], $0xffff;
	[tilespmem:s26+$0x11668] =	vst v49  }
0x189: {  	v57 =	vld.idx.msk [tilespmem:v17+s15+$0x0], $0xffff;
	[tilespmem:s26+$0x112F8] =	vst v50  }
0x18a: {  	v2 =	vld.idx.msk [tilespmem:v2+s16+$0x0], $0xffff;
	[tilespmem:s26+$0x11378] =	vst v51  }
0x18b: {  	v4 =	vld.idx.msk [tilespmem:v4+s16+$0x0], $0xffff;
	[tilespmem:s26+$0x113F8] =	vst v52  }
0x18c: {  	v5 =	vld.idx.msk [tilespmem:v5+s16+$0x0], $0xffff;
	[tilespmem:s26+$0x11478] =	vst v53  }
0x18d: {  	v6 =	vld.idx.msk [tilespmem:v6+s16+$0x0], $0xffff;
	[tilespmem:s26+$0x114F8] =	vst v54  }
0x18e: {  	v7 =	vld.idx.msk [tilespmem:v7+s16+$0x0], $0xffff;
	[tilespmem:s26+$0x11578] =	vst v55  }
0x18f: {  	v8 =	vld.idx.msk [tilespmem:v8+s16+$0x0], $0xffff;
	[tilespmem:s26+$0x115F8] =	vst v56  }
0x190: {  	v9 =	vld.idx.msk [tilespmem:v9+s16+$0x0], $0xffff;
	[tilespmem:s26+$0x11678] =	vst v57  }
0x191: {  	v10 =	vld.idx.msk [tilespmem:v10+s16+$0x0], $0xffff;
	[tilespmem:s26+$0x116E8] =	vst v2  }
0x192: {  	v2 =	vld.idx.msk [tilespmem:v3+s16+$0x0], $0xffff;
	[tilespmem:s26+$0x11768] =	vst v4  }
0x193: {  	v3 =	vld.idx.msk [tilespmem:v11+s16+$0x0], $0xffff;
	[tilespmem:s26+$0x117E8] =	vst v5  }
0x194: {  	v58 =	vld.idx.msk [tilespmem:v12+s16+$0x0], $0xffff;
	[tilespmem:s26+$0x11868] =	vst v6  }
0x195: {  	v59 =	vld.idx.msk [tilespmem:v13+s16+$0x0], $0xffff;
	[tilespmem:s26+$0x118E8] =	vst v7  }
0x196: {  	v60 =	vld.idx.msk [tilespmem:v14+s16+$0x0], $0xffff;
	[tilespmem:s26+$0x11968] =	vst v8  }
0x197: {  	v61 =	vld.idx.msk [tilespmem:v15+s16+$0x0], $0xffff;
	[tilespmem:s26+$0x119E8] =	vst v9  }
0x198: {  	v62 =	vld.idx.msk [tilespmem:v16+s16+$0x0], $0xffff;
	[tilespmem:s26+$0x11A68] =	vst v10  }
0x199: {  	v63 =	vld.idx.msk [tilespmem:v17+s16+$0x0], $0xffff;
	[tilespmem:s26+$0x116F8] =	vst v2  }
0x19a: {  	[tilespmem:s26+$0x11778] =	vst v3  }
0x19b: {  	p2 =	por p1, p1;
	[tilespmem:s26+$0x117F8] =	vst v58  }
.Ltmp1:
0x19c: {  	[tilespmem:s26+$0x11878] =	vst v59;
	(pc) =	sbr.rel @p2 .LBB2_5-.Ltmp1, $4  }
0x19d: {  	[tilespmem:s26+$0x118F8] =	vst v60  }
0x19e: {  	[tilespmem:s26+$0x11978] =	vst v61  }
0x19f: {  	[tilespmem:s26+$0x119F8] =	vst v62  }
0x1a0: {  	p1 =	por $0x0, $0x0;
	[tilespmem:s26+$0x11A78] =	vst v63;
	s26 =	simm.s32 $0x40  }
0x1a1: {  	s26 =	sshll.u32 s24, $0x13;
	s25 =	sor.u32 $0x1, s25  }
0x1a2: {  	s26 =	sor.u32 s6, s26;
	s28 =	sshll.u32 s25, $0x7  }
0x1a3: {  	s26 =	sshrl.u32 s26, $0x3;
	s28 =	sand.u32 $0x3FFFFF80, s28  }
0x1a4: {  	s26 =	sadd.s32 s2, s26;
	s28 =	sadd.s32 $0x6400, s28  }
0x1a5: {  	[hbm4b:s26+s17] =	stream.strided.scatter [tilespmem:s19], [sflag:$0x1], $0x2000, s18, s17, $0x38;
	v1 =	vmov s28;
	[tilespmem:$0x13AC8] =	vst v63  }
0x1a6: {  	s26 =	simm.s32 @!p0 $0x2  }
0x1a7: {  	_ =	swait.ge @!p0 [sflag:s26], $0x2000  }
0x1a8: {  	[sflag:s26] =	ssyncset.done @!p0 $0x0  }
0x1a9: {  	[sflag:s26] =	ssyncadd.s32 @!p0 $0xFFFFE000;
	s26 =	simm.s32 $0x0;
	p0 =	por $0x1, $0x1  }
.LBB2_7:
0x1aa: {  	v9 =	vld.idx.msk [tilespmem:v1+s26+$0x0 ss:$0x1], $0xffff;
	_ =	sdelay $0x4  }
0x1ab: {  	v8 =	vadd.s32 $0x1, v9  }
0x1ac: {  	v7 =	vadd.s32 $0x2, v9  }
0x1ad: {  	v6 =	vadd.s32 $0x3, v9  }
0x1ae: {  	v5 =	vadd.s32 $0x4, v9  }
0x1af: {  	v2 =	vadd.s32 $0x5, v9;
	v10 =	vld.idx.msk [tilespmem:v9+s9+$0x0], $0xffff  }
0x1b0: {  	v3 =	vadd.s32 $0x6, v9;
	v11 =	vld.idx.msk [tilespmem:v8+s9+$0x0], $0xffff  }
0x1b1: {  	v4 =	vadd.s32 $0x7, v9;
	v12 =	vld.idx.msk [tilespmem:v7+s9+$0x0], $0xffff  }
0x1b2: {  	v13 =	vld.idx.msk [tilespmem:v6+s9+$0x0], $0xffff  }
0x1b3: {  	v14 =	vld.idx.msk [tilespmem:v5+s9+$0x0], $0xffff  }
0x1b4: {  	v15 =	vld.idx.msk [tilespmem:v2+s9+$0x0], $0xffff  }
0x1b5: {  	v16 =	vld.idx.msk [tilespmem:v3+s9+$0x0], $0xffff  }
0x1b6: {  	v17 =	vld.idx.msk [tilespmem:v4+s9+$0x0], $0xffff;
	[tilespmem:s26+$0x11AC8] =	vst v10  }
0x1b7: {  	[tilespmem:s26+$0x11B48] =	vst v11  }
0x1b8: {  	[tilespmem:s26+$0x11BC8] =	vst v12  }
0x1b9: {  	[tilespmem:s26+$0x11C48] =	vst v13  }
0x1ba: {  	[tilespmem:s26+$0x11CC8] =	vst v14  }
0x1bb: {  	[tilespmem:s26+$0x11D48] =	vst v15  }
0x1bc: {  	[tilespmem:s26+$0x11DC8] =	vst v16  }
0x1bd: {  	[tilespmem:s26+$0x11E48] =	vst v17  }
0x1be: {  	v61 =	vld.idx.msk [tilespmem:v9+s10+$0x0], $0xffff  }
0x1bf: {  	v62 =	vld.idx.msk [tilespmem:v8+s10+$0x0], $0xffff  }
0x1c0: {  	v63 =	vld.idx.msk [tilespmem:v7+s10+$0x0], $0xffff  }
0x1c1: {  	v28 =	vld.idx.msk [tilespmem:v6+s10+$0x0], $0xffff  }
0x1c2: {  	v29 =	vld.idx.msk [tilespmem:v5+s10+$0x0], $0xffff  }
0x1c3: {  	v30 =	vld.idx.msk [tilespmem:v2+s10+$0x0], $0xffff  }
0x1c4: {  	v31 =	vld.idx.msk [tilespmem:v3+s10+$0x0], $0xffff  }
0x1c5: {  	v32 =	vld.idx.msk [tilespmem:v4+s10+$0x0], $0xffff;
	[tilespmem:s26+$0x11EC8] =	vst v61  }
0x1c6: {  	[tilespmem:s26+$0x11F48] =	vst v62  }
0x1c7: {  	[tilespmem:s26+$0x11FC8] =	vst v63  }
0x1c8: {  	[tilespmem:s26+$0x12048] =	vst v28  }
0x1c9: {  	[tilespmem:s26+$0x120C8] =	vst v29  }
0x1ca: {  	[tilespmem:s26+$0x12148] =	vst v30  }
0x1cb: {  	[tilespmem:s26+$0x121C8] =	vst v31  }
0x1cc: {  	v17 =	vld.idx.msk [tilespmem:v1+s26+$0x10 ss:$0x1], $0xffff;
	[tilespmem:s26+$0x12248] =	vst v32  }
0x1cd: {  	v41 =	vld.idx.msk [tilespmem:v9+s11+$0x0], $0xffff  }
0x1ce: {  	v42 =	vld.idx.msk [tilespmem:v8+s11+$0x0], $0xffff  }
0x1cf: {  	v43 =	vld.idx.msk [tilespmem:v7+s11+$0x0], $0xffff  }
0x1d0: {  	v44 =	vld.idx.msk [tilespmem:v6+s11+$0x0], $0xffff  }
0x1d1: {  	v16 =	vadd.s32 $0x1, v17;
	v45 =	vld.idx.msk [tilespmem:v5+s11+$0x0], $0xffff  }
0x1d2: {  	v15 =	vadd.s32 $0x2, v17;
	v46 =	vld.idx.msk [tilespmem:v2+s11+$0x0], $0xffff  }
0x1d3: {  	v14 =	vadd.s32 $0x3, v17;
	v47 =	vld.idx.msk [tilespmem:v3+s11+$0x0], $0xffff  }
0x1d4: {  	v13 =	vadd.s32 $0x4, v17;
	v48 =	vld.idx.msk [tilespmem:v4+s11+$0x0], $0xffff;
	[tilespmem:s26+$0x122C8] =	vst v41  }
0x1d5: {  	v12 =	vadd.s32 $0x5, v17;
	v18 =	vld.idx.msk [tilespmem:v17+s9+$0x0], $0xffff;
	[tilespmem:s26+$0x12348] =	vst v42  }
0x1d6: {  	v11 =	vadd.s32 $0x6, v17;
	v19 =	vld.idx.msk [tilespmem:v16+s9+$0x0], $0xffff;
	[tilespmem:s26+$0x123C8] =	vst v43  }
0x1d7: {  	v10 =	vadd.s32 $0x7, v17;
	v20 =	vld.idx.msk [tilespmem:v15+s9+$0x0], $0xffff;
	[tilespmem:s26+$0x12448] =	vst v44  }
0x1d8: {  	v21 =	vld.idx.msk [tilespmem:v14+s9+$0x0], $0xffff;
	[tilespmem:s26+$0x124C8] =	vst v45  }
0x1d9: {  	v22 =	vld.idx.msk [tilespmem:v13+s9+$0x0], $0xffff;
	[tilespmem:s26+$0x12548] =	vst v46  }
0x1da: {  	v23 =	vld.idx.msk [tilespmem:v12+s9+$0x0], $0xffff;
	[tilespmem:s26+$0x125C8] =	vst v47  }
0x1db: {  	v24 =	vld.idx.msk [tilespmem:v11+s9+$0x0], $0xffff;
	[tilespmem:s26+$0x12648] =	vst v48  }
0x1dc: {  	v25 =	vld.idx.msk [tilespmem:v10+s9+$0x0], $0xffff;
	[tilespmem:s26+$0x11AD8] =	vst v18  }
0x1dd: {  	v57 =	vld.idx.msk [tilespmem:v9+s12+$0x0], $0xffff;
	[tilespmem:s26+$0x11B58] =	vst v19  }
0x1de: {  	v58 =	vld.idx.msk [tilespmem:v8+s12+$0x0], $0xffff;
	[tilespmem:s26+$0x11BD8] =	vst v20  }
0x1df: {  	v59 =	vld.idx.msk [tilespmem:v7+s12+$0x0], $0xffff;
	[tilespmem:s26+$0x11C58] =	vst v21  }
0x1e0: {  	v60 =	vld.idx.msk [tilespmem:v6+s12+$0x0], $0xffff;
	[tilespmem:s26+$0x11CD8] =	vst v22  }
0x1e1: {  	v61 =	vld.idx.msk [tilespmem:v5+s12+$0x0], $0xffff;
	[tilespmem:s26+$0x11D58] =	vst v23  }
0x1e2: {  	v62 =	vld.idx.msk [tilespmem:v2+s12+$0x0], $0xffff;
	[tilespmem:s26+$0x11DD8] =	vst v24  }
0x1e3: {  	v63 =	vld.idx.msk [tilespmem:v3+s12+$0x0], $0xffff;
	[tilespmem:s26+$0x11E58] =	vst v25  }
0x1e4: {  	v28 =	vld.idx.msk [tilespmem:v4+s12+$0x0], $0xffff;
	[tilespmem:s26+$0x126C8] =	vst v57  }
0x1e5: {  	v33 =	vld.idx.msk [tilespmem:v17+s10+$0x0], $0xffff;
	[tilespmem:s26+$0x12748] =	vst v58  }
0x1e6: {  	v34 =	vld.idx.msk [tilespmem:v16+s10+$0x0], $0xffff;
	[tilespmem:s26+$0x127C8] =	vst v59  }
0x1e7: {  	v35 =	vld.idx.msk [tilespmem:v15+s10+$0x0], $0xffff;
	[tilespmem:s26+$0x12848] =	vst v60  }
0x1e8: {  	v36 =	vld.idx.msk [tilespmem:v14+s10+$0x0], $0xffff;
	[tilespmem:s26+$0x128C8] =	vst v61  }
0x1e9: {  	v37 =	vld.idx.msk [tilespmem:v13+s10+$0x0], $0xffff;
	[tilespmem:s26+$0x12948] =	vst v62  }
0x1ea: {  	v38 =	vld.idx.msk [tilespmem:v12+s10+$0x0], $0xffff;
	[tilespmem:s26+$0x129C8] =	vst v63  }
0x1eb: {  	v39 =	vld.idx.msk [tilespmem:v11+s10+$0x0], $0xffff;
	[tilespmem:s26+$0x12A48] =	vst v28  }
0x1ec: {  	v40 =	vld.idx.msk [tilespmem:v10+s10+$0x0], $0xffff;
	[tilespmem:s26+$0x11ED8] =	vst v33  }
0x1ed: {  	v41 =	vld.idx.msk [tilespmem:v5+s13+$0x0], $0xffff;
	[tilespmem:s26+$0x11F58] =	vst v34  }
0x1ee: {  	v42 =	vld.idx.msk [tilespmem:v2+s13+$0x0], $0xffff;
	[tilespmem:s26+$0x11FD8] =	vst v35  }
0x1ef: {  	v43 =	vld.idx.msk [tilespmem:v3+s13+$0x0], $0xffff;
	[tilespmem:s26+$0x12058] =	vst v36  }
0x1f0: {  	v44 =	vld.idx.msk [tilespmem:v4+s13+$0x0], $0xffff;
	[tilespmem:s26+$0x120D8] =	vst v37  }
0x1f1: {  	[tilespmem:s26+$0x12158] =	vst v38;
	v37 =	vld.idx.msk [tilespmem:v9+s13+$0x0], $0xffff  }
0x1f2: {  	[tilespmem:s26+$0x121D8] =	vst v39;
	v38 =	vld.idx.msk [tilespmem:v8+s13+$0x0], $0xffff  }
0x1f3: {  	[tilespmem:s26+$0x12258] =	vst v40;
	v39 =	vld.idx.msk [tilespmem:v7+s13+$0x0], $0xffff  }
0x1f4: {  	v40 =	vld.idx.msk [tilespmem:v6+s13+$0x0], $0xffff;
	[tilespmem:s26+$0x12CC8] =	vst v41  }
0x1f5: {  	v49 =	vld.idx.msk [tilespmem:v17+s11+$0x0], $0xffff;
	[tilespmem:s26+$0x12D48] =	vst v42  }
0x1f6: {  	v50 =	vld.idx.msk [tilespmem:v16+s11+$0x0], $0xffff;
	[tilespmem:s26+$0x12DC8] =	vst v43  }
0x1f7: {  	v51 =	vld.idx.msk [tilespmem:v15+s11+$0x0], $0xffff;
	[tilespmem:s26+$0x12E48] =	vst v44  }
0x1f8: {  	v53 =	vld.idx.msk [tilespmem:v13+s11+$0x0], $0xffff;
	[tilespmem:s26+$0x12AC8] =	vst v37  }
0x1f9: {  	v54 =	vld.idx.msk [tilespmem:v12+s11+$0x0], $0xffff;
	[tilespmem:s26+$0x12B48] =	vst v38  }
0x1fa: {  	v55 =	vld.idx.msk [tilespmem:v11+s11+$0x0], $0xffff;
	[tilespmem:s26+$0x12BC8] =	vst v39  }
0x1fb: {  	v56 =	vld.idx.msk [tilespmem:v10+s11+$0x0], $0xffff;
	[tilespmem:s26+$0x12C48] =	vst v40  }
0x1fc: {  	v52 =	vld.idx.msk [tilespmem:v14+s11+$0x0], $0xffff;
	[tilespmem:s26+$0x122D8] =	vst v49  }
0x1fd: {  	[tilespmem:s26+$0x124D8] =	vst v53;
	v53 =	vld.idx.msk [tilespmem:v9+s14+$0x0], $0xffff  }
0x1fe: {  	[tilespmem:s26+$0x12558] =	vst v54;
	v54 =	vld.idx.msk [tilespmem:v8+s14+$0x0], $0xffff  }
0x1ff: {  	[tilespmem:s26+$0x125D8] =	vst v55;
	v55 =	vld.idx.msk [tilespmem:v7+s14+$0x0], $0xffff  }
0x200: {  	[tilespmem:s26+$0x12658] =	vst v56;
	v56 =	vld.idx.msk [tilespmem:v6+s14+$0x0], $0xffff  }
0x201: {  	[tilespmem:s26+$0x12358] =	vst v50;
	v57 =	vld.idx.msk [tilespmem:v5+s14+$0x0], $0xffff  }
0x202: {  	[tilespmem:s26+$0x123D8] =	vst v51;
	v58 =	vld.idx.msk [tilespmem:v2+s14+$0x0], $0xffff  }
0x203: {  	[tilespmem:s26+$0x12458] =	vst v52;
	v59 =	vld.idx.msk [tilespmem:v3+s14+$0x0], $0xffff  }
0x204: {  	v60 =	vld.idx.msk [tilespmem:v4+s14+$0x0], $0xffff;
	[tilespmem:s26+$0x12EC8] =	vst v53  }
0x205: {  	v29 =	vld.idx.msk [tilespmem:v17+s12+$0x0], $0xffff;
	[tilespmem:s26+$0x12F48] =	vst v54  }
0x206: {  	v30 =	vld.idx.msk [tilespmem:v16+s12+$0x0], $0xffff;
	[tilespmem:s26+$0x12FC8] =	vst v55  }
0x207: {  	v31 =	vld.idx.msk [tilespmem:v15+s12+$0x0], $0xffff;
	[tilespmem:s26+$0x13048] =	vst v56  }
0x208: {  	v33 =	vld.idx.msk [tilespmem:v13+s12+$0x0], $0xffff;
	[tilespmem:s26+$0x130C8] =	vst v57  }
0x209: {  	v34 =	vld.idx.msk [tilespmem:v12+s12+$0x0], $0xffff;
	[tilespmem:s26+$0x13148] =	vst v58  }
0x20a: {  	v35 =	vld.idx.msk [tilespmem:v11+s12+$0x0], $0xffff;
	[tilespmem:s26+$0x131C8] =	vst v59  }
0x20b: {  	v36 =	vld.idx.msk [tilespmem:v10+s12+$0x0], $0xffff;
	[tilespmem:s26+$0x13248] =	vst v60  }
0x20c: {  	v32 =	vld.idx.msk [tilespmem:v14+s12+$0x0], $0xffff;
	[tilespmem:s26+$0x126D8] =	vst v29  }
0x20d: {  	[tilespmem:s26+$0x128D8] =	vst v33;
	v33 =	vld.idx.msk [tilespmem:v9+s15+$0x0], $0xffff  }
0x20e: {  	[tilespmem:s26+$0x12958] =	vst v34;
	v34 =	vld.idx.msk [tilespmem:v8+s15+$0x0], $0xffff  }
0x20f: {  	[tilespmem:s26+$0x129D8] =	vst v35;
	v35 =	vld.idx.msk [tilespmem:v7+s15+$0x0], $0xffff  }
0x210: {  	[tilespmem:s26+$0x12A58] =	vst v36;
	v36 =	vld.idx.msk [tilespmem:v6+s15+$0x0], $0xffff  }
0x211: {  	[tilespmem:s26+$0x12758] =	vst v30;
	v37 =	vld.idx.msk [tilespmem:v5+s15+$0x0], $0xffff  }
0x212: {  	[tilespmem:s26+$0x127D8] =	vst v31;
	v38 =	vld.idx.msk [tilespmem:v2+s15+$0x0], $0xffff  }
0x213: {  	[tilespmem:s26+$0x12858] =	vst v32;
	v39 =	vld.idx.msk [tilespmem:v3+s15+$0x0], $0xffff  }
0x214: {  	v40 =	vld.idx.msk [tilespmem:v4+s15+$0x0], $0xffff;
	[tilespmem:s26+$0x132C8] =	vst v33  }
0x215: {  	v45 =	vld.idx.msk [tilespmem:v17+s13+$0x0], $0xffff;
	[tilespmem:s26+$0x13348] =	vst v34  }
0x216: {  	v46 =	vld.idx.msk [tilespmem:v16+s13+$0x0], $0xffff;
	[tilespmem:s26+$0x133C8] =	vst v35  }
0x217: {  	v47 =	vld.idx.msk [tilespmem:v15+s13+$0x0], $0xffff;
	[tilespmem:s26+$0x13448] =	vst v36  }
0x218: {  	v48 =	vld.idx.msk [tilespmem:v14+s13+$0x0], $0xffff;
	[tilespmem:s26+$0x134C8] =	vst v37  }
0x219: {  	v49 =	vld.idx.msk [tilespmem:v13+s13+$0x0], $0xffff;
	[tilespmem:s26+$0x13548] =	vst v38  }
0x21a: {  	v50 =	vld.idx.msk [tilespmem:v12+s13+$0x0], $0xffff;
	[tilespmem:s26+$0x135C8] =	vst v39  }
0x21b: {  	v51 =	vld.idx.msk [tilespmem:v11+s13+$0x0], $0xffff;
	[tilespmem:s26+$0x13648] =	vst v40  }
0x21c: {  	v52 =	vld.idx.msk [tilespmem:v10+s13+$0x0], $0xffff;
	[tilespmem:s26+$0x12AD8] =	vst v45  }
0x21d: {  	[tilespmem:s26+$0x12B58] =	vst v46  }
0x21e: {  	[tilespmem:s26+$0x12BD8] =	vst v47  }
0x21f: {  	[tilespmem:s26+$0x12C58] =	vst v48  }
0x220: {  	[tilespmem:s26+$0x12CD8] =	vst v49  }
0x221: {  	[tilespmem:s26+$0x12D58] =	vst v50  }
0x222: {  	[tilespmem:s26+$0x12DD8] =	vst v51  }
0x223: {  	[tilespmem:s26+$0x12E58] =	vst v52;
	v9 =	vld.idx.msk [tilespmem:v9+s16+$0x0], $0xffff  }
0x224: {  	v61 =	vld.idx.msk [tilespmem:v17+s14+$0x0], $0xffff  }
0x225: {  	v62 =	vld.idx.msk [tilespmem:v16+s14+$0x0], $0xffff  }
0x226: {  	v63 =	vld.idx.msk [tilespmem:v15+s14+$0x0], $0xffff  }
0x227: {  	v28 =	vld.idx.msk [tilespmem:v14+s14+$0x0], $0xffff  }
0x228: {  	v29 =	vld.idx.msk [tilespmem:v13+s14+$0x0], $0xffff  }
0x229: {  	v30 =	vld.idx.msk [tilespmem:v12+s14+$0x0], $0xffff  }
0x22a: {  	v31 =	vld.idx.msk [tilespmem:v11+s14+$0x0], $0xffff  }
0x22b: {  	v32 =	vld.idx.msk [tilespmem:v10+s14+$0x0], $0xffff;
	[tilespmem:s26+$0x12ED8] =	vst v61  }
0x22c: {  	v8 =	vld.idx.msk [tilespmem:v8+s16+$0x0], $0xffff;
	[tilespmem:s26+$0x12F58] =	vst v62  }
0x22d: {  	v7 =	vld.idx.msk [tilespmem:v7+s16+$0x0], $0xffff;
	[tilespmem:s26+$0x12FD8] =	vst v63  }
0x22e: {  	v6 =	vld.idx.msk [tilespmem:v6+s16+$0x0], $0xffff;
	[tilespmem:s26+$0x13058] =	vst v28  }
0x22f: {  	v5 =	vld.idx.msk [tilespmem:v5+s16+$0x0], $0xffff;
	[tilespmem:s26+$0x130D8] =	vst v29  }
0x230: {  	v49 =	vld.idx.msk [tilespmem:v2+s16+$0x0], $0xffff;
	[tilespmem:s26+$0x13158] =	vst v30  }
0x231: {  	v3 =	vld.idx.msk [tilespmem:v3+s16+$0x0], $0xffff;
	[tilespmem:s26+$0x131D8] =	vst v31  }
0x232: {  	v50 =	vld.idx.msk [tilespmem:v4+s16+$0x0], $0xffff;
	[tilespmem:s26+$0x13258] =	vst v32  }
0x233: {  	v41 =	vld.idx.msk [tilespmem:v17+s15+$0x0], $0xffff  }
0x234: {  	v42 =	vld.idx.msk [tilespmem:v16+s15+$0x0], $0xffff  }
0x235: {  	v43 =	vld.idx.msk [tilespmem:v15+s15+$0x0], $0xffff  }
0x236: {  	v44 =	vld.idx.msk [tilespmem:v14+s15+$0x0], $0xffff  }
0x237: {  	v45 =	vld.idx.msk [tilespmem:v13+s15+$0x0], $0xffff  }
0x238: {  	v46 =	vld.idx.msk [tilespmem:v12+s15+$0x0], $0xffff  }
0x239: {  	[tilespmem:s26+$0x139C8] =	vst v3;
	v47 =	vld.idx.msk [tilespmem:v11+s15+$0x0], $0xffff  }
0x23a: {  	v48 =	vld.idx.msk [tilespmem:v10+s15+$0x0], $0xffff;
	[tilespmem:s26+$0x132D8] =	vst v41  }
0x23b: {  	[tilespmem:s26+$0x13358] =	vst v42  }
0x23c: {  	[tilespmem:s26+$0x133D8] =	vst v43  }
0x23d: {  	[tilespmem:s26+$0x13458] =	vst v44  }
0x23e: {  	[tilespmem:s26+$0x134D8] =	vst v45  }
0x23f: {  	[tilespmem:s26+$0x13558] =	vst v46  }
0x240: {  	v2 =	vld.idx.msk [tilespmem:v1+s26+$0x20 ss:$0x1], $0xffff;
	[tilespmem:s26+$0x135D8] =	vst v47  }
0x241: {  	v3 =	vld.idx.msk [tilespmem:v1+s26+$0x30 ss:$0x1], $0xffff;
	[tilespmem:s26+$0x13658] =	vst v48  }
0x242: {  	[tilespmem:s26+$0x136C8] =	vst v9;
	v17 =	vld.idx.msk [tilespmem:v17+s16+$0x0], $0xffff  }
0x243: {  	[tilespmem:s26+$0x13748] =	vst v8;
	v51 =	vld.idx.msk [tilespmem:v16+s16+$0x0], $0xffff  }
0x244: {  	[tilespmem:s26+$0x137C8] =	vst v7;
	v15 =	vld.idx.msk [tilespmem:v15+s16+$0x0], $0xffff  }
0x245: {  	[tilespmem:s26+$0x13848] =	vst v6;
	v14 =	vld.idx.msk [tilespmem:v14+s16+$0x0], $0xffff  }
0x246: {  	[tilespmem:s26+$0x138C8] =	vst v5;
	v4 =	vadd.s32 $0x1, v2;
	v13 =	vld.idx.msk [tilespmem:v13+s16+$0x0], $0xffff  }
0x247: {  	[tilespmem:s26+$0x13948] =	vst v49;
	v5 =	vadd.s32 $0x2, v2;
	v12 =	vld.idx.msk [tilespmem:v12+s16+$0x0], $0xffff  }
0x248: {  	v6 =	vadd.s32 $0x3, v2;
	[tilespmem:s26+$0x13A48] =	vst v50;
	v52 =	vld.idx.msk [tilespmem:v11+s16+$0x0], $0xffff  }
0x249: {  	v7 =	vadd.s32 $0x4, v2;
	v53 =	vld.idx.msk [tilespmem:v10+s16+$0x0], $0xffff;
	[tilespmem:s26+$0x136D8] =	vst v17  }
0x24a: {  	v8 =	vadd.s32 $0x5, v2;
	v54 =	vld.idx.msk [tilespmem:v2+s9+$0x0], $0xffff;
	[tilespmem:s26+$0x13758] =	vst v51  }
0x24b: {  	v9 =	vadd.s32 $0x6, v2;
	v55 =	vld.idx.msk [tilespmem:v4+s9+$0x0], $0xffff;
	[tilespmem:s26+$0x137D8] =	vst v15  }
0x24c: {  	v56 =	vld.idx.msk [tilespmem:v5+s9+$0x0], $0xffff;
	v10 =	vadd.s32 $0x7, v2;
	[tilespmem:s26+$0x13858] =	vst v14  }
0x24d: {  	v57 =	vld.idx.msk [tilespmem:v6+s9+$0x0], $0xffff;
	[tilespmem:s26+$0x138D8] =	vst v13  }
0x24e: {  	v58 =	vld.idx.msk [tilespmem:v7+s9+$0x0], $0xffff;
	v11 =	vadd.s32 $0x1, v3;
	[tilespmem:s26+$0x13958] =	vst v12  }
0x24f: {  	v59 =	vld.idx.msk [tilespmem:v8+s9+$0x0], $0xffff;
	v16 =	vadd.s32 $0x6, v3;
	[tilespmem:s26+$0x139D8] =	vst v52  }
0x250: {  	v60 =	vld.idx.msk [tilespmem:v9+s9+$0x0], $0xffff;
	v12 =	vadd.s32 $0x2, v3;
	[tilespmem:s26+$0x13A58] =	vst v53  }
0x251: {  	v13 =	vadd.s32 $0x3, v3;
	v61 =	vld.idx.msk [tilespmem:v10+s9+$0x0], $0xffff;
	[tilespmem:s26+$0x11AE8] =	vst v54  }
0x252: {  	v62 =	vld.idx.msk [tilespmem:v3+s9+$0x0], $0xffff;
	v14 =	vadd.s32 $0x4, v3;
	[tilespmem:s26+$0x11B68] =	vst v55  }
0x253: {  	v15 =	vadd.s32 $0x5, v3;
	v63 =	vld.idx.msk [tilespmem:v11+s9+$0x0], $0xffff;
	[tilespmem:s26+$0x11BE8] =	vst v56  }
0x254: {  	v17 =	vadd.s32 $0x7, v3;
	[tilespmem:s26+$0x11C68] =	vst v57;
	v32 =	vld.idx.msk [tilespmem:v16+s9+$0x0], $0xffff  }
0x255: {  	[tilespmem:s26+$0x11CE8] =	vst v58;
	v28 =	vld.idx.msk [tilespmem:v12+s9+$0x0], $0xffff  }
0x256: {  	[tilespmem:s26+$0x11D68] =	vst v59;
	v29 =	vld.idx.msk [tilespmem:v13+s9+$0x0], $0xffff  }
0x257: {  	[tilespmem:s26+$0x11DE8] =	vst v60;
	v30 =	vld.idx.msk [tilespmem:v14+s9+$0x0], $0xffff  }
0x258: {  	v31 =	vld.idx.msk [tilespmem:v15+s9+$0x0], $0xffff;
	[tilespmem:s26+$0x11E68] =	vst v61  }
0x259: {  	v33 =	vld.idx.msk [tilespmem:v17+s9+$0x0], $0xffff;
	[tilespmem:s26+$0x11AF8] =	vst v62  }
0x25a: {  	[tilespmem:s26+$0x11B78] =	vst v63;
	v34 =	vld.idx.msk [tilespmem:v2+s10+$0x0], $0xffff  }
0x25b: {  	[tilespmem:s26+$0x11DF8] =	vst v32;
	v35 =	vld.idx.msk [tilespmem:v4+s10+$0x0], $0xffff  }
0x25c: {  	v36 =	vld.idx.msk [tilespmem:v5+s10+$0x0], $0xffff;
	[tilespmem:s26+$0x11BF8] =	vst v28  }
0x25d: {  	v37 =	vld.idx.msk [tilespmem:v6+s10+$0x0], $0xffff;
	[tilespmem:s26+$0x11C78] =	vst v29  }
0x25e: {  	v38 =	vld.idx.msk [tilespmem:v7+s10+$0x0], $0xffff;
	[tilespmem:s26+$0x11CF8] =	vst v30  }
0x25f: {  	v39 =	vld.idx.msk [tilespmem:v8+s10+$0x0], $0xffff;
	[tilespmem:s26+$0x11D78] =	vst v31  }
0x260: {  	v40 =	vld.idx.msk [tilespmem:v9+s10+$0x0], $0xffff;
	[tilespmem:s26+$0x11E78] =	vst v33  }
0x261: {  	v41 =	vld.idx.msk [tilespmem:v10+s10+$0x0], $0xffff;
	[tilespmem:s26+$0x11EE8] =	vst v34  }
0x262: {  	v42 =	vld.idx.msk [tilespmem:v3+s10+$0x0], $0xffff;
	[tilespmem:s26+$0x11F68] =	vst v35  }
0x263: {  	v43 =	vld.idx.msk [tilespmem:v11+s10+$0x0], $0xffff;
	[tilespmem:s26+$0x11FE8] =	vst v36  }
0x264: {  	v44 =	vld.idx.msk [tilespmem:v12+s10+$0x0], $0xffff;
	[tilespmem:s26+$0x12068] =	vst v37  }
0x265: {  	v45 =	vld.idx.msk [tilespmem:v13+s10+$0x0], $0xffff;
	[tilespmem:s26+$0x120E8] =	vst v38  }
0x266: {  	v46 =	vld.idx.msk [tilespmem:v14+s10+$0x0], $0xffff;
	[tilespmem:s26+$0x12168] =	vst v39  }
0x267: {  	v47 =	vld.idx.msk [tilespmem:v15+s10+$0x0], $0xffff;
	[tilespmem:s26+$0x121E8] =	vst v40  }
0x268: {  	v48 =	vld.idx.msk [tilespmem:v16+s10+$0x0], $0xffff;
	[tilespmem:s26+$0x12268] =	vst v41  }
0x269: {  	v49 =	vld.idx.msk [tilespmem:v17+s10+$0x0], $0xffff;
	[tilespmem:s26+$0x11EF8] =	vst v42  }
0x26a: {  	v50 =	vld.idx.msk [tilespmem:v2+s11+$0x0], $0xffff;
	[tilespmem:s26+$0x11F78] =	vst v43  }
0x26b: {  	v51 =	vld.idx.msk [tilespmem:v4+s11+$0x0], $0xffff;
	[tilespmem:s26+$0x11FF8] =	vst v44  }
0x26c: {  	v52 =	vld.idx.msk [tilespmem:v5+s11+$0x0], $0xffff;
	[tilespmem:s26+$0x12078] =	vst v45  }
0x26d: {  	v53 =	vld.idx.msk [tilespmem:v6+s11+$0x0], $0xffff;
	[tilespmem:s26+$0x120F8] =	vst v46  }
0x26e: {  	v54 =	vld.idx.msk [tilespmem:v7+s11+$0x0], $0xffff;
	[tilespmem:s26+$0x12178] =	vst v47  }
0x26f: {  	v55 =	vld.idx.msk [tilespmem:v8+s11+$0x0], $0xffff;
	[tilespmem:s26+$0x121F8] =	vst v48  }
0x270: {  	v56 =	vld.idx.msk [tilespmem:v9+s11+$0x0], $0xffff;
	[tilespmem:s26+$0x12278] =	vst v49  }
0x271: {  	v57 =	vld.idx.msk [tilespmem:v10+s11+$0x0], $0xffff;
	[tilespmem:s26+$0x122E8] =	vst v50  }
0x272: {  	v58 =	vld.idx.msk [tilespmem:v3+s11+$0x0], $0xffff;
	[tilespmem:s26+$0x12368] =	vst v51  }
0x273: {  	v59 =	vld.idx.msk [tilespmem:v11+s11+$0x0], $0xffff;
	[tilespmem:s26+$0x123E8] =	vst v52  }
0x274: {  	v60 =	vld.idx.msk [tilespmem:v12+s11+$0x0], $0xffff;
	[tilespmem:s26+$0x12468] =	vst v53  }
0x275: {  	v61 =	vld.idx.msk [tilespmem:v13+s11+$0x0], $0xffff;
	[tilespmem:s26+$0x124E8] =	vst v54  }
0x276: {  	v62 =	vld.idx.msk [tilespmem:v14+s11+$0x0], $0xffff;
	[tilespmem:s26+$0x12568] =	vst v55  }
0x277: {  	v63 =	vld.idx.msk [tilespmem:v15+s11+$0x0], $0xffff;
	[tilespmem:s26+$0x125E8] =	vst v56  }
0x278: {  	v28 =	vld.idx.msk [tilespmem:v16+s11+$0x0], $0xffff;
	[tilespmem:s26+$0x12668] =	vst v57  }
0x279: {  	v29 =	vld.idx.msk [tilespmem:v17+s11+$0x0], $0xffff;
	[tilespmem:s26+$0x122F8] =	vst v58  }
0x27a: {  	v30 =	vld.idx.msk [tilespmem:v2+s12+$0x0], $0xffff;
	[tilespmem:s26+$0x12378] =	vst v59  }
0x27b: {  	v31 =	vld.idx.msk [tilespmem:v4+s12+$0x0], $0xffff;
	[tilespmem:s26+$0x123F8] =	vst v60  }
0x27c: {  	v32 =	vld.idx.msk [tilespmem:v5+s12+$0x0], $0xffff;
	[tilespmem:s26+$0x12478] =	vst v61  }
0x27d: {  	v33 =	vld.idx.msk [tilespmem:v6+s12+$0x0], $0xffff;
	[tilespmem:s26+$0x124F8] =	vst v62  }
0x27e: {  	v34 =	vld.idx.msk [tilespmem:v7+s12+$0x0], $0xffff;
	[tilespmem:s26+$0x12578] =	vst v63  }
0x27f: {  	v35 =	vld.idx.msk [tilespmem:v8+s12+$0x0], $0xffff;
	[tilespmem:s26+$0x125F8] =	vst v28  }
0x280: {  	v36 =	vld.idx.msk [tilespmem:v9+s12+$0x0], $0xffff;
	[tilespmem:s26+$0x12678] =	vst v29  }
0x281: {  	v37 =	vld.idx.msk [tilespmem:v10+s12+$0x0], $0xffff;
	[tilespmem:s26+$0x126E8] =	vst v30  }
0x282: {  	v38 =	vld.idx.msk [tilespmem:v3+s12+$0x0], $0xffff;
	[tilespmem:s26+$0x12768] =	vst v31  }
0x283: {  	v39 =	vld.idx.msk [tilespmem:v11+s12+$0x0], $0xffff;
	[tilespmem:s26+$0x127E8] =	vst v32  }
0x284: {  	v40 =	vld.idx.msk [tilespmem:v12+s12+$0x0], $0xffff;
	[tilespmem:s26+$0x12868] =	vst v33  }
0x285: {  	v41 =	vld.idx.msk [tilespmem:v13+s12+$0x0], $0xffff;
	[tilespmem:s26+$0x128E8] =	vst v34  }
0x286: {  	v42 =	vld.idx.msk [tilespmem:v14+s12+$0x0], $0xffff;
	[tilespmem:s26+$0x12968] =	vst v35  }
0x287: {  	v43 =	vld.idx.msk [tilespmem:v15+s12+$0x0], $0xffff;
	[tilespmem:s26+$0x129E8] =	vst v36  }
0x288: {  	v44 =	vld.idx.msk [tilespmem:v16+s12+$0x0], $0xffff;
	[tilespmem:s26+$0x12A68] =	vst v37  }
0x289: {  	v45 =	vld.idx.msk [tilespmem:v17+s12+$0x0], $0xffff;
	[tilespmem:s26+$0x126F8] =	vst v38  }
0x28a: {  	v46 =	vld.idx.msk [tilespmem:v2+s13+$0x0], $0xffff;
	[tilespmem:s26+$0x12778] =	vst v39  }
0x28b: {  	v47 =	vld.idx.msk [tilespmem:v4+s13+$0x0], $0xffff;
	[tilespmem:s26+$0x127F8] =	vst v40  }
0x28c: {  	v48 =	vld.idx.msk [tilespmem:v5+s13+$0x0], $0xffff;
	[tilespmem:s26+$0x12878] =	vst v41  }
0x28d: {  	v49 =	vld.idx.msk [tilespmem:v6+s13+$0x0], $0xffff;
	[tilespmem:s26+$0x128F8] =	vst v42  }
0x28e: {  	v50 =	vld.idx.msk [tilespmem:v7+s13+$0x0], $0xffff;
	[tilespmem:s26+$0x12978] =	vst v43  }
0x28f: {  	v51 =	vld.idx.msk [tilespmem:v8+s13+$0x0], $0xffff;
	[tilespmem:s26+$0x129F8] =	vst v44  }
0x290: {  	v52 =	vld.idx.msk [tilespmem:v9+s13+$0x0], $0xffff;
	[tilespmem:s26+$0x12A78] =	vst v45  }
0x291: {  	v53 =	vld.idx.msk [tilespmem:v10+s13+$0x0], $0xffff;
	[tilespmem:s26+$0x12AE8] =	vst v46  }
0x292: {  	v54 =	vld.idx.msk [tilespmem:v3+s13+$0x0], $0xffff;
	[tilespmem:s26+$0x12B68] =	vst v47  }
0x293: {  	v55 =	vld.idx.msk [tilespmem:v11+s13+$0x0], $0xffff;
	[tilespmem:s26+$0x12BE8] =	vst v48  }
0x294: {  	v56 =	vld.idx.msk [tilespmem:v12+s13+$0x0], $0xffff;
	[tilespmem:s26+$0x12C68] =	vst v49  }
0x295: {  	v57 =	vld.idx.msk [tilespmem:v13+s13+$0x0], $0xffff;
	[tilespmem:s26+$0x12CE8] =	vst v50  }
0x296: {  	v58 =	vld.idx.msk [tilespmem:v14+s13+$0x0], $0xffff;
	[tilespmem:s26+$0x12D68] =	vst v51  }
0x297: {  	v59 =	vld.idx.msk [tilespmem:v15+s13+$0x0], $0xffff;
	[tilespmem:s26+$0x12DE8] =	vst v52  }
0x298: {  	v60 =	vld.idx.msk [tilespmem:v16+s13+$0x0], $0xffff;
	[tilespmem:s26+$0x12E68] =	vst v53  }
0x299: {  	v61 =	vld.idx.msk [tilespmem:v17+s13+$0x0], $0xffff;
	[tilespmem:s26+$0x12AF8] =	vst v54  }
0x29a: {  	v62 =	vld.idx.msk [tilespmem:v2+s14+$0x0], $0xffff;
	[tilespmem:s26+$0x12B78] =	vst v55  }
0x29b: {  	v63 =	vld.idx.msk [tilespmem:v4+s14+$0x0], $0xffff;
	[tilespmem:s26+$0x12BF8] =	vst v56  }
0x29c: {  	v28 =	vld.idx.msk [tilespmem:v5+s14+$0x0], $0xffff;
	[tilespmem:s26+$0x12C78] =	vst v57  }
0x29d: {  	v29 =	vld.idx.msk [tilespmem:v6+s14+$0x0], $0xffff;
	[tilespmem:s26+$0x12CF8] =	vst v58  }
0x29e: {  	v30 =	vld.idx.msk [tilespmem:v7+s14+$0x0], $0xffff;
	[tilespmem:s26+$0x12D78] =	vst v59  }
0x29f: {  	v31 =	vld.idx.msk [tilespmem:v8+s14+$0x0], $0xffff;
	[tilespmem:s26+$0x12DF8] =	vst v60  }
0x2a0: {  	v32 =	vld.idx.msk [tilespmem:v9+s14+$0x0], $0xffff;
	[tilespmem:s26+$0x12E78] =	vst v61  }
0x2a1: {  	v33 =	vld.idx.msk [tilespmem:v10+s14+$0x0], $0xffff;
	[tilespmem:s26+$0x12EE8] =	vst v62  }
0x2a2: {  	v34 =	vld.idx.msk [tilespmem:v3+s14+$0x0], $0xffff;
	[tilespmem:s26+$0x12F68] =	vst v63  }
0x2a3: {  	v35 =	vld.idx.msk [tilespmem:v11+s14+$0x0], $0xffff;
	[tilespmem:s26+$0x12FE8] =	vst v28  }
0x2a4: {  	v36 =	vld.idx.msk [tilespmem:v12+s14+$0x0], $0xffff;
	[tilespmem:s26+$0x13068] =	vst v29  }
0x2a5: {  	v37 =	vld.idx.msk [tilespmem:v13+s14+$0x0], $0xffff;
	[tilespmem:s26+$0x130E8] =	vst v30  }
0x2a6: {  	v38 =	vld.idx.msk [tilespmem:v14+s14+$0x0], $0xffff;
	[tilespmem:s26+$0x13168] =	vst v31  }
0x2a7: {  	v39 =	vld.idx.msk [tilespmem:v15+s14+$0x0], $0xffff;
	[tilespmem:s26+$0x131E8] =	vst v32  }
0x2a8: {  	v40 =	vld.idx.msk [tilespmem:v16+s14+$0x0], $0xffff;
	[tilespmem:s26+$0x13268] =	vst v33  }
0x2a9: {  	v41 =	vld.idx.msk [tilespmem:v17+s14+$0x0], $0xffff;
	[tilespmem:s26+$0x12EF8] =	vst v34  }
0x2aa: {  	v42 =	vld.idx.msk [tilespmem:v2+s15+$0x0], $0xffff;
	[tilespmem:s26+$0x12F78] =	vst v35  }
0x2ab: {  	v43 =	vld.idx.msk [tilespmem:v4+s15+$0x0], $0xffff;
	[tilespmem:s26+$0x12FF8] =	vst v36  }
0x2ac: {  	v44 =	vld.idx.msk [tilespmem:v5+s15+$0x0], $0xffff;
	[tilespmem:s26+$0x13078] =	vst v37  }
0x2ad: {  	v45 =	vld.idx.msk [tilespmem:v6+s15+$0x0], $0xffff;
	[tilespmem:s26+$0x130F8] =	vst v38  }
0x2ae: {  	v46 =	vld.idx.msk [tilespmem:v7+s15+$0x0], $0xffff;
	[tilespmem:s26+$0x13178] =	vst v39  }
0x2af: {  	v47 =	vld.idx.msk [tilespmem:v8+s15+$0x0], $0xffff;
	[tilespmem:s26+$0x131F8] =	vst v40  }
0x2b0: {  	v48 =	vld.idx.msk [tilespmem:v9+s15+$0x0], $0xffff;
	[tilespmem:s26+$0x13278] =	vst v41  }
0x2b1: {  	v49 =	vld.idx.msk [tilespmem:v10+s15+$0x0], $0xffff;
	[tilespmem:s26+$0x132E8] =	vst v42  }
0x2b2: {  	v50 =	vld.idx.msk [tilespmem:v3+s15+$0x0], $0xffff;
	[tilespmem:s26+$0x13368] =	vst v43  }
0x2b3: {  	v51 =	vld.idx.msk [tilespmem:v11+s15+$0x0], $0xffff;
	[tilespmem:s26+$0x133E8] =	vst v44  }
0x2b4: {  	v52 =	vld.idx.msk [tilespmem:v12+s15+$0x0], $0xffff;
	[tilespmem:s26+$0x13468] =	vst v45  }
0x2b5: {  	v53 =	vld.idx.msk [tilespmem:v13+s15+$0x0], $0xffff;
	[tilespmem:s26+$0x134E8] =	vst v46  }
0x2b6: {  	v54 =	vld.idx.msk [tilespmem:v14+s15+$0x0], $0xffff;
	[tilespmem:s26+$0x13568] =	vst v47  }
0x2b7: {  	v55 =	vld.idx.msk [tilespmem:v15+s15+$0x0], $0xffff;
	[tilespmem:s26+$0x135E8] =	vst v48  }
0x2b8: {  	v56 =	vld.idx.msk [tilespmem:v16+s15+$0x0], $0xffff;
	[tilespmem:s26+$0x13668] =	vst v49  }
0x2b9: {  	v57 =	vld.idx.msk [tilespmem:v17+s15+$0x0], $0xffff;
	[tilespmem:s26+$0x132F8] =	vst v50  }
0x2ba: {  	v2 =	vld.idx.msk [tilespmem:v2+s16+$0x0], $0xffff;
	[tilespmem:s26+$0x13378] =	vst v51  }
0x2bb: {  	v4 =	vld.idx.msk [tilespmem:v4+s16+$0x0], $0xffff;
	[tilespmem:s26+$0x133F8] =	vst v52  }
0x2bc: {  	v5 =	vld.idx.msk [tilespmem:v5+s16+$0x0], $0xffff;
	[tilespmem:s26+$0x13478] =	vst v53  }
0x2bd: {  	v6 =	vld.idx.msk [tilespmem:v6+s16+$0x0], $0xffff;
	[tilespmem:s26+$0x134F8] =	vst v54  }
0x2be: {  	v7 =	vld.idx.msk [tilespmem:v7+s16+$0x0], $0xffff;
	[tilespmem:s26+$0x13578] =	vst v55  }
0x2bf: {  	v8 =	vld.idx.msk [tilespmem:v8+s16+$0x0], $0xffff;
	[tilespmem:s26+$0x135F8] =	vst v56  }
0x2c0: {  	v9 =	vld.idx.msk [tilespmem:v9+s16+$0x0], $0xffff;
	[tilespmem:s26+$0x13678] =	vst v57  }
0x2c1: {  	v10 =	vld.idx.msk [tilespmem:v10+s16+$0x0], $0xffff;
	[tilespmem:s26+$0x136E8] =	vst v2  }
0x2c2: {  	v2 =	vld.idx.msk [tilespmem:v3+s16+$0x0], $0xffff;
	[tilespmem:s26+$0x13768] =	vst v4  }
0x2c3: {  	v3 =	vld.idx.msk [tilespmem:v11+s16+$0x0], $0xffff;
	[tilespmem:s26+$0x137E8] =	vst v5  }
0x2c4: {  	v58 =	vld.idx.msk [tilespmem:v12+s16+$0x0], $0xffff;
	[tilespmem:s26+$0x13868] =	vst v6  }
0x2c5: {  	v59 =	vld.idx.msk [tilespmem:v13+s16+$0x0], $0xffff;
	[tilespmem:s26+$0x138E8] =	vst v7  }
0x2c6: {  	v60 =	vld.idx.msk [tilespmem:v14+s16+$0x0], $0xffff;
	[tilespmem:s26+$0x13968] =	vst v8  }
0x2c7: {  	v61 =	vld.idx.msk [tilespmem:v15+s16+$0x0], $0xffff;
	[tilespmem:s26+$0x139E8] =	vst v9  }
0x2c8: {  	v62 =	vld.idx.msk [tilespmem:v16+s16+$0x0], $0xffff;
	[tilespmem:s26+$0x13A68] =	vst v10  }
0x2c9: {  	v63 =	vld.idx.msk [tilespmem:v17+s16+$0x0], $0xffff;
	[tilespmem:s26+$0x136F8] =	vst v2  }
0x2ca: {  	[tilespmem:s26+$0x13778] =	vst v3  }
0x2cb: {  	p1 =	por p0, p0;
	[tilespmem:s26+$0x137F8] =	vst v58  }
.Ltmp2:
0x2cc: {  	[tilespmem:s26+$0x13878] =	vst v59;
	(pc) =	sbr.rel @p1 .LBB2_7-.Ltmp2, $4  }
0x2cd: {  	[tilespmem:s26+$0x138F8] =	vst v60  }
0x2ce: {  	[tilespmem:s26+$0x13978] =	vst v61  }
0x2cf: {  	[tilespmem:s26+$0x139F8] =	vst v62  }
0x2d0: {  	p0 =	por $0x0, $0x0;
	[tilespmem:s26+$0x13A78] =	vst v63;
	s26 =	simm.s32 $0x40  }
0x2d1: {  	s24 =	sadd.s32 $0x1, s24  }
0x2d2: {  	p0 =	sne.s32 s24, $0x64  }
.Ltmp3:
0x2d3: {  	s25 =	sshll.u32 s25, $0x12;
	(pc) =	sbr.rel @p0 .LBB2_4-.Ltmp3, $4  }
0x2d4: {  	s25 =	sor.u32 s6, s25  }
0x2d5: {  	s25 =	sshrl.u32 s25, $0x3  }
0x2d6: {  	s25 =	sadd.s32 s2, s25  }
0x2d7: {  	[hbm4b:s25+s17] =	stream.strided.scatter [tilespmem:s20], [sflag:$0x2], $0x2000, s18, s17, $0x38;
	[tilespmem:$0x13AC8] =	vst v63  }
0x2d8: {  	s23 =	sadd.s32 $0x1, s23  }
0x2d9: {  	_ =	swait.ge [sflag:s21], $0x2000;
	p0 =	sne.s32 s23, s7  }
.Ltmp4:
0x2da: {  	[sflag:s21] =	ssyncset.done $0x0;
	(pc) =	sbr.rel @p0 .LBB2_1-.Ltmp4, $4  }
0x2db: {  	[sflag:s21] =	ssyncadd.s32 $0xFFFFE000  }
0x2dc: {  	_ =	swait.ge [sflag:s22], $0x2000  }
0x2dd: {  	[sflag:s22] =	ssyncset.done $0x0  }
0x2de: {  	[sflag:s22] =	ssyncadd.s32 $0xFFFFE000  }
0x2df: {  	_ =	sfence.sel $0x180000  }
0x2e0: {  	[bflag:$0x0] =	sbarrier.arrive $0xFFFF  }
0x2e1: {  	p0 =	sne.s32 s0, $0x0;
	_ =	strace $0x90000047  }
0x2e2: {  	s0 =	sadd.s32 @!p0 $0x100000, s1;
	[bflag:$0x2] =	sbarrier.arrive $0xFFFF  }
0x2e3: {  	[sflag:s0] =	ssyncadd.tile.s32 @!p0 $0x1;
	_ =	shalt  }
.Lfunc_end2:
_tile_overlayer_lowered:
.L_overlay_start_2:
0x2e4: {  	(tag) =	ssettag $0x2  }
0x2e5: {  	s0 =	rddreg [dreg:$0x0];
	s2 =	stileid.u32  }
0x2e6: {  	s1 =	rddreg [dreg:$0x1];
	p0 =	sne.s32 s2, $0x0  }
0x2e7: {  	s3 =	rddreg [dreg:$0x2];
	[bflag:$0x3] =	sbarrier.arrive $0xFFFF;
	s2 =	simm.s32 @!p0 $0x1C03  }
0x2e8: {  	[timem:s3], [sflag:s2] =	dma.local @!p0 [hbm:s0], s1  }
0x2e9: {  	s0 =	simm.s32 @!p0 $0x3  }
0x2ea: {  	_ =	swait.ge @!p0 [sflag:s0], s1  }
0x2eb: {  	s1 =	ssub.s32 @!p0 $0x0, s1;
	[sflag:s0] =	ssyncset.done @!p0 $0x0  }
0x2ec: {  	[sflag:s0] =	ssyncadd.s32 @!p0 s1  }
0x2ed: {  	[bflag:$0x3] =	sbarrier.arrive $0xFFFF  }
0x2ee: {  	_ =	shalt  }

</sc_bundles>
